<compile_context>
chip_gen: v7x
topology: tpu7x:2x2x1
jax: 0.10.2.dev20260603
libtpu: 0.0.44.dev20260713+nightly
codegen_flags: <defaults>
</compile_context>

<pallas_src>
import jax
import jax.numpy as jnp
from jax import lax
from jax.experimental import pallas as pl
from jax.experimental.pallas import tpu as pltpu
from jax.experimental.pallas import tpu_sc as plsc

N = 10000
E = 160000
D = 256
H = D // 2
NC = 2
NS = 16
R = 1000
NB = N // R
RPW = 624
TAIL = N - NS * RPW
CH = 100
NCHUNK = (E // NS) // CH
NBUF = 3
CHP = 100
NCHUNKP = (E // (NC * NS)) // CHP

_F32 = jnp.float32



def _p2_body(d0_ref, d1_ref, dis_ref):
    deg = d0_ref[:, :16] + d1_ref[:, :16] + 1.0
    dis_ref[...] = lax.rsqrt(deg)


def _a1_body(x_ref, w_ref, dis_ref, g_ref):
    dis = dis_ref[:, 0:1]
    h = jnp.dot(x_ref[...], w_ref[...], preferred_element_type=_F32) * dis
    g_ref[0] = h[:, :H]
    g_ref[1] = h[:, H:]


def _a23_body(a0_ref, a1_ref, dis_ref, b_ref, w_ref, g_ref):
    dis = dis_ref[:, 0:1]
    acc = jnp.concatenate([a0_ref[...], a1_ref[...]], axis=1)
    xin = jnp.maximum(acc * dis + b_ref[...], 0.0)
    h = jnp.dot(xin, w_ref[...], preferred_element_type=_F32) * dis
    g_ref[0] = h[:, :H]
    g_ref[1] = h[:, H:]


def _c3_body(a0_ref, a1_ref, dis_ref, b_ref, y_ref):
    dis = dis_ref[:, 0:1]
    acc = jnp.concatenate([a0_ref[...], a1_ref[...]], axis=1)
    y_ref[...] = acc * dis + b_ref[...]


_dis_spec = pl.BlockSpec((R, 16), lambda i: (i, 0))
_acc_spec = pl.BlockSpec((R, H), lambda i: (i, 0))
_acc_spec_hi = pl.BlockSpec((R, H), lambda i: (i + NB, 0))
_w_spec = pl.BlockSpec((D, D), lambda i: (0, 0))
_b_spec = pl.BlockSpec((1, D), lambda i: (0, 0))
_g_out_spec = pl.BlockSpec((NC, R, H), lambda i: (0, i, 0))
_g_out_shape = jax.ShapeDtypeStruct((NC, N, H), _F32)

_p2 = pl.pallas_call(
    _p2_body,
    grid=(NB,),
    in_specs=[pl.BlockSpec((R, H), lambda i: (i, 0)),
              pl.BlockSpec((R, H), lambda i: (i + NB, 0))],
    out_specs=pl.BlockSpec((R, 16), lambda i: (i, 0)),
    out_shape=jax.ShapeDtypeStruct((N, 16), _F32),
)

_a1 = pl.pallas_call(
    _a1_body,
    grid=(NB,),
    in_specs=[pl.BlockSpec((R, D), lambda i: (i, 0)), _w_spec, _dis_spec],
    out_specs=_g_out_spec,
    out_shape=_g_out_shape,
)

_a23 = pl.pallas_call(
    _a23_body,
    grid=(NB,),
    in_specs=[_acc_spec, _acc_spec_hi, _dis_spec, _b_spec, _w_spec],
    out_specs=_g_out_spec,
    out_shape=_g_out_shape,
)

_c3 = pl.pallas_call(
    _c3_body,
    grid=(NB,),
    in_specs=[_acc_spec, _acc_spec_hi, _dis_spec, _b_spec],
    out_specs=pl.BlockSpec((R, D), lambda i: (i, 0)),
    out_shape=jax.ShapeDtypeStruct((N, D), _F32),
)



_mesh = plsc.VectorSubcoreMesh(
    core_axis_name="c", subcore_axis_name="s", num_cores=NC, num_subcores=NS)


def _rows_copy(src_ref, dst_ref, s, src_base=0, dst_base=0, add=False):
    r0 = s * RPW
    pltpu.sync_copy(src_ref.at[pl.ds(pl.multiple_of(src_base + r0, 8), RPW)],
                    dst_ref.at[pl.ds(pl.multiple_of(dst_base + r0, 8), RPW)],
                    add=add)

    @pl.when(s == NS - 1)
    def _():
        t0 = NS * RPW
        pltpu.sync_copy(
            src_ref.at[pl.ds(pl.multiple_of(src_base + t0, 8), TAIL)],
            dst_ref.at[pl.ds(pl.multiple_of(dst_base + t0, 8), TAIL)],
            add=add)


def _deg_body(dstp_ref, zeros_ref, ones_ref, deg_ref,
              acc_sh, dst_v, ones_v):
    c = lax.axis_index("c")
    s = lax.axis_index("s")
    w = c * NS + s
    pltpu.sync_copy(dstp_ref.at[w], dst_v)
    pltpu.sync_copy(ones_ref, ones_v)
    _rows_copy(zeros_ref, acc_sh, s)
    plsc.subcore_barrier()

    def chunk(j, carry):
        pltpu.sync_copy(ones_v, acc_sh.at[dst_v.at[j]], add=True)
        return carry

    lax.fori_loop(0, NCHUNKP, chunk, 0)
    plsc.subcore_barrier()
    _rows_copy(acc_sh, deg_ref, s, dst_base=c * N)


_deg_call = pl.kernel(
    _deg_body,
    out_type=jax.ShapeDtypeStruct((NC * N, H), _F32),
    mesh=_mesh,
    scratch_types=[
        pltpu.VMEM_SHARED((N, H), _F32),
        pltpu.VMEM((NCHUNKP, CHP), jnp.int32),
        pltpu.VMEM((CHP, H), _F32),
    ],
)


def _prop_body(g_ref, srcw_ref, dstw_ref, acc_ref,
               acc_sh, src_w, dst_w, buf, sem_g, sem_i, sem_s):
    c = lax.axis_index("c")
    s = lax.axis_index("s")
    sb = (c * NS + s) * NCHUNK
    db = s * NCHUNK
    base = c * N
    _rows_copy(g_ref, acc_sh, s, src_base=base)
    pltpu.sync_copy(srcw_ref.at[sb], src_w.at[0])
    pltpu.sync_copy(dstw_ref.at[db], dst_w.at[0])
    plsc.subcore_barrier()
    pltpu.async_copy(g_ref.at[src_w.at[0, 0]], buf.at[0], sem_g)
    pltpu.async_copy(srcw_ref.at[sb + 1], src_w.at[1], sem_i)
    pltpu.async_copy(dstw_ref.at[db + 1], dst_w.at[1], sem_i)

    def chunk(j, carry):
        jm = lax.rem(j, NBUF)
        jn = lax.rem(j + 1, NBUF)
        jp = lax.rem(j + 2, NBUF)
        pltpu.make_async_copy(g_ref.at[src_w.at[jm, 0]], buf.at[jm],
                              sem_g).wait()
        pltpu.async_copy(buf.at[jm], acc_sh.at[dst_w.at[jm, 0]], sem_s,
                         add=True)

        @pl.when(j >= 1)
        def _():
            jo = lax.rem(j + 2, NBUF)
            pltpu.make_async_copy(buf.at[jo], acc_sh.at[dst_w.at[jo, 0]],
                                  sem_s).wait()

        @pl.when(j + 1 < NCHUNK)
        def _():
            pltpu.make_async_copy(srcw_ref.at[sb + j + 1], src_w.at[jn],
                                  sem_i).wait()
            pltpu.make_async_copy(dstw_ref.at[db + j + 1], dst_w.at[jn],
                                  sem_i).wait()
            pltpu.async_copy(g_ref.at[src_w.at[jn, 0]], buf.at[jn], sem_g)

        @pl.when(j + 2 < NCHUNK)
        def _():
            pltpu.async_copy(srcw_ref.at[sb + j + 2], src_w.at[jp], sem_i)
            pltpu.async_copy(dstw_ref.at[db + j + 2], dst_w.at[jp], sem_i)

        return carry

    lax.fori_loop(0, NCHUNK, chunk, 0)
    jl = (NCHUNK - 1) % NBUF
    pltpu.make_async_copy(buf.at[jl], acc_sh.at[dst_w.at[jl, 0]],
                          sem_s).wait()
    plsc.subcore_barrier()
    _rows_copy(acc_sh, acc_ref, s, dst_base=base)


_prop = pl.kernel(
    _prop_body,
    out_type=jax.ShapeDtypeStruct((NC * N, H), _F32),
    mesh=_mesh,
    scratch_types=[
        pltpu.VMEM_SHARED((N, H), _F32),
        pltpu.VMEM((NBUF, 1, CH), jnp.int32),
        pltpu.VMEM((NBUF, 1, CH), jnp.int32),
        pltpu.VMEM((NBUF, CH, H), _F32),
        pltpu.SemaphoreType.DMA,
        pltpu.SemaphoreType.DMA,
        pltpu.SemaphoreType.DMA,
    ],
)



def kernel(x, edge_index, W1, b1, W2, b2, W3, b3):
    src = edge_index[0]
    dst = edge_index[1]
    dstp_deg = dst.reshape(NC * NS, NCHUNKP, CHP)
    src_lo = src.reshape(NS, NCHUNK, CH)
    srcw = jnp.concatenate([src_lo, src_lo + N],
                           axis=0).reshape(NC * NS * NCHUNK, 1, CH)
    dstw = dst.reshape(NS * NCHUNK, 1, CH)
    zerosw = jnp.zeros((N, H), _F32)
    onesw = jnp.ones((CHP, H), _F32)

    degw = _deg_call(dstp_deg, zerosw, onesw)
    dis = _p2(degw, degw)
    g = _a1(x, W1, dis).reshape(NC * N, H)
    acc = _prop(g, srcw, dstw)
    g = _a23(acc, acc, dis, b1.reshape(1, D), W2).reshape(NC * N, H)
    acc = _prop(g, srcw, dstw)
    g = _a23(acc, acc, dis, b2.reshape(1, D), W3).reshape(NC * N, H)
    acc = _prop(g, srcw, dstw)
    return _c3(acc, acc, dis, b3.reshape(1, D))

# --- scband reference (transcript-rebuilt; emitter-appended) ---
"""Pipeline reference for scband-gcn-43550968382058 (READ-ONLY COPY).

The authoritative reference and input builder live on the scoring server;
editing this copy changes nothing except your own understanding.
"""

import jax, jax.numpy as jnp
import numpy as np

N = 10000
E = 160000
IN_DIM = 256
HID_DIM = 256
OUT_DIM = 256


def _glorot(key, fan_in, fan_out):
    limit = np.sqrt(6.0 / (fan_in + fan_out))
    return jax.random.uniform(key, (fan_in, fan_out), dtype=jnp.float32, minval=-limit, maxval=limit)


def setup_inputs(seed: int = 0) -> dict:
    key = jax.random.key(seed)
    ks = jax.random.split(key, 8)
    x = jax.random.normal(ks[0], (N, IN_DIM), dtype=jnp.float32)
    edge_index = jax.random.randint(ks[1], (2, E), 0, N, dtype=jnp.int32)
    W1 = _glorot(ks[2], IN_DIM, HID_DIM)
    b1 = jnp.zeros((HID_DIM,), dtype=jnp.float32)
    W2 = _glorot(ks[3], HID_DIM, HID_DIM)
    b2 = jnp.zeros((HID_DIM,), dtype=jnp.float32)
    W3 = _glorot(ks[4], HID_DIM, OUT_DIM)
    b3 = jnp.zeros((OUT_DIM,), dtype=jnp.float32)
    return {"x": x, "edge_index": edge_index, "W1": W1, "b1": b1, "W2": W2, "b2": b2, "W3": W3, "b3": b3}


def _gcn_conv(x, edge_index, W, b):
    # Faithful GCNConv: add self-loops, symmetric degree normalization,
    # linear transform, scatter-add aggregation, bias.
    num_nodes = x.shape[0]
    loop = jnp.arange(num_nodes, dtype=edge_index.dtype)
    src = jnp.concatenate([edge_index[0], loop])
    dst = jnp.concatenate([edge_index[1], loop])
    deg = jnp.zeros((num_nodes,), dtype=jnp.float32).at[dst].add(1.0)
    deg_inv_sqrt = jnp.where(deg > 0, jax.lax.rsqrt(jnp.maximum(deg, 1e-12)), 0.0)
    norm = deg_inv_sqrt[src] * deg_inv_sqrt[dst]
    h = x @ W
    msg = h[src] * norm[:, None]
    out = jnp.zeros((num_nodes, h.shape[1]), dtype=h.dtype).at[dst].add(msg)
    return out + b


def reference(x, edge_index, W1, b1, W2, b2, W3, b3):
    x1 = jax.nn.relu(_gcn_conv(x, edge_index, W1, b1))
    x2 = jax.nn.relu(_gcn_conv(x1, edge_index, W2, b2))
    x3 = _gcn_conv(x2, edge_index, W3, b3)
    return x3

if __name__ == "__main__":
    import jax
    _d = setup_inputs()
    print(jax.jit(kernel)(*tuple(_d.values())))

</pallas_src>

<mosaic_0001>
#map = affine_map<(d0, d1) -> (0, 0, 0)>
#map1 = affine_map<(d0, d1) -> (0, 0)>
module attributes {stable_mosaic.version = 14 : i64} {
  func.func @_deg_body(%arg0: i32, %arg1: i32, %arg2: memref<32x50x100xi32, #tpu.memory_space<hbm>>, %arg3: memref<10000x128xf32, #tpu.memory_space<hbm>>, %arg4: memref<100x128xf32, #tpu.memory_space<hbm>>, %arg5: memref<20000x128xf32, #tpu.memory_space<hbm>>, %arg6: memref<10000x128xf32, #tpu.memory_space<vmem_shared>>, %arg7: memref<50x100xi32, #tpu.memory_space<vmem>>, %arg8: memref<100x128xf32, #tpu.memory_space<vmem>>) attributes {dimension_semantics = [#tpu.dimension_semantics<core_parallel>, #tpu.dimension_semantics<subcore_parallel>], iteration_bounds = array<i64: 2, 16>, scalar_prefetch = 0 : i64, scratch_operands = 3 : i64, tpu.core_type = #tpu.core_type<sc_vector_subcore>, window_params = [{transform_indices = #map}, {transform_indices = #map1}, {transform_indices = #map1}, {transform_indices = #map1}]} {
    %mul3A = arith.constant 16 : i32
    %mul3A_0 = arith.muli %arg0, %mul3A : i32
    %add3A = arith.addi %mul3A_0, %arg1 : i32
    "tpu.region"() ({
      %run_scoped3A = tpu.sem_alloc : memref<!tpu.dma_semaphore, #tpu.memory_space<semaphore_mem>>
      %dma_start3A = arith.constant 0 : i32
      %dma_start3A_30 = arith.constant 0 : i32
      %dma_start3A_31 = tpu.memref_slice %arg2[%add3A, %dma_start3A, %dma_start3A_30] : memref<32x50x100xi32, #tpu.memory_space<hbm>> -> memref<1x50x100xi32, #tpu.memory_space<hbm>>
      %dma_start3A_32 = tpu.memref_squeeze %dma_start3A_31 : memref<1x50x100xi32, #tpu.memory_space<hbm>> -> memref<50x100xi32, #tpu.memory_space<hbm>>
      %dma_start3A_33 = arith.constant 0 : i32
      %dma_start3A_34 = arith.constant 0 : i32
      %dma_start3A_35 = tpu.memref_slice %arg2[%add3A, %dma_start3A_33, %dma_start3A_34] : memref<32x50x100xi32, #tpu.memory_space<hbm>> -> memref<1x50x100xi32, #tpu.memory_space<hbm>>
      %dma_start3A_36 = tpu.memref_squeeze %dma_start3A_35 : memref<1x50x100xi32, #tpu.memory_space<hbm>> -> memref<50x100xi32, #tpu.memory_space<hbm>>
      tpu.enqueue_dma source(%dma_start3A_36 : memref<50x100xi32, #tpu.memory_space<hbm>>) target(%arg7 : memref<50x100xi32, #tpu.memory_space<vmem>>) target_semaphore(%run_scoped3A : memref<!tpu.dma_semaphore, #tpu.memory_space<semaphore_mem>>)
      %dma_wait3A = arith.constant 0 : i32
      %dma_wait3A_37 = arith.constant 0 : i32
      %dma_wait3A_38 = tpu.memref_slice %arg2[%add3A, %dma_wait3A, %dma_wait3A_37] : memref<32x50x100xi32, #tpu.memory_space<hbm>> -> memref<1x50x100xi32, #tpu.memory_space<hbm>>
      %dma_wait3A_39 = tpu.memref_squeeze %dma_wait3A_38 : memref<1x50x100xi32, #tpu.memory_space<hbm>> -> memref<50x100xi32, #tpu.memory_space<hbm>>
      %dma_wait3A_40 = arith.constant 0 : i32
      %dma_wait3A_41 = arith.constant 0 : i32
      %dma_wait3A_42 = tpu.memref_slice %arg2[%add3A, %dma_wait3A_40, %dma_wait3A_41] : memref<32x50x100xi32, #tpu.memory_space<hbm>> -> memref<1x50x100xi32, #tpu.memory_space<hbm>>
      %dma_wait3A_43 = tpu.memref_squeeze %dma_wait3A_42 : memref<1x50x100xi32, #tpu.memory_space<hbm>> -> memref<50x100xi32, #tpu.memory_space<hbm>>
      tpu.wait_dma2 semaphore(%run_scoped3A : memref<!tpu.dma_semaphore, #tpu.memory_space<semaphore_mem>>) src(%dma_wait3A_43 : memref<50x100xi32, #tpu.memory_space<hbm>>) dst(%arg7 : memref<50x100xi32, #tpu.memory_space<vmem>>)
      tpu.yield
    }) : () -> ()
    "tpu.region"() ({
      %run_scoped3A = tpu.sem_alloc : memref<!tpu.dma_semaphore, #tpu.memory_space<semaphore_mem>>
      tpu.enqueue_dma source(%arg4 : memref<100x128xf32, #tpu.memory_space<hbm>>) target(%arg8 : memref<100x128xf32, #tpu.memory_space<vmem>>) target_semaphore(%run_scoped3A : memref<!tpu.dma_semaphore, #tpu.memory_space<semaphore_mem>>)
      tpu.wait_dma2 semaphore(%run_scoped3A : memref<!tpu.dma_semaphore, #tpu.memory_space<semaphore_mem>>) src(%arg4 : memref<100x128xf32, #tpu.memory_space<hbm>>) dst(%arg8 : memref<100x128xf32, #tpu.memory_space<vmem>>)
      tpu.yield
    }) : () -> ()
    %mul3A_1 = arith.constant 624 : i32
    %mul3A_2 = arith.muli %arg1, %mul3A_1 : i32
    %add3A_3 = arith.constant 0 : i32
    %add3A_4 = arith.addi %add3A_3, %mul3A_2 : i32
    %multiple_of3A = tpu.assume_multiple %add3A_4, 8 : i32
    %add3A_5 = arith.constant 0 : i32
    %add3A_6 = arith.addi %add3A_5, %mul3A_2 : i32
    %multiple_of3A_7 = tpu.assume_multiple %add3A_6, 8 : i32
    "tpu.region"() ({
      %run_scoped3A = tpu.sem_alloc : memref<!tpu.dma_semaphore, #tpu.memory_space<semaphore_mem>>
      %dma_start3A = arith.constant 0 : i32
      %dma_start3A_30 = tpu.memref_slice %arg6[%multiple_of3A_7, %dma_start3A] : memref<10000x128xf32, #tpu.memory_space<vmem_shared>> -> memref<624x128xf32, #tpu.memory_space<vmem_shared>>
      %dma_start3A_31 = arith.constant 0 : i32
      %dma_start3A_32 = tpu.memref_slice %arg3[%multiple_of3A, %dma_start3A_31] : memref<10000x128xf32, #tpu.memory_space<hbm>> -> memref<624x128xf32, #tpu.memory_space<hbm>>
      tpu.enqueue_dma source(%dma_start3A_32 : memref<624x128xf32, #tpu.memory_space<hbm>>) target(%dma_start3A_30 : memref<624x128xf32, #tpu.memory_space<vmem_shared>>) target_semaphore(%run_scoped3A : memref<!tpu.dma_semaphore, #tpu.memory_space<semaphore_mem>>)
      %dma_wait3A = arith.constant 0 : i32
      %dma_wait3A_33 = tpu.memref_slice %arg6[%multiple_of3A_7, %dma_wait3A] : memref<10000x128xf32, #tpu.memory_space<vmem_shared>> -> memref<624x128xf32, #tpu.memory_space<vmem_shared>>
      %dma_wait3A_34 = arith.constant 0 : i32
      %dma_wait3A_35 = tpu.memref_slice %arg3[%multiple_of3A, %dma_wait3A_34] : memref<10000x128xf32, #tpu.memory_space<hbm>> -> memref<624x128xf32, #tpu.memory_space<hbm>>
      tpu.wait_dma2 semaphore(%run_scoped3A : memref<!tpu.dma_semaphore, #tpu.memory_space<semaphore_mem>>) src(%dma_wait3A_35 : memref<624x128xf32, #tpu.memory_space<hbm>>) dst(%dma_wait3A_33 : memref<624x128xf32, #tpu.memory_space<vmem_shared>>)
      tpu.yield
    }) : () -> ()
    %eq3A = arith.constant 15 : i32
    %eq3A_8 = arith.cmpi eq, %arg1, %eq3A : i32
    %convert_element_type3A = arith.extui %eq3A_8 : i1 to i32
    %cond3A = arith.constant 0 : i32
    %cond3A_9 = arith.cmpi ne, %convert_element_type3A, %cond3A : i32
    scf.if %cond3A_9 {
      %multiple_of3A_30 = arith.constant 9984 : i32
      %multiple_of3A_31 = tpu.assume_multiple %multiple_of3A_30, 8 : i32
      %multiple_of3A_32 = arith.constant 9984 : i32
      %multiple_of3A_33 = tpu.assume_multiple %multiple_of3A_32, 8 : i32
      "tpu.region"() ({
        %run_scoped3A = tpu.sem_alloc : memref<!tpu.dma_semaphore, #tpu.memory_space<semaphore_mem>>
        %dma_start3A = arith.constant 0 : i32
        %dma_start3A_34 = tpu.memref_slice %arg6[%multiple_of3A_33, %dma_start3A] : memref<10000x128xf32, #tpu.memory_space<vmem_shared>> -> memref<16x128xf32, #tpu.memory_space<vmem_shared>>
        %dma_start3A_35 = arith.constant 0 : i32
        %dma_start3A_36 = tpu.memref_slice %arg3[%multiple_of3A_31, %dma_start3A_35] : memref<10000x128xf32, #tpu.memory_space<hbm>> -> memref<16x128xf32, #tpu.memory_space<hbm>>
        tpu.enqueue_dma source(%dma_start3A_36 : memref<16x128xf32, #tpu.memory_space<hbm>>) target(%dma_start3A_34 : memref<16x128xf32, #tpu.memory_space<vmem_shared>>) target_semaphore(%run_scoped3A : memref<!tpu.dma_semaphore, #tpu.memory_space<semaphore_mem>>)
        %dma_wait3A = arith.constant 0 : i32
        %dma_wait3A_37 = tpu.memref_slice %arg6[%multiple_of3A_33, %dma_wait3A] : memref<10000x128xf32, #tpu.memory_space<vmem_shared>> -> memref<16x128xf32, #tpu.memory_space<vmem_shared>>
        %dma_wait3A_38 = arith.constant 0 : i32
        %dma_wait3A_39 = tpu.memref_slice %arg3[%multiple_of3A_31, %dma_wait3A_38] : memref<10000x128xf32, #tpu.memory_space<hbm>> -> memref<16x128xf32, #tpu.memory_space<hbm>>
        tpu.wait_dma2 semaphore(%run_scoped3A : memref<!tpu.dma_semaphore, #tpu.memory_space<semaphore_mem>>) src(%dma_wait3A_39 : memref<16x128xf32, #tpu.memory_space<hbm>>) dst(%dma_wait3A_37 : memref<16x128xf32, #tpu.memory_space<vmem_shared>>)
        tpu.yield
      }) : () -> ()
    } else {
    }
    %barrier3A = arith.constant 0 : index
    tpu.barrier barrier_id(%barrier3A)
    %scan3A = arith.constant 0 : i32
    %scan3A_10 = arith.constant 0 : i32
    %scan3A_11 = arith.constant 50 : i32
    %scan3A_12 = arith.addi %scan3A_10, %scan3A_11 : i32
    %scan3A_13 = arith.constant 1 : i32
    scf.for %scan3A_30 = %scan3A_10 to %scan3A_12 step %scan3A_13  : i32 {
      "tpu.region"() ({
        %run_scoped3A = tpu.sem_alloc : memref<!tpu.dma_semaphore, #tpu.memory_space<semaphore_mem>>
        %dma_start3A = arith.constant 0 : i32
        %dma_start3A_31 = tpu.memref_slice %arg7[%scan3A_30, %dma_start3A] : memref<50x100xi32, #tpu.memory_space<vmem>> -> memref<1x100xi32, #tpu.memory_space<vmem>>
        %dma_start3A_32 = tpu.memref_squeeze %dma_start3A_31 : memref<1x100xi32, #tpu.memory_space<vmem>> -> memref<100xi32, #tpu.memory_space<vmem>>
        %dma_start3A_33 = arith.constant 0 : i32
        %dma_start3A_34 = arith.constant 0 : i32
        %dma_start3A_35 = tpu.memref_slice %arg6[%dma_start3A_33, %dma_start3A_34] : memref<10000x128xf32, #tpu.memory_space<vmem_shared>> -> memref<10000x128xf32, #tpu.memory_space<vmem_shared>>
        tpu.enqueue_indirect_dma source(%arg8 : memref<100x128xf32, #tpu.memory_space<vmem>>) target(%dma_start3A_35 : memref<10000x128xf32, #tpu.memory_space<vmem_shared>>) offsets(%dma_start3A_32 : memref<100xi32, #tpu.memory_space<vmem>>) semaphore(%run_scoped3A : memref<!tpu.dma_semaphore, #tpu.memory_space<semaphore_mem>>) {add = true}
        %dma_wait3A = arith.constant 0 : i32
        %dma_wait3A_36 = tpu.memref_slice %arg7[%scan3A_30, %dma_wait3A] : memref<50x100xi32, #tpu.memory_space<vmem>> -> memref<1x100xi32, #tpu.memory_space<vmem>>
        %dma_wait3A_37 = tpu.memref_squeeze %dma_wait3A_36 : memref<1x100xi32, #tpu.memory_space<vmem>> -> memref<100xi32, #tpu.memory_space<vmem>>
        %dma_wait3A_38 = arith.constant 0 : i32
        %dma_wait3A_39 = arith.constant 0 : i32
        %dma_wait3A_40 = tpu.memref_slice %arg6[%dma_wait3A_38, %dma_wait3A_39] : memref<10000x128xf32, #tpu.memory_space<vmem_shared>> -> memref<10000x128xf32, #tpu.memory_space<vmem_shared>>
        tpu.wait_indirect_dma semaphore(%run_scoped3A : memref<!tpu.dma_semaphore, #tpu.memory_space<semaphore_mem>>) src(%arg8 : memref<100x128xf32, #tpu.memory_space<vmem>>) dst(%dma_wait3A_40 : memref<10000x128xf32, #tpu.memory_space<vmem_shared>>)
        tpu.yield
      }) : () -> ()
    }
    %scan3A_14 = arith.constant 50 : i32
    %barrier3A_15 = arith.constant 0 : index
    tpu.barrier barrier_id(%barrier3A_15)
    %mul3A_16 = arith.constant 10000 : i32
    %mul3A_17 = arith.muli %arg0, %mul3A_16 : i32
    %mul3A_18 = arith.constant 624 : i32
    %mul3A_19 = arith.muli %arg1, %mul3A_18 : i32
    %add3A_20 = arith.constant 0 : i32
    %add3A_21 = arith.addi %add3A_20, %mul3A_19 : i32
    %multiple_of3A_22 = tpu.assume_multiple %add3A_21, 8 : i32
    %add3A_23 = arith.addi %mul3A_17, %mul3A_19 : i32
    %multiple_of3A_24 = tpu.assume_multiple %add3A_23, 8 : i32
    "tpu.region"() ({
      %run_scoped3A = tpu.sem_alloc : memref<!tpu.dma_semaphore, #tpu.memory_space<semaphore_mem>>
      %dma_start3A = arith.constant 0 : i32
      %dma_start3A_30 = tpu.memref_slice %arg5[%multiple_of3A_24, %dma_start3A] : memref<20000x128xf32, #tpu.memory_space<hbm>> -> memref<624x128xf32, #tpu.memory_space<hbm>>
      %dma_start3A_31 = arith.constant 0 : i32
      %dma_start3A_32 = tpu.memref_slice %arg6[%multiple_of3A_22, %dma_start3A_31] : memref<10000x128xf32, #tpu.memory_space<vmem_shared>> -> memref<624x128xf32, #tpu.memory_space<vmem_shared>>
      tpu.enqueue_dma source(%dma_start3A_32 : memref<624x128xf32, #tpu.memory_space<vmem_shared>>) target(%dma_start3A_30 : memref<624x128xf32, #tpu.memory_space<hbm>>) target_semaphore(%run_scoped3A : memref<!tpu.dma_semaphore, #tpu.memory_space<semaphore_mem>>)
      %dma_wait3A = arith.constant 0 : i32
      %dma_wait3A_33 = tpu.memref_slice %arg5[%multiple_of3A_24, %dma_wait3A] : memref<20000x128xf32, #tpu.memory_space<hbm>> -> memref<624x128xf32, #tpu.memory_space<hbm>>
      %dma_wait3A_34 = arith.constant 0 : i32
      %dma_wait3A_35 = tpu.memref_slice %arg6[%multiple_of3A_22, %dma_wait3A_34] : memref<10000x128xf32, #tpu.memory_space<vmem_shared>> -> memref<624x128xf32, #tpu.memory_space<vmem_shared>>
      tpu.wait_dma2 semaphore(%run_scoped3A : memref<!tpu.dma_semaphore, #tpu.memory_space<semaphore_mem>>) src(%dma_wait3A_35 : memref<624x128xf32, #tpu.memory_space<vmem_shared>>) dst(%dma_wait3A_33 : memref<624x128xf32, #tpu.memory_space<hbm>>)
      tpu.yield
    }) : () -> ()
    %eq3A_25 = arith.constant 15 : i32
    %eq3A_26 = arith.cmpi eq, %arg1, %eq3A_25 : i32
    %convert_element_type3A_27 = arith.extui %eq3A_26 : i1 to i32
    %cond3A_28 = arith.constant 0 : i32
    %cond3A_29 = arith.cmpi ne, %convert_element_type3A_27, %cond3A_28 : i32
    scf.if %cond3A_29 {
      %multiple_of3A_30 = arith.constant 9984 : i32
      %multiple_of3A_31 = tpu.assume_multiple %multiple_of3A_30, 8 : i32
      %add3A_32 = arith.constant 9984 : i32
      %add3A_33 = arith.addi %mul3A_17, %add3A_32 : i32
      %multiple_of3A_34 = tpu.assume_multiple %add3A_33, 8 : i32
      "tpu.region"() ({
        %run_scoped3A = tpu.sem_alloc : memref<!tpu.dma_semaphore, #tpu.memory_space<semaphore_mem>>
        %dma_start3A = arith.constant 0 : i32
        %dma_start3A_35 = tpu.memref_slice %arg5[%multiple_of3A_34, %dma_start3A] : memref<20000x128xf32, #tpu.memory_space<hbm>> -> memref<16x128xf32, #tpu.memory_space<hbm>>
        %dma_start3A_36 = arith.constant 0 : i32
        %dma_start3A_37 = tpu.memref_slice %arg6[%multiple_of3A_31, %dma_start3A_36] : memref<10000x128xf32, #tpu.memory_space<vmem_shared>> -> memref<16x128xf32, #tpu.memory_space<vmem_shared>>
        tpu.enqueue_dma source(%dma_start3A_37 : memref<16x128xf32, #tpu.memory_space<vmem_shared>>) target(%dma_start3A_35 : memref<16x128xf32, #tpu.memory_space<hbm>>) target_semaphore(%run_scoped3A : memref<!tpu.dma_semaphore, #tpu.memory_space<semaphore_mem>>)
        %dma_wait3A = arith.constant 0 : i32
        %dma_wait3A_38 = tpu.memref_slice %arg5[%multiple_of3A_34, %dma_wait3A] : memref<20000x128xf32, #tpu.memory_space<hbm>> -> memref<16x128xf32, #tpu.memory_space<hbm>>
        %dma_wait3A_39 = arith.constant 0 : i32
        %dma_wait3A_40 = tpu.memref_slice %arg6[%multiple_of3A_31, %dma_wait3A_39] : memref<10000x128xf32, #tpu.memory_space<vmem_shared>> -> memref<16x128xf32, #tpu.memory_space<vmem_shared>>
        tpu.wait_dma2 semaphore(%run_scoped3A : memref<!tpu.dma_semaphore, #tpu.memory_space<semaphore_mem>>) src(%dma_wait3A_40 : memref<16x128xf32, #tpu.memory_space<vmem_shared>>) dst(%dma_wait3A_38 : memref<16x128xf32, #tpu.memory_space<hbm>>)
        tpu.yield
      }) : () -> ()
    } else {
    }
    return
  }
}

#map = affine_map<(d0, d1) -> (0, 0)>
#map1 = affine_map<(d0, d1) -> (0, 0, 0)>
module attributes {stable_mosaic.version = 14 : i64} {
  func.func @_prop_body(%arg0: i32, %arg1: i32, %arg2: memref<20000x128xf32, #tpu.memory_space<hbm>>, %arg3: memref<3200x1x100xi32, #tpu.memory_space<hbm>>, %arg4: memref<1600x1x100xi32, #tpu.memory_space<hbm>>, %arg5: memref<20000x128xf32, #tpu.memory_space<hbm>>, %arg6: memref<10000x128xf32, #tpu.memory_space<vmem_shared>>, %arg7: memref<3x1x100xi32, #tpu.memory_space<vmem>>, %arg8: memref<3x1x100xi32, #tpu.memory_space<vmem>>, %arg9: memref<3x100x128xf32, #tpu.memory_space<vmem>>, %arg10: memref<!tpu.dma_semaphore, #tpu.memory_space<semaphore_mem>>, %arg11: memref<!tpu.dma_semaphore, #tpu.memory_space<semaphore_mem>>, %arg12: memref<!tpu.dma_semaphore, #tpu.memory_space<semaphore_mem>>) attributes {dimension_semantics = [#tpu.dimension_semantics<core_parallel>, #tpu.dimension_semantics<subcore_parallel>], iteration_bounds = array<i64: 2, 16>, scalar_prefetch = 0 : i64, scratch_operands = 7 : i64, tpu.core_type = #tpu.core_type<sc_vector_subcore>, window_params = [{transform_indices = #map}, {transform_indices = #map1}, {transform_indices = #map1}, {transform_indices = #map}]} {
    %mul3A = arith.constant 16 : i32
    %mul3A_0 = arith.muli %arg0, %mul3A : i32
    %add3A = arith.addi %mul3A_0, %arg1 : i32
    %mul3A_1 = arith.constant 100 : i32
    %mul3A_2 = arith.muli %add3A, %mul3A_1 : i32
    %mul3A_3 = arith.constant 100 : i32
    %mul3A_4 = arith.muli %arg1, %mul3A_3 : i32
    %mul3A_5 = arith.constant 10000 : i32
    %mul3A_6 = arith.muli %arg0, %mul3A_5 : i32
    %mul3A_7 = arith.constant 624 : i32
    %mul3A_8 = arith.muli %arg1, %mul3A_7 : i32
    %add3A_9 = arith.addi %mul3A_6, %mul3A_8 : i32
    %multiple_of3A = tpu.assume_multiple %add3A_9, 8 : i32
    %add3A_10 = arith.constant 0 : i32
    %add3A_11 = arith.addi %add3A_10, %mul3A_8 : i32
    %multiple_of3A_12 = tpu.assume_multiple %add3A_11, 8 : i32
    "tpu.region"() ({
      %run_scoped3A_96 = tpu.sem_alloc : memref<!tpu.dma_semaphore, #tpu.memory_space<semaphore_mem>>
      %dma_start3A_97 = arith.constant 0 : i32
      %dma_start3A_98 = tpu.memref_slice %arg6[%multiple_of3A_12, %dma_start3A_97] : memref<10000x128xf32, #tpu.memory_space<vmem_shared>> -> memref<624x128xf32, #tpu.memory_space<vmem_shared>>
      %dma_start3A_99 = arith.constant 0 : i32
      %dma_start3A_100 = tpu.memref_slice %arg2[%multiple_of3A, %dma_start3A_99] : memref<20000x128xf32, #tpu.memory_space<hbm>> -> memref<624x128xf32, #tpu.memory_space<hbm>>
      tpu.enqueue_dma source(%dma_start3A_100 : memref<624x128xf32, #tpu.memory_space<hbm>>) target(%dma_start3A_98 : memref<624x128xf32, #tpu.memory_space<vmem_shared>>) target_semaphore(%run_scoped3A_96 : memref<!tpu.dma_semaphore, #tpu.memory_space<semaphore_mem>>)
      %dma_wait3A_101 = arith.constant 0 : i32
      %dma_wait3A_102 = tpu.memref_slice %arg6[%multiple_of3A_12, %dma_wait3A_101] : memref<10000x128xf32, #tpu.memory_space<vmem_shared>> -> memref<624x128xf32, #tpu.memory_space<vmem_shared>>
      %dma_wait3A_103 = arith.constant 0 : i32
      %dma_wait3A_104 = tpu.memref_slice %arg2[%multiple_of3A, %dma_wait3A_103] : memref<20000x128xf32, #tpu.memory_space<hbm>> -> memref<624x128xf32, #tpu.memory_space<hbm>>
      tpu.wait_dma2 semaphore(%run_scoped3A_96 : memref<!tpu.dma_semaphore, #tpu.memory_space<semaphore_mem>>) src(%dma_wait3A_104 : memref<624x128xf32, #tpu.memory_space<hbm>>) dst(%dma_wait3A_102 : memref<624x128xf32, #tpu.memory_space<vmem_shared>>)
      tpu.yield
    }) : () -> ()
    %eq3A = arith.constant 15 : i32
    %eq3A_13 = arith.cmpi eq, %arg1, %eq3A : i32
    %convert_element_type3A = arith.extui %eq3A_13 : i1 to i32
    %cond3A = arith.constant 0 : i32
    %cond3A_14 = arith.cmpi ne, %convert_element_type3A, %cond3A : i32
    scf.if %cond3A_14 {
      %add3A_96 = arith.constant 9984 : i32
      %add3A_97 = arith.addi %mul3A_6, %add3A_96 : i32
      %multiple_of3A_98 = tpu.assume_multiple %add3A_97, 8 : i32
      %multiple_of3A_99 = arith.constant 9984 : i32
      %multiple_of3A_100 = tpu.assume_multiple %multiple_of3A_99, 8 : i32
      "tpu.region"() ({
        %run_scoped3A_101 = tpu.sem_alloc : memref<!tpu.dma_semaphore, #tpu.memory_space<semaphore_mem>>
        %dma_start3A_102 = arith.constant 0 : i32
        %dma_start3A_103 = tpu.memref_slice %arg6[%multiple_of3A_100, %dma_start3A_102] : memref<10000x128xf32, #tpu.memory_space<vmem_shared>> -> memref<16x128xf32, #tpu.memory_space<vmem_shared>>
        %dma_start3A_104 = arith.constant 0 : i32
        %dma_start3A_105 = tpu.memref_slice %arg2[%multiple_of3A_98, %dma_start3A_104] : memref<20000x128xf32, #tpu.memory_space<hbm>> -> memref<16x128xf32, #tpu.memory_space<hbm>>
        tpu.enqueue_dma source(%dma_start3A_105 : memref<16x128xf32, #tpu.memory_space<hbm>>) target(%dma_start3A_103 : memref<16x128xf32, #tpu.memory_space<vmem_shared>>) target_semaphore(%run_scoped3A_101 : memref<!tpu.dma_semaphore, #tpu.memory_space<semaphore_mem>>)
        %dma_wait3A_106 = arith.constant 0 : i32
        %dma_wait3A_107 = tpu.memref_slice %arg6[%multiple_of3A_100, %dma_wait3A_106] : memref<10000x128xf32, #tpu.memory_space<vmem_shared>> -> memref<16x128xf32, #tpu.memory_space<vmem_shared>>
        %dma_wait3A_108 = arith.constant 0 : i32
        %dma_wait3A_109 = tpu.memref_slice %arg2[%multiple_of3A_98, %dma_wait3A_108] : memref<20000x128xf32, #tpu.memory_space<hbm>> -> memref<16x128xf32, #tpu.memory_space<hbm>>
        tpu.wait_dma2 semaphore(%run_scoped3A_101 : memref<!tpu.dma_semaphore, #tpu.memory_space<semaphore_mem>>) src(%dma_wait3A_109 : memref<16x128xf32, #tpu.memory_space<hbm>>) dst(%dma_wait3A_107 : memref<16x128xf32, #tpu.memory_space<vmem_shared>>)
        tpu.yield
      }) : () -> ()
    } else {
    }
    %run_scoped3A = arith.constant 0 : i32
    "tpu.region"() ({
      %run_scoped3A_96 = tpu.sem_alloc : memref<!tpu.dma_semaphore, #tpu.memory_space<semaphore_mem>>
      %dma_start3A_97 = arith.constant 0 : i32
      %dma_start3A_98 = arith.constant 0 : i32
      %dma_start3A_99 = tpu.memref_slice %arg7[%run_scoped3A, %dma_start3A_97, %dma_start3A_98] : memref<3x1x100xi32, #tpu.memory_space<vmem>> -> memref<1x1x100xi32, #tpu.memory_space<vmem>>
      %dma_start3A_100 = tpu.memref_squeeze %dma_start3A_99 : memref<1x1x100xi32, #tpu.memory_space<vmem>> -> memref<1x100xi32, #tpu.memory_space<vmem>>
      %dma_start3A_101 = arith.constant 0 : i32
      %dma_start3A_102 = arith.constant 0 : i32
      %dma_start3A_103 = tpu.memref_slice %arg3[%mul3A_2, %dma_start3A_101, %dma_start3A_102] : memref<3200x1x100xi32, #tpu.memory_space<hbm>> -> memref<1x1x100xi32, #tpu.memory_space<hbm>>
      %dma_start3A_104 = tpu.memref_squeeze %dma_start3A_103 : memref<1x1x100xi32, #tpu.memory_space<hbm>> -> memref<1x100xi32, #tpu.memory_space<hbm>>
      %dma_start3A_105 = arith.constant 0 : i32
      %dma_start3A_106 = arith.constant 0 : i32
      %dma_start3A_107 = tpu.memref_slice %arg7[%run_scoped3A, %dma_start3A_105, %dma_start3A_106] : memref<3x1x100xi32, #tpu.memory_space<vmem>> -> memref<1x1x100xi32, #tpu.memory_space<vmem>>
      %dma_start3A_108 = tpu.memref_squeeze %dma_start3A_107 : memref<1x1x100xi32, #tpu.memory_space<vmem>> -> memref<1x100xi32, #tpu.memory_space<vmem>>
      %dma_start3A_109 = arith.constant 0 : i32
      %dma_start3A_110 = arith.constant 0 : i32
      %dma_start3A_111 = tpu.memref_slice %arg3[%mul3A_2, %dma_start3A_109, %dma_start3A_110] : memref<3200x1x100xi32, #tpu.memory_space<hbm>> -> memref<1x1x100xi32, #tpu.memory_space<hbm>>
      %dma_start3A_112 = tpu.memref_squeeze %dma_start3A_111 : memref<1x1x100xi32, #tpu.memory_space<hbm>> -> memref<1x100xi32, #tpu.memory_space<hbm>>
      tpu.enqueue_dma source(%dma_start3A_112 : memref<1x100xi32, #tpu.memory_space<hbm>>) target(%dma_start3A_108 : memref<1x100xi32, #tpu.memory_space<vmem>>) target_semaphore(%run_scoped3A_96 : memref<!tpu.dma_semaphore, #tpu.memory_space<semaphore_mem>>)
      %dma_wait3A_113 = arith.constant 0 : i32
      %dma_wait3A_114 = arith.constant 0 : i32
      %dma_wait3A_115 = tpu.memref_slice %arg7[%run_scoped3A, %dma_wait3A_113, %dma_wait3A_114] : memref<3x1x100xi32, #tpu.memory_space<vmem>> -> memref<1x1x100xi32, #tpu.memory_space<vmem>>
      %dma_wait3A_116 = tpu.memref_squeeze %dma_wait3A_115 : memref<1x1x100xi32, #tpu.memory_space<vmem>> -> memref<1x100xi32, #tpu.memory_space<vmem>>
      %dma_wait3A_117 = arith.constant 0 : i32
      %dma_wait3A_118 = arith.constant 0 : i32
      %dma_wait3A_119 = tpu.memref_slice %arg3[%mul3A_2, %dma_wait3A_117, %dma_wait3A_118] : memref<3200x1x100xi32, #tpu.memory_space<hbm>> -> memref<1x1x100xi32, #tpu.memory_space<hbm>>
      %dma_wait3A_120 = tpu.memref_squeeze %dma_wait3A_119 : memref<1x1x100xi32, #tpu.memory_space<hbm>> -> memref<1x100xi32, #tpu.memory_space<hbm>>
      %dma_wait3A_121 = arith.constant 0 : i32
      %dma_wait3A_122 = arith.constant 0 : i32
      %dma_wait3A_123 = tpu.memref_slice %arg7[%run_scoped3A, %dma_wait3A_121, %dma_wait3A_122] : memref<3x1x100xi32, #tpu.memory_space<vmem>> -> memref<1x1x100xi32, #tpu.memory_space<vmem>>
      %dma_wait3A_124 = tpu.memref_squeeze %dma_wait3A_123 : memref<1x1x100xi32, #tpu.memory_space<vmem>> -> memref<1x100xi32, #tpu.memory_space<vmem>>
      %dma_wait3A_125 = arith.constant 0 : i32
      %dma_wait3A_126 = arith.constant 0 : i32
      %dma_wait3A_127 = tpu.memref_slice %arg3[%mul3A_2, %dma_wait3A_125, %dma_wait3A_126] : memref<3200x1x100xi32, #tpu.memory_space<hbm>> -> memref<1x1x100xi32, #tpu.memory_space<hbm>>
      %dma_wait3A_128 = tpu.memref_squeeze %dma_wait3A_127 : memref<1x1x100xi32, #tpu.memory_space<hbm>> -> memref<1x100xi32, #tpu.memory_space<hbm>>
      tpu.wait_dma2 semaphore(%run_scoped3A_96 : memref<!tpu.dma_semaphore, #tpu.memory_space<semaphore_mem>>) src(%dma_wait3A_128 : memref<1x100xi32, #tpu.memory_space<hbm>>) dst(%dma_wait3A_124 : memref<1x100xi32, #tpu.memory_space<vmem>>)
      tpu.yield
    }) : () -> ()
    %run_scoped3A_15 = arith.constant 0 : i32
    "tpu.region"() ({
      %run_scoped3A_96 = tpu.sem_alloc : memref<!tpu.dma_semaphore, #tpu.memory_space<semaphore_mem>>
      %dma_start3A_97 = arith.constant 0 : i32
      %dma_start3A_98 = arith.constant 0 : i32
      %dma_start3A_99 = tpu.memref_slice %arg8[%run_scoped3A_15, %dma_start3A_97, %dma_start3A_98] : memref<3x1x100xi32, #tpu.memory_space<vmem>> -> memref<1x1x100xi32, #tpu.memory_space<vmem>>
      %dma_start3A_100 = tpu.memref_squeeze %dma_start3A_99 : memref<1x1x100xi32, #tpu.memory_space<vmem>> -> memref<1x100xi32, #tpu.memory_space<vmem>>
      %dma_start3A_101 = arith.constant 0 : i32
      %dma_start3A_102 = arith.constant 0 : i32
      %dma_start3A_103 = tpu.memref_slice %arg4[%mul3A_4, %dma_start3A_101, %dma_start3A_102] : memref<1600x1x100xi32, #tpu.memory_space<hbm>> -> memref<1x1x100xi32, #tpu.memory_space<hbm>>
      %dma_start3A_104 = tpu.memref_squeeze %dma_start3A_103 : memref<1x1x100xi32, #tpu.memory_space<hbm>> -> memref<1x100xi32, #tpu.memory_space<hbm>>
      %dma_start3A_105 = arith.constant 0 : i32
      %dma_start3A_106 = arith.constant 0 : i32
      %dma_start3A_107 = tpu.memref_slice %arg8[%run_scoped3A_15, %dma_start3A_105, %dma_start3A_106] : memref<3x1x100xi32, #tpu.memory_space<vmem>> -> memref<1x1x100xi32, #tpu.memory_space<vmem>>
      %dma_start3A_108 = tpu.memref_squeeze %dma_start3A_107 : memref<1x1x100xi32, #tpu.memory_space<vmem>> -> memref<1x100xi32, #tpu.memory_space<vmem>>
      %dma_start3A_109 = arith.constant 0 : i32
      %dma_start3A_110 = arith.constant 0 : i32
      %dma_start3A_111 = tpu.memref_slice %arg4[%mul3A_4, %dma_start3A_109, %dma_start3A_110] : memref<1600x1x100xi32, #tpu.memory_space<hbm>> -> memref<1x1x100xi32, #tpu.memory_space<hbm>>
      %dma_start3A_112 = tpu.memref_squeeze %dma_start3A_111 : memref<1x1x100xi32, #tpu.memory_space<hbm>> -> memref<1x100xi32, #tpu.memory_space<hbm>>
      tpu.enqueue_dma source(%dma_start3A_112 : memref<1x100xi32, #tpu.memory_space<hbm>>) target(%dma_start3A_108 : memref<1x100xi32, #tpu.memory_space<vmem>>) target_semaphore(%run_scoped3A_96 : memref<!tpu.dma_semaphore, #tpu.memory_space<semaphore_mem>>)
      %dma_wait3A_113 = arith.constant 0 : i32
      %dma_wait3A_114 = arith.constant 0 : i32
      %dma_wait3A_115 = tpu.memref_slice %arg8[%run_scoped3A_15, %dma_wait3A_113, %dma_wait3A_114] : memref<3x1x100xi32, #tpu.memory_space<vmem>> -> memref<1x1x100xi32, #tpu.memory_space<vmem>>
      %dma_wait3A_116 = tpu.memref_squeeze %dma_wait3A_115 : memref<1x1x100xi32, #tpu.memory_space<vmem>> -> memref<1x100xi32, #tpu.memory_space<vmem>>
      %dma_wait3A_117 = arith.constant 0 : i32
      %dma_wait3A_118 = arith.constant 0 : i32
      %dma_wait3A_119 = tpu.memref_slice %arg4[%mul3A_4, %dma_wait3A_117, %dma_wait3A_118] : memref<1600x1x100xi32, #tpu.memory_space<hbm>> -> memref<1x1x100xi32, #tpu.memory_space<hbm>>
      %dma_wait3A_120 = tpu.memref_squeeze %dma_wait3A_119 : memref<1x1x100xi32, #tpu.memory_space<hbm>> -> memref<1x100xi32, #tpu.memory_space<hbm>>
      %dma_wait3A_121 = arith.constant 0 : i32
      %dma_wait3A_122 = arith.constant 0 : i32
      %dma_wait3A_123 = tpu.memref_slice %arg8[%run_scoped3A_15, %dma_wait3A_121, %dma_wait3A_122] : memref<3x1x100xi32, #tpu.memory_space<vmem>> -> memref<1x1x100xi32, #tpu.memory_space<vmem>>
      %dma_wait3A_124 = tpu.memref_squeeze %dma_wait3A_123 : memref<1x1x100xi32, #tpu.memory_space<vmem>> -> memref<1x100xi32, #tpu.memory_space<vmem>>
      %dma_wait3A_125 = arith.constant 0 : i32
      %dma_wait3A_126 = arith.constant 0 : i32
      %dma_wait3A_127 = tpu.memref_slice %arg4[%mul3A_4, %dma_wait3A_125, %dma_wait3A_126] : memref<1600x1x100xi32, #tpu.memory_space<hbm>> -> memref<1x1x100xi32, #tpu.memory_space<hbm>>
      %dma_wait3A_128 = tpu.memref_squeeze %dma_wait3A_127 : memref<1x1x100xi32, #tpu.memory_space<hbm>> -> memref<1x100xi32, #tpu.memory_space<hbm>>
      tpu.wait_dma2 semaphore(%run_scoped3A_96 : memref<!tpu.dma_semaphore, #tpu.memory_space<semaphore_mem>>) src(%dma_wait3A_128 : memref<1x100xi32, #tpu.memory_space<hbm>>) dst(%dma_wait3A_124 : memref<1x100xi32, #tpu.memory_space<vmem>>)
      tpu.yield
    }) : () -> ()
    %barrier3A = arith.constant 0 : index
    tpu.barrier barrier_id(%barrier3A)
    %dma_start3A = arith.constant 0 : i32
    %dma_start3A_16 = arith.constant 0 : i32
    %dma_start3A_17 = arith.constant 0 : i32
    %dma_start3A_18 = arith.constant 0 : i32
    %dma_start3A_19 = arith.constant 0 : i32
    %dma_start3A_20 = tpu.memref_slice %arg9[%dma_start3A_17, %dma_start3A_18, %dma_start3A_19] : memref<3x100x128xf32, #tpu.memory_space<vmem>> -> memref<1x100x128xf32, #tpu.memory_space<vmem>>
    %dma_start3A_21 = tpu.memref_squeeze %dma_start3A_20 : memref<1x100x128xf32, #tpu.memory_space<vmem>> -> memref<100x128xf32, #tpu.memory_space<vmem>>
    %dma_start3A_22 = arith.constant 0 : i32
    %dma_start3A_23 = tpu.memref_slice %arg7[%dma_start3A, %dma_start3A_16, %dma_start3A_22] : memref<3x1x100xi32, #tpu.memory_space<vmem>> -> memref<1x1x100xi32, #tpu.memory_space<vmem>>
    %dma_start3A_24 = tpu.memref_squeeze %dma_start3A_23 : memref<1x1x100xi32, #tpu.memory_space<vmem>> -> memref<100xi32, #tpu.memory_space<vmem>>
    %dma_start3A_25 = arith.constant 0 : i32
    %dma_start3A_26 = arith.constant 0 : i32
    %dma_start3A_27 = tpu.memref_slice %arg2[%dma_start3A_25, %dma_start3A_26] : memref<20000x128xf32, #tpu.memory_space<hbm>> -> memref<20000x128xf32, #tpu.memory_space<hbm>>
    tpu.enqueue_indirect_dma source(%dma_start3A_27 : memref<20000x128xf32, #tpu.memory_space<hbm>>) target(%dma_start3A_21 : memref<100x128xf32, #tpu.memory_space<vmem>>) offsets(%dma_start3A_24 : memref<100xi32, #tpu.memory_space<vmem>>) semaphore(%arg10 : memref<!tpu.dma_semaphore, #tpu.memory_space<semaphore_mem>>)
    %add3A_28 = arith.constant 1 : i32
    %add3A_29 = arith.addi %mul3A_2, %add3A_28 : i32
    %dma_start3A_30 = arith.constant 1 : i32
    %dma_start3A_31 = arith.constant 0 : i32
    %dma_start3A_32 = arith.constant 0 : i32
    %dma_start3A_33 = tpu.memref_slice %arg7[%dma_start3A_30, %dma_start3A_31, %dma_start3A_32] : memref<3x1x100xi32, #tpu.memory_space<vmem>> -> memref<1x1x100xi32, #tpu.memory_space<vmem>>
    %dma_start3A_34 = tpu.memref_squeeze %dma_start3A_33 : memref<1x1x100xi32, #tpu.memory_space<vmem>> -> memref<1x100xi32, #tpu.memory_space<vmem>>
    %dma_start3A_35 = arith.constant 0 : i32
    %dma_start3A_36 = arith.constant 0 : i32
    %dma_start3A_37 = tpu.memref_slice %arg3[%add3A_29, %dma_start3A_35, %dma_start3A_36] : memref<3200x1x100xi32, #tpu.memory_space<hbm>> -> memref<1x1x100xi32, #tpu.memory_space<hbm>>
    %dma_start3A_38 = tpu.memref_squeeze %dma_start3A_37 : memref<1x1x100xi32, #tpu.memory_space<hbm>> -> memref<1x100xi32, #tpu.memory_space<hbm>>
    %dma_start3A_39 = arith.constant 0 : i32
    %dma_start3A_40 = arith.constant 0 : i32
    %dma_start3A_41 = tpu.memref_slice %arg7[%dma_start3A_30, %dma_start3A_39, %dma_start3A_40] : memref<3x1x100xi32, #tpu.memory_space<vmem>> -> memref<1x1x100xi32, #tpu.memory_space<vmem>>
    %dma_start3A_42 = tpu.memref_squeeze %dma_start3A_41 : memref<1x1x100xi32, #tpu.memory_space<vmem>> -> memref<1x100xi32, #tpu.memory_space<vmem>>
    %dma_start3A_43 = arith.constant 0 : i32
    %dma_start3A_44 = arith.constant 0 : i32
    %dma_start3A_45 = tpu.memref_slice %arg3[%add3A_29, %dma_start3A_43, %dma_start3A_44] : memref<3200x1x100xi32, #tpu.memory_space<hbm>> -> memref<1x1x100xi32, #tpu.memory_space<hbm>>
    %dma_start3A_46 = tpu.memref_squeeze %dma_start3A_45 : memref<1x1x100xi32, #tpu.memory_space<hbm>> -> memref<1x100xi32, #tpu.memory_space<hbm>>
    tpu.enqueue_dma source(%dma_start3A_46 : memref<1x100xi32, #tpu.memory_space<hbm>>) target(%dma_start3A_42 : memref<1x100xi32, #tpu.memory_space<vmem>>) target_semaphore(%arg11 : memref<!tpu.dma_semaphore, #tpu.memory_space<semaphore_mem>>)
    %add3A_47 = arith.constant 1 : i32
    %add3A_48 = arith.addi %mul3A_4, %add3A_47 : i32
    %dma_start3A_49 = arith.constant 1 : i32
    %dma_start3A_50 = arith.constant 0 : i32
    %dma_start3A_51 = arith.constant 0 : i32
    %dma_start3A_52 = tpu.memref_slice %arg8[%dma_start3A_49, %dma_start3A_50, %dma_start3A_51] : memref<3x1x100xi32, #tpu.memory_space<vmem>> -> memref<1x1x100xi32, #tpu.memory_space<vmem>>
    %dma_start3A_53 = tpu.memref_squeeze %dma_start3A_52 : memref<1x1x100xi32, #tpu.memory_space<vmem>> -> memref<1x100xi32, #tpu.memory_space<vmem>>
    %dma_start3A_54 = arith.constant 0 : i32
    %dma_start3A_55 = arith.constant 0 : i32
    %dma_start3A_56 = tpu.memref_slice %arg4[%add3A_48, %dma_start3A_54, %dma_start3A_55] : memref<1600x1x100xi32, #tpu.memory_space<hbm>> -> memref<1x1x100xi32, #tpu.memory_space<hbm>>
    %dma_start3A_57 = tpu.memref_squeeze %dma_start3A_56 : memref<1x1x100xi32, #tpu.memory_space<hbm>> -> memref<1x100xi32, #tpu.memory_space<hbm>>
    %dma_start3A_58 = arith.constant 0 : i32
    %dma_start3A_59 = arith.constant 0 : i32
    %dma_start3A_60 = tpu.memref_slice %arg8[%dma_start3A_49, %dma_start3A_58, %dma_start3A_59] : memref<3x1x100xi32, #tpu.memory_space<vmem>> -> memref<1x1x100xi32, #tpu.memory_space<vmem>>
    %dma_start3A_61 = tpu.memref_squeeze %dma_start3A_60 : memref<1x1x100xi32, #tpu.memory_space<vmem>> -> memref<1x100xi32, #tpu.memory_space<vmem>>
    %dma_start3A_62 = arith.constant 0 : i32
    %dma_start3A_63 = arith.constant 0 : i32
    %dma_start3A_64 = tpu.memref_slice %arg4[%add3A_48, %dma_start3A_62, %dma_start3A_63] : memref<1600x1x100xi32, #tpu.memory_space<hbm>> -> memref<1x1x100xi32, #tpu.memory_space<hbm>>
    %dma_start3A_65 = tpu.memref_squeeze %dma_start3A_64 : memref<1x1x100xi32, #tpu.memory_space<hbm>> -> memref<1x100xi32, #tpu.memory_space<hbm>>
    tpu.enqueue_dma source(%dma_start3A_65 : memref<1x100xi32, #tpu.memory_space<hbm>>) target(%dma_start3A_61 : memref<1x100xi32, #tpu.memory_space<vmem>>) target_semaphore(%arg11 : memref<!tpu.dma_semaphore, #tpu.memory_space<semaphore_mem>>)
    %scan3A = arith.constant 0 : i32
    %scan3A_66 = arith.constant 0 : i32
    %scan3A_67 = arith.constant 100 : i32
    %scan3A_68 = arith.addi %scan3A_66, %scan3A_67 : i32
    %scan3A_69 = arith.constant 1 : i32
    scf.for %scan3A_96 = %scan3A_66 to %scan3A_68 step %scan3A_69  : i32 {
      %rem3A = arith.constant 3 : i32
      %rem3A_97 = arith.remsi %scan3A_96, %rem3A : i32
      %add3A_98 = arith.constant 1 : i32
      %add3A_99 = arith.addi %scan3A_96, %add3A_98 : i32
      %rem3A_100 = arith.constant 3 : i32
      %rem3A_101 = arith.remsi %add3A_99, %rem3A_100 : i32
      %add3A_102 = arith.constant 2 : i32
      %add3A_103 = arith.addi %scan3A_96, %add3A_102 : i32
      %rem3A_104 = arith.constant 3 : i32
      %rem3A_105 = arith.remsi %add3A_103, %rem3A_104 : i32
      %dma_wait3A_106 = arith.constant 0 : i32
      %dma_wait3A_107 = arith.constant 0 : i32
      %dma_wait3A_108 = arith.constant 0 : i32
      %dma_wait3A_109 = tpu.memref_slice %arg9[%rem3A_97, %dma_wait3A_107, %dma_wait3A_108] : memref<3x100x128xf32, #tpu.memory_space<vmem>> -> memref<1x100x128xf32, #tpu.memory_space<vmem>>
      %dma_wait3A_110 = tpu.memref_squeeze %dma_wait3A_109 : memref<1x100x128xf32, #tpu.memory_space<vmem>> -> memref<100x128xf32, #tpu.memory_space<vmem>>
      %dma_wait3A_111 = arith.constant 0 : i32
      %dma_wait3A_112 = tpu.memref_slice %arg7[%rem3A_97, %dma_wait3A_106, %dma_wait3A_111] : memref<3x1x100xi32, #tpu.memory_space<vmem>> -> memref<1x1x100xi32, #tpu.memory_space<vmem>>
      %dma_wait3A_113 = tpu.memref_squeeze %dma_wait3A_112 : memref<1x1x100xi32, #tpu.memory_space<vmem>> -> memref<100xi32, #tpu.memory_space<vmem>>
      %dma_wait3A_114 = arith.constant 0 : i32
      %dma_wait3A_115 = arith.constant 0 : i32
      %dma_wait3A_116 = tpu.memref_slice %arg2[%dma_wait3A_114, %dma_wait3A_115] : memref<20000x128xf32, #tpu.memory_space<hbm>> -> memref<20000x128xf32, #tpu.memory_space<hbm>>
      tpu.wait_indirect_dma semaphore(%arg10 : memref<!tpu.dma_semaphore, #tpu.memory_space<semaphore_mem>>) src(%dma_wait3A_116 : memref<20000x128xf32, #tpu.memory_space<hbm>>) dst(%dma_wait3A_110 : memref<100x128xf32, #tpu.memory_space<vmem>>)
      %dma_start3A_117 = arith.constant 0 : i32
      %dma_start3A_118 = arith.constant 0 : i32
      %dma_start3A_119 = arith.constant 0 : i32
      %dma_start3A_120 = tpu.memref_slice %arg9[%rem3A_97, %dma_start3A_118, %dma_start3A_119] : memref<3x100x128xf32, #tpu.memory_space<vmem>> -> memref<1x100x128xf32, #tpu.memory_space<vmem>>
      %dma_start3A_121 = tpu.memref_squeeze %dma_start3A_120 : memref<1x100x128xf32, #tpu.memory_space<vmem>> -> memref<100x128xf32, #tpu.memory_space<vmem>>
      %dma_start3A_122 = arith.constant 0 : i32
      %dma_start3A_123 = tpu.memref_slice %arg8[%rem3A_97, %dma_start3A_117, %dma_start3A_122] : memref<3x1x100xi32, #tpu.memory_space<vmem>> -> memref<1x1x100xi32, #tpu.memory_space<vmem>>
      %dma_start3A_124 = tpu.memref_squeeze %dma_start3A_123 : memref<1x1x100xi32, #tpu.memory_space<vmem>> -> memref<100xi32, #tpu.memory_space<vmem>>
      %dma_start3A_125 = arith.constant 0 : i32
      %dma_start3A_126 = arith.constant 0 : i32
      %dma_start3A_127 = tpu.memref_slice %arg6[%dma_start3A_125, %dma_start3A_126] : memref<10000x128xf32, #tpu.memory_space<vmem_shared>> -> memref<10000x128xf32, #tpu.memory_space<vmem_shared>>
      tpu.enqueue_indirect_dma source(%dma_start3A_121 : memref<100x128xf32, #tpu.memory_space<vmem>>) target(%dma_start3A_127 : memref<10000x128xf32, #tpu.memory_space<vmem_shared>>) offsets(%dma_start3A_124 : memref<100xi32, #tpu.memory_space<vmem>>) semaphore(%arg12 : memref<!tpu.dma_semaphore, #tpu.memory_space<semaphore_mem>>) {add = true}
      %ge3A = arith.constant 1 : i32
      %ge3A_128 = arith.cmpi sge, %scan3A_96, %ge3A : i32
      %convert_element_type3A_129 = arith.extui %ge3A_128 : i1 to i32
      %cond3A_130 = arith.constant 0 : i32
      %cond3A_131 = arith.cmpi ne, %convert_element_type3A_129, %cond3A_130 : i32
      scf.if %cond3A_131 {
        %add3A_145 = arith.constant 2 : i32
        %add3A_146 = arith.addi %scan3A_96, %add3A_145 : i32
        %rem3A_147 = arith.constant 3 : i32
        %rem3A_148 = arith.remsi %add3A_146, %rem3A_147 : i32
        %dma_wait3A_149 = arith.constant 0 : i32
        %dma_wait3A_150 = arith.constant 0 : i32
        %dma_wait3A_151 = arith.constant 0 : i32
        %dma_wait3A_152 = tpu.memref_slice %arg9[%rem3A_148, %dma_wait3A_150, %dma_wait3A_151] : memref<3x100x128xf32, #tpu.memory_space<vmem>> -> memref<1x100x128xf32, #tpu.memory_space<vmem>>
        %dma_wait3A_153 = tpu.memref_squeeze %dma_wait3A_152 : memref<1x100x128xf32, #tpu.memory_space<vmem>> -> memref<100x128xf32, #tpu.memory_space<vmem>>
        %dma_wait3A_154 = arith.constant 0 : i32
        %dma_wait3A_155 = tpu.memref_slice %arg8[%rem3A_148, %dma_wait3A_149, %dma_wait3A_154] : memref<3x1x100xi32, #tpu.memory_space<vmem>> -> memref<1x1x100xi32, #tpu.memory_space<vmem>>
        %dma_wait3A_156 = tpu.memref_squeeze %dma_wait3A_155 : memref<1x1x100xi32, #tpu.memory_space<vmem>> -> memref<100xi32, #tpu.memory_space<vmem>>
        %dma_wait3A_157 = arith.constant 0 : i32
        %dma_wait3A_158 = arith.constant 0 : i32
        %dma_wait3A_159 = tpu.memref_slice %arg6[%dma_wait3A_157, %dma_wait3A_158] : memref<10000x128xf32, #tpu.memory_space<vmem_shared>> -> memref<10000x128xf32, #tpu.memory_space<vmem_shared>>
        tpu.wait_indirect_dma semaphore(%arg12 : memref<!tpu.dma_semaphore, #tpu.memory_space<semaphore_mem>>) src(%dma_wait3A_153 : memref<100x128xf32, #tpu.memory_space<vmem>>) dst(%dma_wait3A_159 : memref<10000x128xf32, #tpu.memory_space<vmem_shared>>)
      } else {
      }
      %add3A_132 = arith.constant 1 : i32
      %add3A_133 = arith.addi %scan3A_96, %add3A_132 : i32
      %lt3A = arith.constant 100 : i32
      %lt3A_134 = arith.cmpi slt, %add3A_133, %lt3A : i32
      %convert_element_type3A_135 = arith.extui %lt3A_134 : i1 to i32
      %cond3A_136 = arith.constant 0 : i32
      %cond3A_137 = arith.cmpi ne, %convert_element_type3A_135, %cond3A_136 : i32
      scf.if %cond3A_137 {
        %add3A_145 = arith.addi %mul3A_2, %scan3A_96 : i32
        %add3A_146 = arith.constant 1 : i32
        %add3A_147 = arith.addi %add3A_145, %add3A_146 : i32
        %dma_wait3A_148 = arith.constant 0 : i32
        %dma_wait3A_149 = arith.constant 0 : i32
        %dma_wait3A_150 = tpu.memref_slice %arg7[%rem3A_101, %dma_wait3A_148, %dma_wait3A_149] : memref<3x1x100xi32, #tpu.memory_space<vmem>> -> memref<1x1x100xi32, #tpu.memory_space<vmem>>
        %dma_wait3A_151 = tpu.memref_squeeze %dma_wait3A_150 : memref<1x1x100xi32, #tpu.memory_space<vmem>> -> memref<1x100xi32, #tpu.memory_space<vmem>>
        %dma_wait3A_152 = arith.constant 0 : i32
        %dma_wait3A_153 = arith.constant 0 : i32
        %dma_wait3A_154 = tpu.memref_slice %arg3[%add3A_147, %dma_wait3A_152, %dma_wait3A_153] : memref<3200x1x100xi32, #tpu.memory_space<hbm>> -> memref<1x1x100xi32, #tpu.memory_space<hbm>>
        %dma_wait3A_155 = tpu.memref_squeeze %dma_wait3A_154 : memref<1x1x100xi32, #tpu.memory_space<hbm>> -> memref<1x100xi32, #tpu.memory_space<hbm>>
        %dma_wait3A_156 = arith.constant 0 : i32
        %dma_wait3A_157 = arith.constant 0 : i32
        %dma_wait3A_158 = tpu.memref_slice %arg7[%rem3A_101, %dma_wait3A_156, %dma_wait3A_157] : memref<3x1x100xi32, #tpu.memory_space<vmem>> -> memref<1x1x100xi32, #tpu.memory_space<vmem>>
        %dma_wait3A_159 = tpu.memref_squeeze %dma_wait3A_158 : memref<1x1x100xi32, #tpu.memory_space<vmem>> -> memref<1x100xi32, #tpu.memory_space<vmem>>
        %dma_wait3A_160 = arith.constant 0 : i32
        %dma_wait3A_161 = arith.constant 0 : i32
        %dma_wait3A_162 = tpu.memref_slice %arg3[%add3A_147, %dma_wait3A_160, %dma_wait3A_161] : memref<3200x1x100xi32, #tpu.memory_space<hbm>> -> memref<1x1x100xi32, #tpu.memory_space<hbm>>
        %dma_wait3A_163 = tpu.memref_squeeze %dma_wait3A_162 : memref<1x1x100xi32, #tpu.memory_space<hbm>> -> memref<1x100xi32, #tpu.memory_space<hbm>>
        tpu.wait_dma2 semaphore(%arg11 : memref<!tpu.dma_semaphore, #tpu.memory_space<semaphore_mem>>) src(%dma_wait3A_163 : memref<1x100xi32, #tpu.memory_space<hbm>>) dst(%dma_wait3A_159 : memref<1x100xi32, #tpu.memory_space<vmem>>)
        %add3A_164 = arith.addi %mul3A_4, %scan3A_96 : i32
        %add3A_165 = arith.constant 1 : i32
        %add3A_166 = arith.addi %add3A_164, %add3A_165 : i32
        %dma_wait3A_167 = arith.constant 0 : i32
        %dma_wait3A_168 = arith.constant 0 : i32
        %dma_wait3A_169 = tpu.memref_slice %arg8[%rem3A_101, %dma_wait3A_167, %dma_wait3A_168] : memref<3x1x100xi32, #tpu.memory_space<vmem>> -> memref<1x1x100xi32, #tpu.memory_space<vmem>>
        %dma_wait3A_170 = tpu.memref_squeeze %dma_wait3A_169 : memref<1x1x100xi32, #tpu.memory_space<vmem>> -> memref<1x100xi32, #tpu.memory_space<vmem>>
        %dma_wait3A_171 = arith.constant 0 : i32
        %dma_wait3A_172 = arith.constant 0 : i32
        %dma_wait3A_173 = tpu.memref_slice %arg4[%add3A_166, %dma_wait3A_171, %dma_wait3A_172] : memref<1600x1x100xi32, #tpu.memory_space<hbm>> -> memref<1x1x100xi32, #tpu.memory_space<hbm>>
        %dma_wait3A_174 = tpu.memref_squeeze %dma_wait3A_173 : memref<1x1x100xi32, #tpu.memory_space<hbm>> -> memref<1x100xi32, #tpu.memory_space<hbm>>
        %dma_wait3A_175 = arith.constant 0 : i32
        %dma_wait3A_176 = arith.constant 0 : i32
        %dma_wait3A_177 = tpu.memref_slice %arg8[%rem3A_101, %dma_wait3A_175, %dma_wait3A_176] : memref<3x1x100xi32, #tpu.memory_space<vmem>> -> memref<1x1x100xi32, #tpu.memory_space<vmem>>
        %dma_wait3A_178 = tpu.memref_squeeze %dma_wait3A_177 : memref<1x1x100xi32, #tpu.memory_space<vmem>> -> memref<1x100xi32, #tpu.memory_space<vmem>>
        %dma_wait3A_179 = arith.constant 0 : i32
        %dma_wait3A_180 = arith.constant 0 : i32
        %dma_wait3A_181 = tpu.memref_slice %arg4[%add3A_166, %dma_wait3A_179, %dma_wait3A_180] : memref<1600x1x100xi32, #tpu.memory_space<hbm>> -> memref<1x1x100xi32, #tpu.memory_space<hbm>>
        %dma_wait3A_182 = tpu.memref_squeeze %dma_wait3A_181 : memref<1x1x100xi32, #tpu.memory_space<hbm>> -> memref<1x100xi32, #tpu.memory_space<hbm>>
        tpu.wait_dma2 semaphore(%arg11 : memref<!tpu.dma_semaphore, #tpu.memory_space<semaphore_mem>>) src(%dma_wait3A_182 : memref<1x100xi32, #tpu.memory_space<hbm>>) dst(%dma_wait3A_178 : memref<1x100xi32, #tpu.memory_space<vmem>>)
        %dma_start3A_183 = arith.constant 0 : i32
        %dma_start3A_184 = arith.constant 0 : i32
        %dma_start3A_185 = arith.constant 0 : i32
        %dma_start3A_186 = tpu.memref_slice %arg9[%rem3A_101, %dma_start3A_184, %dma_start3A_185] : memref<3x100x128xf32, #tpu.memory_space<vmem>> -> memref<1x100x128xf32, #tpu.memory_space<vmem>>
        %dma_start3A_187 = tpu.memref_squeeze %dma_start3A_186 : memref<1x100x128xf32, #tpu.memory_space<vmem>> -> memref<100x128xf32, #tpu.memory_space<vmem>>
        %dma_start3A_188 = arith.constant 0 : i32
        %dma_start3A_189 = tpu.memref_slice %arg7[%rem3A_101, %dma_start3A_183, %dma_start3A_188] : memref<3x1x100xi32, #tpu.memory_space<vmem>> -> memref<1x1x100xi32, #tpu.memory_space<vmem>>
        %dma_start3A_190 = tpu.memref_squeeze %dma_start3A_189 : memref<1x1x100xi32, #tpu.memory_space<vmem>> -> memref<100xi32, #tpu.memory_space<vmem>>
        %dma_start3A_191 = arith.constant 0 : i32
        %dma_start3A_192 = arith.constant 0 : i32
        %dma_start3A_193 = tpu.memref_slice %arg2[%dma_start3A_191, %dma_start3A_192] : memref<20000x128xf32, #tpu.memory_space<hbm>> -> memref<20000x128xf32, #tpu.memory_space<hbm>>
        tpu.enqueue_indirect_dma source(%dma_start3A_193 : memref<20000x128xf32, #tpu.memory_space<hbm>>) target(%dma_start3A_187 : memref<100x128xf32, #tpu.memory_space<vmem>>) offsets(%dma_start3A_190 : memref<100xi32, #tpu.memory_space<vmem>>) semaphore(%arg10 : memref<!tpu.dma_semaphore, #tpu.memory_space<semaphore_mem>>)
      } else {
      }
      %add3A_138 = arith.constant 2 : i32
      %add3A_139 = arith.addi %scan3A_96, %add3A_138 : i32
      %lt3A_140 = arith.constant 100 : i32
      %lt3A_141 = arith.cmpi slt, %add3A_139, %lt3A_140 : i32
      %convert_element_type3A_142 = arith.extui %lt3A_141 : i1 to i32
      %cond3A_143 = arith.constant 0 : i32
      %cond3A_144 = arith.cmpi ne, %convert_element_type3A_142, %cond3A_143 : i32
      scf.if %cond3A_144 {
        %add3A_145 = arith.addi %mul3A_2, %scan3A_96 : i32
        %add3A_146 = arith.constant 2 : i32
        %add3A_147 = arith.addi %add3A_145, %add3A_146 : i32
        %dma_start3A_148 = arith.constant 0 : i32
        %dma_start3A_149 = arith.constant 0 : i32
        %dma_start3A_150 = tpu.memref_slice %arg7[%rem3A_105, %dma_start3A_148, %dma_start3A_149] : memref<3x1x100xi32, #tpu.memory_space<vmem>> -> memref<1x1x100xi32, #tpu.memory_space<vmem>>
        %dma_start3A_151 = tpu.memref_squeeze %dma_start3A_150 : memref<1x1x100xi32, #tpu.memory_space<vmem>> -> memref<1x100xi32, #tpu.memory_space<vmem>>
        %dma_start3A_152 = arith.constant 0 : i32
        %dma_start3A_153 = arith.constant 0 : i32
        %dma_start3A_154 = tpu.memref_slice %arg3[%add3A_147, %dma_start3A_152, %dma_start3A_153] : memref<3200x1x100xi32, #tpu.memory_space<hbm>> -> memref<1x1x100xi32, #tpu.memory_space<hbm>>
        %dma_start3A_155 = tpu.memref_squeeze %dma_start3A_154 : memref<1x1x100xi32, #tpu.memory_space<hbm>> -> memref<1x100xi32, #tpu.memory_space<hbm>>
        %dma_start3A_156 = arith.constant 0 : i32
        %dma_start3A_157 = arith.constant 0 : i32
        %dma_start3A_158 = tpu.memref_slice %arg7[%rem3A_105, %dma_start3A_156, %dma_start3A_157] : memref<3x1x100xi32, #tpu.memory_space<vmem>> -> memref<1x1x100xi32, #tpu.memory_space<vmem>>
        %dma_start3A_159 = tpu.memref_squeeze %dma_start3A_158 : memref<1x1x100xi32, #tpu.memory_space<vmem>> -> memref<1x100xi32, #tpu.memory_space<vmem>>
        %dma_start3A_160 = arith.constant 0 : i32
        %dma_start3A_161 = arith.constant 0 : i32
        %dma_start3A_162 = tpu.memref_slice %arg3[%add3A_147, %dma_start3A_160, %dma_start3A_161] : memref<3200x1x100xi32, #tpu.memory_space<hbm>> -> memref<1x1x100xi32, #tpu.memory_space<hbm>>
        %dma_start3A_163 = tpu.memref_squeeze %dma_start3A_162 : memref<1x1x100xi32, #tpu.memory_space<hbm>> -> memref<1x100xi32, #tpu.memory_space<hbm>>
        tpu.enqueue_dma source(%dma_start3A_163 : memref<1x100xi32, #tpu.memory_space<hbm>>) target(%dma_start3A_159 : memref<1x100xi32, #tpu.memory_space<vmem>>) target_semaphore(%arg11 : memref<!tpu.dma_semaphore, #tpu.memory_space<semaphore_mem>>)
        %add3A_164 = arith.addi %mul3A_4, %scan3A_96 : i32
        %add3A_165 = arith.constant 2 : i32
        %add3A_166 = arith.addi %add3A_164, %add3A_165 : i32
        %dma_start3A_167 = arith.constant 0 : i32
        %dma_start3A_168 = arith.constant 0 : i32
        %dma_start3A_169 = tpu.memref_slice %arg8[%rem3A_105, %dma_start3A_167, %dma_start3A_168] : memref<3x1x100xi32, #tpu.memory_space<vmem>> -> memref<1x1x100xi32, #tpu.memory_space<vmem>>
        %dma_start3A_170 = tpu.memref_squeeze %dma_start3A_169 : memref<1x1x100xi32, #tpu.memory_space<vmem>> -> memref<1x100xi32, #tpu.memory_space<vmem>>
        %dma_start3A_171 = arith.constant 0 : i32
        %dma_start3A_172 = arith.constant 0 : i32
        %dma_start3A_173 = tpu.memref_slice %arg4[%add3A_166, %dma_start3A_171, %dma_start3A_172] : memref<1600x1x100xi32, #tpu.memory_space<hbm>> -> memref<1x1x100xi32, #tpu.memory_space<hbm>>
        %dma_start3A_174 = tpu.memref_squeeze %dma_start3A_173 : memref<1x1x100xi32, #tpu.memory_space<hbm>> -> memref<1x100xi32, #tpu.memory_space<hbm>>
        %dma_start3A_175 = arith.constant 0 : i32
        %dma_start3A_176 = arith.constant 0 : i32
        %dma_start3A_177 = tpu.memref_slice %arg8[%rem3A_105, %dma_start3A_175, %dma_start3A_176] : memref<3x1x100xi32, #tpu.memory_space<vmem>> -> memref<1x1x100xi32, #tpu.memory_space<vmem>>
        %dma_start3A_178 = tpu.memref_squeeze %dma_start3A_177 : memref<1x1x100xi32, #tpu.memory_space<vmem>> -> memref<1x100xi32, #tpu.memory_space<vmem>>
        %dma_start3A_179 = arith.constant 0 : i32
        %dma_start3A_180 = arith.constant 0 : i32
        %dma_start3A_181 = tpu.memref_slice %arg4[%add3A_166, %dma_start3A_179, %dma_start3A_180] : memref<1600x1x100xi32, #tpu.memory_space<hbm>> -> memref<1x1x100xi32, #tpu.memory_space<hbm>>
        %dma_start3A_182 = tpu.memref_squeeze %dma_start3A_181 : memref<1x1x100xi32, #tpu.memory_space<hbm>> -> memref<1x100xi32, #tpu.memory_space<hbm>>
        tpu.enqueue_dma source(%dma_start3A_182 : memref<1x100xi32, #tpu.memory_space<hbm>>) target(%dma_start3A_178 : memref<1x100xi32, #tpu.memory_space<vmem>>) target_semaphore(%arg11 : memref<!tpu.dma_semaphore, #tpu.memory_space<semaphore_mem>>)
      } else {
      }
    }
    %scan3A_70 = arith.constant 100 : i32
    %dma_wait3A = arith.constant 0 : i32
    %dma_wait3A_71 = arith.constant 0 : i32
    %dma_wait3A_72 = arith.constant 0 : i32
    %dma_wait3A_73 = arith.constant 0 : i32
    %dma_wait3A_74 = arith.constant 0 : i32
    %dma_wait3A_75 = tpu.memref_slice %arg9[%dma_wait3A, %dma_wait3A_73, %dma_wait3A_74] : memref<3x100x128xf32, #tpu.memory_space<vmem>> -> memref<1x100x128xf32, #tpu.memory_space<vmem>>
    %dma_wait3A_76 = tpu.memref_squeeze %dma_wait3A_75 : memref<1x100x128xf32, #tpu.memory_space<vmem>> -> memref<100x128xf32, #tpu.memory_space<vmem>>
    %dma_wait3A_77 = arith.constant 0 : i32
    %dma_wait3A_78 = tpu.memref_slice %arg8[%dma_wait3A_71, %dma_wait3A_72, %dma_wait3A_77] : memref<3x1x100xi32, #tpu.memory_space<vmem>> -> memref<1x1x100xi32, #tpu.memory_space<vmem>>
    %dma_wait3A_79 = tpu.memref_squeeze %dma_wait3A_78 : memref<1x1x100xi32, #tpu.memory_space<vmem>> -> memref<100xi32, #tpu.memory_space<vmem>>
    %dma_wait3A_80 = arith.constant 0 : i32
    %dma_wait3A_81 = arith.constant 0 : i32
    %dma_wait3A_82 = tpu.memref_slice %arg6[%dma_wait3A_80, %dma_wait3A_81] : memref<10000x128xf32, #tpu.memory_space<vmem_shared>> -> memref<10000x128xf32, #tpu.memory_space<vmem_shared>>
    tpu.wait_indirect_dma semaphore(%arg12 : memref<!tpu.dma_semaphore, #tpu.memory_space<semaphore_mem>>) src(%dma_wait3A_76 : memref<100x128xf32, #tpu.memory_space<vmem>>) dst(%dma_wait3A_82 : memref<10000x128xf32, #tpu.memory_space<vmem_shared>>)
    %barrier3A_83 = arith.constant 0 : index
    tpu.barrier barrier_id(%barrier3A_83)
    %mul3A_84 = arith.constant 624 : i32
    %mul3A_85 = arith.muli %arg1, %mul3A_84 : i32
    %add3A_86 = arith.constant 0 : i32
    %add3A_87 = arith.addi %add3A_86, %mul3A_85 : i32
    %multiple_of3A_88 = tpu.assume_multiple %add3A_87, 8 : i32
    %add3A_89 = arith.addi %mul3A_6, %mul3A_85 : i32
    %multiple_of3A_90 = tpu.assume_multiple %add3A_89, 8 : i32
    "tpu.region"() ({
      %run_scoped3A_96 = tpu.sem_alloc : memref<!tpu.dma_semaphore, #tpu.memory_space<semaphore_mem>>
      %dma_start3A_97 = arith.constant 0 : i32
      %dma_start3A_98 = tpu.memref_slice %arg5[%multiple_of3A_90, %dma_start3A_97] : memref<20000x128xf32, #tpu.memory_space<hbm>> -> memref<624x128xf32, #tpu.memory_space<hbm>>
      %dma_start3A_99 = arith.constant 0 : i32
      %dma_start3A_100 = tpu.memref_slice %arg6[%multiple_of3A_88, %dma_start3A_99] : memref<10000x128xf32, #tpu.memory_space<vmem_shared>> -> memref<624x128xf32, #tpu.memory_space<vmem_shared>>
      tpu.enqueue_dma source(%dma_start3A_100 : memref<624x128xf32, #tpu.memory_space<vmem_shared>>) target(%dma_start3A_98 : memref<624x128xf32, #tpu.memory_space<hbm>>) target_semaphore(%run_scoped3A_96 : memref<!tpu.dma_semaphore, #tpu.memory_space<semaphore_mem>>)
      %dma_wait3A_101 = arith.constant 0 : i32
      %dma_wait3A_102 = tpu.memref_slice %arg5[%multiple_of3A_90, %dma_wait3A_101] : memref<20000x128xf32, #tpu.memory_space<hbm>> -> memref<624x128xf32, #tpu.memory_space<hbm>>
      %dma_wait3A_103 = arith.constant 0 : i32
      %dma_wait3A_104 = tpu.memref_slice %arg6[%multiple_of3A_88, %dma_wait3A_103] : memref<10000x128xf32, #tpu.memory_space<vmem_shared>> -> memref<624x128xf32, #tpu.memory_space<vmem_shared>>
      tpu.wait_dma2 semaphore(%run_scoped3A_96 : memref<!tpu.dma_semaphore, #tpu.memory_space<semaphore_mem>>) src(%dma_wait3A_104 : memref<624x128xf32, #tpu.memory_space<vmem_shared>>) dst(%dma_wait3A_102 : memref<624x128xf32, #tpu.memory_space<hbm>>)
      tpu.yield
    }) : () -> ()
    %eq3A_91 = arith.constant 15 : i32
    %eq3A_92 = arith.cmpi eq, %arg1, %eq3A_91 : i32
    %convert_element_type3A_93 = arith.extui %eq3A_92 : i1 to i32
    %cond3A_94 = arith.constant 0 : i32
    %cond3A_95 = arith.cmpi ne, %convert_element_type3A_93, %cond3A_94 : i32
    scf.if %cond3A_95 {
      %multiple_of3A_96 = arith.constant 9984 : i32
      %multiple_of3A_97 = tpu.assume_multiple %multiple_of3A_96, 8 : i32
      %add3A_98 = arith.constant 9984 : i32
      %add3A_99 = arith.addi %mul3A_6, %add3A_98 : i32
      %multiple_of3A_100 = tpu.assume_multiple %add3A_99, 8 : i32
      "tpu.region"() ({
        %run_scoped3A_101 = tpu.sem_alloc : memref<!tpu.dma_semaphore, #tpu.memory_space<semaphore_mem>>
        %dma_start3A_102 = arith.constant 0 : i32
        %dma_start3A_103 = tpu.memref_slice %arg5[%multiple_of3A_100, %dma_start3A_102] : memref<20000x128xf32, #tpu.memory_space<hbm>> -> memref<16x128xf32, #tpu.memory_space<hbm>>
        %dma_start3A_104 = arith.constant 0 : i32
        %dma_start3A_105 = tpu.memref_slice %arg6[%multiple_of3A_97, %dma_start3A_104] : memref<10000x128xf32, #tpu.memory_space<vmem_shared>> -> memref<16x128xf32, #tpu.memory_space<vmem_shared>>
        tpu.enqueue_dma source(%dma_start3A_105 : memref<16x128xf32, #tpu.memory_space<vmem_shared>>) target(%dma_start3A_103 : memref<16x128xf32, #tpu.memory_space<hbm>>) target_semaphore(%run_scoped3A_101 : memref<!tpu.dma_semaphore, #tpu.memory_space<semaphore_mem>>)
        %dma_wait3A_106 = arith.constant 0 : i32
        %dma_wait3A_107 = tpu.memref_slice %arg5[%multiple_of3A_100, %dma_wait3A_106] : memref<20000x128xf32, #tpu.memory_space<hbm>> -> memref<16x128xf32, #tpu.memory_space<hbm>>
        %dma_wait3A_108 = arith.constant 0 : i32
        %dma_wait3A_109 = tpu.memref_slice %arg6[%multiple_of3A_97, %dma_wait3A_108] : memref<10000x128xf32, #tpu.memory_space<vmem_shared>> -> memref<16x128xf32, #tpu.memory_space<vmem_shared>>
        tpu.wait_dma2 semaphore(%run_scoped3A_101 : memref<!tpu.dma_semaphore, #tpu.memory_space<semaphore_mem>>) src(%dma_wait3A_109 : memref<16x128xf32, #tpu.memory_space<vmem_shared>>) dst(%dma_wait3A_107 : memref<16x128xf32, #tpu.memory_space<hbm>>)
        tpu.yield
      }) : () -> ()
    } else {
    }
    return
  }
}

#map = affine_map<(d0, d1) -> (0, 0)>
#map1 = affine_map<(d0, d1) -> (0, 0, 0)>
module attributes {stable_mosaic.version = 14 : i64} {
  func.func @_prop_body(%arg0: i32, %arg1: i32, %arg2: memref<20000x128xf32, #tpu.memory_space<hbm>>, %arg3: memref<3200x1x100xi32, #tpu.memory_space<hbm>>, %arg4: memref<1600x1x100xi32, #tpu.memory_space<hbm>>, %arg5: memref<20000x128xf32, #tpu.memory_space<hbm>>, %arg6: memref<10000x128xf32, #tpu.memory_space<vmem_shared>>, %arg7: memref<3x1x100xi32, #tpu.memory_space<vmem>>, %arg8: memref<3x1x100xi32, #tpu.memory_space<vmem>>, %arg9: memref<3x100x128xf32, #tpu.memory_space<vmem>>, %arg10: memref<!tpu.dma_semaphore, #tpu.memory_space<semaphore_mem>>, %arg11: memref<!tpu.dma_semaphore, #tpu.memory_space<semaphore_mem>>, %arg12: memref<!tpu.dma_semaphore, #tpu.memory_space<semaphore_mem>>) attributes {dimension_semantics = [#tpu.dimension_semantics<core_parallel>, #tpu.dimension_semantics<subcore_parallel>], iteration_bounds = array<i64: 2, 16>, scalar_prefetch = 0 : i64, scratch_operands = 7 : i64, tpu.core_type = #tpu.core_type<sc_vector_subcore>, window_params = [{transform_indices = #map}, {transform_indices = #map1}, {transform_indices = #map1}, {transform_indices = #map}]} {
    %mul3A = arith.constant 16 : i32
    %mul3A_0 = arith.muli %arg0, %mul3A : i32
    %add3A = arith.addi %mul3A_0, %arg1 : i32
    %mul3A_1 = arith.constant 100 : i32
    %mul3A_2 = arith.muli %add3A, %mul3A_1 : i32
    %mul3A_3 = arith.constant 100 : i32
    %mul3A_4 = arith.muli %arg1, %mul3A_3 : i32
    %mul3A_5 = arith.constant 10000 : i32
    %mul3A_6 = arith.muli %arg0, %mul3A_5 : i32
    %mul3A_7 = arith.constant 624 : i32
    %mul3A_8 = arith.muli %arg1, %mul3A_7 : i32
    %add3A_9 = arith.addi %mul3A_6, %mul3A_8 : i32
    %multiple_of3A = tpu.assume_multiple %add3A_9, 8 : i32
    %add3A_10 = arith.constant 0 : i32
    %add3A_11 = arith.addi %add3A_10, %mul3A_8 : i32
    %multiple_of3A_12 = tpu.assume_multiple %add3A_11, 8 : i32
    "tpu.region"() ({
      %run_scoped3A_96 = tpu.sem_alloc : memref<!tpu.dma_semaphore, #tpu.memory_space<semaphore_mem>>
      %dma_start3A_97 = arith.constant 0 : i32
      %dma_start3A_98 = tpu.memref_slice %arg6[%multiple_of3A_12, %dma_start3A_97] : memref<10000x128xf32, #tpu.memory_space<vmem_shared>> -> memref<624x128xf32, #tpu.memory_space<vmem_shared>>
      %dma_start3A_99 = arith.constant 0 : i32
      %dma_start3A_100 = tpu.memref_slice %arg2[%multiple_of3A, %dma_start3A_99] : memref<20000x128xf32, #tpu.memory_space<hbm>> -> memref<624x128xf32, #tpu.memory_space<hbm>>
      tpu.enqueue_dma source(%dma_start3A_100 : memref<624x128xf32, #tpu.memory_space<hbm>>) target(%dma_start3A_98 : memref<624x128xf32, #tpu.memory_space<vmem_shared>>) target_semaphore(%run_scoped3A_96 : memref<!tpu.dma_semaphore, #tpu.memory_space<semaphore_mem>>)
      %dma_wait3A_101 = arith.constant 0 : i32
      %dma_wait3A_102 = tpu.memref_slice %arg6[%multiple_of3A_12, %dma_wait3A_101] : memref<10000x128xf32, #tpu.memory_space<vmem_shared>> -> memref<624x128xf32, #tpu.memory_space<vmem_shared>>
      %dma_wait3A_103 = arith.constant 0 : i32
      %dma_wait3A_104 = tpu.memref_slice %arg2[%multiple_of3A, %dma_wait3A_103] : memref<20000x128xf32, #tpu.memory_space<hbm>> -> memref<624x128xf32, #tpu.memory_space<hbm>>
      tpu.wait_dma2 semaphore(%run_scoped3A_96 : memref<!tpu.dma_semaphore, #tpu.memory_space<semaphore_mem>>) src(%dma_wait3A_104 : memref<624x128xf32, #tpu.memory_space<hbm>>) dst(%dma_wait3A_102 : memref<624x128xf32, #tpu.memory_space<vmem_shared>>)
      tpu.yield
    }) : () -> ()
    %eq3A = arith.constant 15 : i32
    %eq3A_13 = arith.cmpi eq, %arg1, %eq3A : i32
    %convert_element_type3A = arith.extui %eq3A_13 : i1 to i32
    %cond3A = arith.constant 0 : i32
    %cond3A_14 = arith.cmpi ne, %convert_element_type3A, %cond3A : i32
    scf.if %cond3A_14 {
      %add3A_96 = arith.constant 9984 : i32
      %add3A_97 = arith.addi %mul3A_6, %add3A_96 : i32
      %multiple_of3A_98 = tpu.assume_multiple %add3A_97, 8 : i32
      %multiple_of3A_99 = arith.constant 9984 : i32
      %multiple_of3A_100 = tpu.assume_multiple %multiple_of3A_99, 8 : i32
      "tpu.region"() ({
        %run_scoped3A_101 = tpu.sem_alloc : memref<!tpu.dma_semaphore, #tpu.memory_space<semaphore_mem>>
        %dma_start3A_102 = arith.constant 0 : i32
        %dma_start3A_103 = tpu.memref_slice %arg6[%multiple_of3A_100, %dma_start3A_102] : memref<10000x128xf32, #tpu.memory_space<vmem_shared>> -> memref<16x128xf32, #tpu.memory_space<vmem_shared>>
        %dma_start3A_104 = arith.constant 0 : i32
        %dma_start3A_105 = tpu.memref_slice %arg2[%multiple_of3A_98, %dma_start3A_104] : memref<20000x128xf32, #tpu.memory_space<hbm>> -> memref<16x128xf32, #tpu.memory_space<hbm>>
        tpu.enqueue_dma source(%dma_start3A_105 : memref<16x128xf32, #tpu.memory_space<hbm>>) target(%dma_start3A_103 : memref<16x128xf32, #tpu.memory_space<vmem_shared>>) target_semaphore(%run_scoped3A_101 : memref<!tpu.dma_semaphore, #tpu.memory_space<semaphore_mem>>)
        %dma_wait3A_106 = arith.constant 0 : i32
        %dma_wait3A_107 = tpu.memref_slice %arg6[%multiple_of3A_100, %dma_wait3A_106] : memref<10000x128xf32, #tpu.memory_space<vmem_shared>> -> memref<16x128xf32, #tpu.memory_space<vmem_shared>>
        %dma_wait3A_108 = arith.constant 0 : i32
        %dma_wait3A_109 = tpu.memref_slice %arg2[%multiple_of3A_98, %dma_wait3A_108] : memref<20000x128xf32, #tpu.memory_space<hbm>> -> memref<16x128xf32, #tpu.memory_space<hbm>>
        tpu.wait_dma2 semaphore(%run_scoped3A_101 : memref<!tpu.dma_semaphore, #tpu.memory_space<semaphore_mem>>) src(%dma_wait3A_109 : memref<16x128xf32, #tpu.memory_space<hbm>>) dst(%dma_wait3A_107 : memref<16x128xf32, #tpu.memory_space<vmem_shared>>)
        tpu.yield
      }) : () -> ()
    } else {
    }
    %run_scoped3A = arith.constant 0 : i32
    "tpu.region"() ({
      %run_scoped3A_96 = tpu.sem_alloc : memref<!tpu.dma_semaphore, #tpu.memory_space<semaphore_mem>>
      %dma_start3A_97 = arith.constant 0 : i32
      %dma_start3A_98 = arith.constant 0 : i32
      %dma_start3A_99 = tpu.memref_slice %arg7[%run_scoped3A, %dma_start3A_97, %dma_start3A_98] : memref<3x1x100xi32, #tpu.memory_space<vmem>> -> memref<1x1x100xi32, #tpu.memory_space<vmem>>
      %dma_start3A_100 = tpu.memref_squeeze %dma_start3A_99 : memref<1x1x100xi32, #tpu.memory_space<vmem>> -> memref<1x100xi32, #tpu.memory_space<vmem>>
      %dma_start3A_101 = arith.constant 0 : i32
      %dma_start3A_102 = arith.constant 0 : i32
      %dma_start3A_103 = tpu.memref_slice %arg3[%mul3A_2, %dma_start3A_101, %dma_start3A_102] : memref<3200x1x100xi32, #tpu.memory_space<hbm>> -> memref<1x1x100xi32, #tpu.memory_space<hbm>>
      %dma_start3A_104 = tpu.memref_squeeze %dma_start3A_103 : memref<1x1x100xi32, #tpu.memory_space<hbm>> -> memref<1x100xi32, #tpu.memory_space<hbm>>
      %dma_start3A_105 = arith.constant 0 : i32
      %dma_start3A_106 = arith.constant 0 : i32
      %dma_start3A_107 = tpu.memref_slice %arg7[%run_scoped3A, %dma_start3A_105, %dma_start3A_106] : memref<3x1x100xi32, #tpu.memory_space<vmem>> -> memref<1x1x100xi32, #tpu.memory_space<vmem>>
      %dma_start3A_108 = tpu.memref_squeeze %dma_start3A_107 : memref<1x1x100xi32, #tpu.memory_space<vmem>> -> memref<1x100xi32, #tpu.memory_space<vmem>>
      %dma_start3A_109 = arith.constant 0 : i32
      %dma_start3A_110 = arith.constant 0 : i32
      %dma_start3A_111 = tpu.memref_slice %arg3[%mul3A_2, %dma_start3A_109, %dma_start3A_110] : memref<3200x1x100xi32, #tpu.memory_space<hbm>> -> memref<1x1x100xi32, #tpu.memory_space<hbm>>
      %dma_start3A_112 = tpu.memref_squeeze %dma_start3A_111 : memref<1x1x100xi32, #tpu.memory_space<hbm>> -> memref<1x100xi32, #tpu.memory_space<hbm>>
      tpu.enqueue_dma source(%dma_start3A_112 : memref<1x100xi32, #tpu.memory_space<hbm>>) target(%dma_start3A_108 : memref<1x100xi32, #tpu.memory_space<vmem>>) target_semaphore(%run_scoped3A_96 : memref<!tpu.dma_semaphore, #tpu.memory_space<semaphore_mem>>)
      %dma_wait3A_113 = arith.constant 0 : i32
      %dma_wait3A_114 = arith.constant 0 : i32
      %dma_wait3A_115 = tpu.memref_slice %arg7[%run_scoped3A, %dma_wait3A_113, %dma_wait3A_114] : memref<3x1x100xi32, #tpu.memory_space<vmem>> -> memref<1x1x100xi32, #tpu.memory_space<vmem>>
      %dma_wait3A_116 = tpu.memref_squeeze %dma_wait3A_115 : memref<1x1x100xi32, #tpu.memory_space<vmem>> -> memref<1x100xi32, #tpu.memory_space<vmem>>
      %dma_wait3A_117 = arith.constant 0 : i32
      %dma_wait3A_118 = arith.constant 0 : i32
      %dma_wait3A_119 = tpu.memref_slice %arg3[%mul3A_2, %dma_wait3A_117, %dma_wait3A_118] : memref<3200x1x100xi32, #tpu.memory_space<hbm>> -> memref<1x1x100xi32, #tpu.memory_space<hbm>>
      %dma_wait3A_120 = tpu.memref_squeeze %dma_wait3A_119 : memref<1x1x100xi32, #tpu.memory_space<hbm>> -> memref<1x100xi32, #tpu.memory_space<hbm>>
      %dma_wait3A_121 = arith.constant 0 : i32
      %dma_wait3A_122 = arith.constant 0 : i32
      %dma_wait3A_123 = tpu.memref_slice %arg7[%run_scoped3A, %dma_wait3A_121, %dma_wait3A_122] : memref<3x1x100xi32, #tpu.memory_space<vmem>> -> memref<1x1x100xi32, #tpu.memory_space<vmem>>
      %dma_wait3A_124 = tpu.memref_squeeze %dma_wait3A_123 : memref<1x1x100xi32, #tpu.memory_space<vmem>> -> memref<1x100xi32, #tpu.memory_space<vmem>>
      %dma_wait3A_125 = arith.constant 0 : i32
      %dma_wait3A_126 = arith.constant 0 : i32
      %dma_wait3A_127 = tpu.memref_slice %arg3[%mul3A_2, %dma_wait3A_125, %dma_wait3A_126] : memref<3200x1x100xi32, #tpu.memory_space<hbm>> -> memref<1x1x100xi32, #tpu.memory_space<hbm>>
      %dma_wait3A_128 = tpu.memref_squeeze %dma_wait3A_127 : memref<1x1x100xi32, #tpu.memory_space<hbm>> -> memref<1x100xi32, #tpu.memory_space<hbm>>
      tpu.wait_dma2 semaphore(%run_scoped3A_96 : memref<!tpu.dma_semaphore, #tpu.memory_space<semaphore_mem>>) src(%dma_wait3A_128 : memref<1x100xi32, #tpu.memory_space<hbm>>) dst(%dma_wait3A_124 : memref<1x100xi32, #tpu.memory_space<vmem>>)
      tpu.yield
    }) : () -> ()
    %run_scoped3A_15 = arith.constant 0 : i32
    "tpu.region"() ({
      %run_scoped3A_96 = tpu.sem_alloc : memref<!tpu.dma_semaphore, #tpu.memory_space<semaphore_mem>>
      %dma_start3A_97 = arith.constant 0 : i32
      %dma_start3A_98 = arith.constant 0 : i32
      %dma_start3A_99 = tpu.memref_slice %arg8[%run_scoped3A_15, %dma_start3A_97, %dma_start3A_98] : memref<3x1x100xi32, #tpu.memory_space<vmem>> -> memref<1x1x100xi32, #tpu.memory_space<vmem>>
      %dma_start3A_100 = tpu.memref_squeeze %dma_start3A_99 : memref<1x1x100xi32, #tpu.memory_space<vmem>> -> memref<1x100xi32, #tpu.memory_space<vmem>>
      %dma_start3A_101 = arith.constant 0 : i32
      %dma_start3A_102 = arith.constant 0 : i32
      %dma_start3A_103 = tpu.memref_slice %arg4[%mul3A_4, %dma_start3A_101, %dma_start3A_102] : memref<1600x1x100xi32, #tpu.memory_space<hbm>> -> memref<1x1x100xi32, #tpu.memory_space<hbm>>
      %dma_start3A_104 = tpu.memref_squeeze %dma_start3A_103 : memref<1x1x100xi32, #tpu.memory_space<hbm>> -> memref<1x100xi32, #tpu.memory_space<hbm>>
      %dma_start3A_105 = arith.constant 0 : i32
      %dma_start3A_106 = arith.constant 0 : i32
      %dma_start3A_107 = tpu.memref_slice %arg8[%run_scoped3A_15, %dma_start3A_105, %dma_start3A_106] : memref<3x1x100xi32, #tpu.memory_space<vmem>> -> memref<1x1x100xi32, #tpu.memory_space<vmem>>
      %dma_start3A_108 = tpu.memref_squeeze %dma_start3A_107 : memref<1x1x100xi32, #tpu.memory_space<vmem>> -> memref<1x100xi32, #tpu.memory_space<vmem>>
      %dma_start3A_109 = arith.constant 0 : i32
      %dma_start3A_110 = arith.constant 0 : i32
      %dma_start3A_111 = tpu.memref_slice %arg4[%mul3A_4, %dma_start3A_109, %dma_start3A_110] : memref<1600x1x100xi32, #tpu.memory_space<hbm>> -> memref<1x1x100xi32, #tpu.memory_space<hbm>>
      %dma_start3A_112 = tpu.memref_squeeze %dma_start3A_111 : memref<1x1x100xi32, #tpu.memory_space<hbm>> -> memref<1x100xi32, #tpu.memory_space<hbm>>
      tpu.enqueue_dma source(%dma_start3A_112 : memref<1x100xi32, #tpu.memory_space<hbm>>) target(%dma_start3A_108 : memref<1x100xi32, #tpu.memory_space<vmem>>) target_semaphore(%run_scoped3A_96 : memref<!tpu.dma_semaphore, #tpu.memory_space<semaphore_mem>>)
      %dma_wait3A_113 = arith.constant 0 : i32
      %dma_wait3A_114 = arith.constant 0 : i32
      %dma_wait3A_115 = tpu.memref_slice %arg8[%run_scoped3A_15, %dma_wait3A_113, %dma_wait3A_114] : memref<3x1x100xi32, #tpu.memory_space<vmem>> -> memref<1x1x100xi32, #tpu.memory_space<vmem>>
      %dma_wait3A_116 = tpu.memref_squeeze %dma_wait3A_115 : memref<1x1x100xi32, #tpu.memory_space<vmem>> -> memref<1x100xi32, #tpu.memory_space<vmem>>
      %dma_wait3A_117 = arith.constant 0 : i32
      %dma_wait3A_118 = arith.constant 0 : i32
      %dma_wait3A_119 = tpu.memref_slice %arg4[%mul3A_4, %dma_wait3A_117, %dma_wait3A_118] : memref<1600x1x100xi32, #tpu.memory_space<hbm>> -> memref<1x1x100xi32, #tpu.memory_space<hbm>>
      %dma_wait3A_120 = tpu.memref_squeeze %dma_wait3A_119 : memref<1x1x100xi32, #tpu.memory_space<hbm>> -> memref<1x100xi32, #tpu.memory_space<hbm>>
      %dma_wait3A_121 = arith.constant 0 : i32
      %dma_wait3A_122 = arith.constant 0 : i32
      %dma_wait3A_123 = tpu.memref_slice %arg8[%run_scoped3A_15, %dma_wait3A_121, %dma_wait3A_122] : memref<3x1x100xi32, #tpu.memory_space<vmem>> -> memref<1x1x100xi32, #tpu.memory_space<vmem>>
      %dma_wait3A_124 = tpu.memref_squeeze %dma_wait3A_123 : memref<1x1x100xi32, #tpu.memory_space<vmem>> -> memref<1x100xi32, #tpu.memory_space<vmem>>
      %dma_wait3A_125 = arith.constant 0 : i32
      %dma_wait3A_126 = arith.constant 0 : i32
      %dma_wait3A_127 = tpu.memref_slice %arg4[%mul3A_4, %dma_wait3A_125, %dma_wait3A_126] : memref<1600x1x100xi32, #tpu.memory_space<hbm>> -> memref<1x1x100xi32, #tpu.memory_space<hbm>>
      %dma_wait3A_128 = tpu.memref_squeeze %dma_wait3A_127 : memref<1x1x100xi32, #tpu.memory_space<hbm>> -> memref<1x100xi32, #tpu.memory_space<hbm>>
      tpu.wait_dma2 semaphore(%run_scoped3A_96 : memref<!tpu.dma_semaphore, #tpu.memory_space<semaphore_mem>>) src(%dma_wait3A_128 : memref<1x100xi32, #tpu.memory_space<hbm>>) dst(%dma_wait3A_124 : memref<1x100xi32, #tpu.memory_space<vmem>>)
      tpu.yield
    }) : () -> ()
    %barrier3A = arith.constant 0 : index
    tpu.barrier barrier_id(%barrier3A)
    %dma_start3A = arith.constant 0 : i32
    %dma_start3A_16 = arith.constant 0 : i32
    %dma_start3A_17 = arith.constant 0 : i32
    %dma_start3A_18 = arith.constant 0 : i32
    %dma_start3A_19 = arith.constant 0 : i32
    %dma_start3A_20 = tpu.memref_slice %arg9[%dma_start3A_17, %dma_start3A_18, %dma_start3A_19] : memref<3x100x128xf32, #tpu.memory_space<vmem>> -> memref<1x100x128xf32, #tpu.memory_space<vmem>>
    %dma_start3A_21 = tpu.memref_squeeze %dma_start3A_20 : memref<1x100x128xf32, #tpu.memory_space<vmem>> -> memref<100x128xf32, #tpu.memory_space<vmem>>
    %dma_start3A_22 = arith.constant 0 : i32
    %dma_start3A_23 = tpu.memref_slice %arg7[%dma_start3A, %dma_start3A_16, %dma_start3A_22] : memref<3x1x100xi32, #tpu.memory_space<vmem>> -> memref<1x1x100xi32, #tpu.memory_space<vmem>>
    %dma_start3A_24 = tpu.memref_squeeze %dma_start3A_23 : memref<1x1x100xi32, #tpu.memory_space<vmem>> -> memref<100xi32, #tpu.memory_space<vmem>>
    %dma_start3A_25 = arith.constant 0 : i32
    %dma_start3A_26 = arith.constant 0 : i32
    %dma_start3A_27 = tpu.memref_slice %arg2[%dma_start3A_25, %dma_start3A_26] : memref<20000x128xf32, #tpu.memory_space<hbm>> -> memref<20000x128xf32, #tpu.memory_space<hbm>>
    tpu.enqueue_indirect_dma source(%dma_start3A_27 : memref<20000x128xf32, #tpu.memory_space<hbm>>) target(%dma_start3A_21 : memref<100x128xf32, #tpu.memory_space<vmem>>) offsets(%dma_start3A_24 : memref<100xi32, #tpu.memory_space<vmem>>) semaphore(%arg10 : memref<!tpu.dma_semaphore, #tpu.memory_space<semaphore_mem>>)
    %add3A_28 = arith.constant 1 : i32
    %add3A_29 = arith.addi %mul3A_2, %add3A_28 : i32
    %dma_start3A_30 = arith.constant 1 : i32
    %dma_start3A_31 = arith.constant 0 : i32
    %dma_start3A_32 = arith.constant 0 : i32
    %dma_start3A_33 = tpu.memref_slice %arg7[%dma_start3A_30, %dma_start3A_31, %dma_start3A_32] : memref<3x1x100xi32, #tpu.memory_space<vmem>> -> memref<1x1x100xi32, #tpu.memory_space<vmem>>
    %dma_start3A_34 = tpu.memref_squeeze %dma_start3A_33 : memref<1x1x100xi32, #tpu.memory_space<vmem>> -> memref<1x100xi32, #tpu.memory_space<vmem>>
    %dma_start3A_35 = arith.constant 0 : i32
    %dma_start3A_36 = arith.constant 0 : i32
    %dma_start3A_37 = tpu.memref_slice %arg3[%add3A_29, %dma_start3A_35, %dma_start3A_36] : memref<3200x1x100xi32, #tpu.memory_space<hbm>> -> memref<1x1x100xi32, #tpu.memory_space<hbm>>
    %dma_start3A_38 = tpu.memref_squeeze %dma_start3A_37 : memref<1x1x100xi32, #tpu.memory_space<hbm>> -> memref<1x100xi32, #tpu.memory_space<hbm>>
    %dma_start3A_39 = arith.constant 0 : i32
    %dma_start3A_40 = arith.constant 0 : i32
    %dma_start3A_41 = tpu.memref_slice %arg7[%dma_start3A_30, %dma_start3A_39, %dma_start3A_40] : memref<3x1x100xi32, #tpu.memory_space<vmem>> -> memref<1x1x100xi32, #tpu.memory_space<vmem>>
    %dma_start3A_42 = tpu.memref_squeeze %dma_start3A_41 : memref<1x1x100xi32, #tpu.memory_space<vmem>> -> memref<1x100xi32, #tpu.memory_space<vmem>>
    %dma_start3A_43 = arith.constant 0 : i32
    %dma_start3A_44 = arith.constant 0 : i32
    %dma_start3A_45 = tpu.memref_slice %arg3[%add3A_29, %dma_start3A_43, %dma_start3A_44] : memref<3200x1x100xi32, #tpu.memory_space<hbm>> -> memref<1x1x100xi32, #tpu.memory_space<hbm>>
    %dma_start3A_46 = tpu.memref_squeeze %dma_start3A_45 : memref<1x1x100xi32, #tpu.memory_space<hbm>> -> memref<1x100xi32, #tpu.memory_space<hbm>>
    tpu.enqueue_dma source(%dma_start3A_46 : memref<1x100xi32, #tpu.memory_space<hbm>>) target(%dma_start3A_42 : memref<1x100xi32, #tpu.memory_space<vmem>>) target_semaphore(%arg11 : memref<!tpu.dma_semaphore, #tpu.memory_space<semaphore_mem>>)
    %add3A_47 = arith.constant 1 : i32
    %add3A_48 = arith.addi %mul3A_4, %add3A_47 : i32
    %dma_start3A_49 = arith.constant 1 : i32
    %dma_start3A_50 = arith.constant 0 : i32
    %dma_start3A_51 = arith.constant 0 : i32
    %dma_start3A_52 = tpu.memref_slice %arg8[%dma_start3A_49, %dma_start3A_50, %dma_start3A_51] : memref<3x1x100xi32, #tpu.memory_space<vmem>> -> memref<1x1x100xi32, #tpu.memory_space<vmem>>
    %dma_start3A_53 = tpu.memref_squeeze %dma_start3A_52 : memref<1x1x100xi32, #tpu.memory_space<vmem>> -> memref<1x100xi32, #tpu.memory_space<vmem>>
    %dma_start3A_54 = arith.constant 0 : i32
    %dma_start3A_55 = arith.constant 0 : i32
    %dma_start3A_56 = tpu.memref_slice %arg4[%add3A_48, %dma_start3A_54, %dma_start3A_55] : memref<1600x1x100xi32, #tpu.memory_space<hbm>> -> memref<1x1x100xi32, #tpu.memory_space<hbm>>
    %dma_start3A_57 = tpu.memref_squeeze %dma_start3A_56 : memref<1x1x100xi32, #tpu.memory_space<hbm>> -> memref<1x100xi32, #tpu.memory_space<hbm>>
    %dma_start3A_58 = arith.constant 0 : i32
    %dma_start3A_59 = arith.constant 0 : i32
    %dma_start3A_60 = tpu.memref_slice %arg8[%dma_start3A_49, %dma_start3A_58, %dma_start3A_59] : memref<3x1x100xi32, #tpu.memory_space<vmem>> -> memref<1x1x100xi32, #tpu.memory_space<vmem>>
    %dma_start3A_61 = tpu.memref_squeeze %dma_start3A_60 : memref<1x1x100xi32, #tpu.memory_space<vmem>> -> memref<1x100xi32, #tpu.memory_space<vmem>>
    %dma_start3A_62 = arith.constant 0 : i32
    %dma_start3A_63 = arith.constant 0 : i32
    %dma_start3A_64 = tpu.memref_slice %arg4[%add3A_48, %dma_start3A_62, %dma_start3A_63] : memref<1600x1x100xi32, #tpu.memory_space<hbm>> -> memref<1x1x100xi32, #tpu.memory_space<hbm>>
    %dma_start3A_65 = tpu.memref_squeeze %dma_start3A_64 : memref<1x1x100xi32, #tpu.memory_space<hbm>> -> memref<1x100xi32, #tpu.memory_space<hbm>>
    tpu.enqueue_dma source(%dma_start3A_65 : memref<1x100xi32, #tpu.memory_space<hbm>>) target(%dma_start3A_61 : memref<1x100xi32, #tpu.memory_space<vmem>>) target_semaphore(%arg11 : memref<!tpu.dma_semaphore, #tpu.memory_space<semaphore_mem>>)
    %scan3A = arith.constant 0 : i32
    %scan3A_66 = arith.constant 0 : i32
    %scan3A_67 = arith.constant 100 : i32
    %scan3A_68 = arith.addi %scan3A_66, %scan3A_67 : i32
    %scan3A_69 = arith.constant 1 : i32
    scf.for %scan3A_96 = %scan3A_66 to %scan3A_68 step %scan3A_69  : i32 {
      %rem3A = arith.constant 3 : i32
      %rem3A_97 = arith.remsi %scan3A_96, %rem3A : i32
      %add3A_98 = arith.constant 1 : i32
      %add3A_99 = arith.addi %scan3A_96, %add3A_98 : i32
      %rem3A_100 = arith.constant 3 : i32
      %rem3A_101 = arith.remsi %add3A_99, %rem3A_100 : i32
      %add3A_102 = arith.constant 2 : i32
      %add3A_103 = arith.addi %scan3A_96, %add3A_102 : i32
      %rem3A_104 = arith.constant 3 : i32
      %rem3A_105 = arith.remsi %add3A_103, %rem3A_104 : i32
      %dma_wait3A_106 = arith.constant 0 : i32
      %dma_wait3A_107 = arith.constant 0 : i32
      %dma_wait3A_108 = arith.constant 0 : i32
      %dma_wait3A_109 = tpu.memref_slice %arg9[%rem3A_97, %dma_wait3A_107, %dma_wait3A_108] : memref<3x100x128xf32, #tpu.memory_space<vmem>> -> memref<1x100x128xf32, #tpu.memory_space<vmem>>
      %dma_wait3A_110 = tpu.memref_squeeze %dma_wait3A_109 : memref<1x100x128xf32, #tpu.memory_space<vmem>> -> memref<100x128xf32, #tpu.memory_space<vmem>>
      %dma_wait3A_111 = arith.constant 0 : i32
      %dma_wait3A_112 = tpu.memref_slice %arg7[%rem3A_97, %dma_wait3A_106, %dma_wait3A_111] : memref<3x1x100xi32, #tpu.memory_space<vmem>> -> memref<1x1x100xi32, #tpu.memory_space<vmem>>
      %dma_wait3A_113 = tpu.memref_squeeze %dma_wait3A_112 : memref<1x1x100xi32, #tpu.memory_space<vmem>> -> memref<100xi32, #tpu.memory_space<vmem>>
      %dma_wait3A_114 = arith.constant 0 : i32
      %dma_wait3A_115 = arith.constant 0 : i32
      %dma_wait3A_116 = tpu.memref_slice %arg2[%dma_wait3A_114, %dma_wait3A_115] : memref<20000x128xf32, #tpu.memory_space<hbm>> -> memref<20000x128xf32, #tpu.memory_space<hbm>>
      tpu.wait_indirect_dma semaphore(%arg10 : memref<!tpu.dma_semaphore, #tpu.memory_space<semaphore_mem>>) src(%dma_wait3A_116 : memref<20000x128xf32, #tpu.memory_space<hbm>>) dst(%dma_wait3A_110 : memref<100x128xf32, #tpu.memory_space<vmem>>)
      %dma_start3A_117 = arith.constant 0 : i32
      %dma_start3A_118 = arith.constant 0 : i32
      %dma_start3A_119 = arith.constant 0 : i32
      %dma_start3A_120 = tpu.memref_slice %arg9[%rem3A_97, %dma_start3A_118, %dma_start3A_119] : memref<3x100x128xf32, #tpu.memory_space<vmem>> -> memref<1x100x128xf32, #tpu.memory_space<vmem>>
      %dma_start3A_121 = tpu.memref_squeeze %dma_start3A_120 : memref<1x100x128xf32, #tpu.memory_space<vmem>> -> memref<100x128xf32, #tpu.memory_space<vmem>>
      %dma_start3A_122 = arith.constant 0 : i32
      %dma_start3A_123 = tpu.memref_slice %arg8[%rem3A_97, %dma_start3A_117, %dma_start3A_122] : memref<3x1x100xi32, #tpu.memory_space<vmem>> -> memref<1x1x100xi32, #tpu.memory_space<vmem>>
      %dma_start3A_124 = tpu.memref_squeeze %dma_start3A_123 : memref<1x1x100xi32, #tpu.memory_space<vmem>> -> memref<100xi32, #tpu.memory_space<vmem>>
      %dma_start3A_125 = arith.constant 0 : i32
      %dma_start3A_126 = arith.constant 0 : i32
      %dma_start3A_127 = tpu.memref_slice %arg6[%dma_start3A_125, %dma_start3A_126] : memref<10000x128xf32, #tpu.memory_space<vmem_shared>> -> memref<10000x128xf32, #tpu.memory_space<vmem_shared>>
      tpu.enqueue_indirect_dma source(%dma_start3A_121 : memref<100x128xf32, #tpu.memory_space<vmem>>) target(%dma_start3A_127 : memref<10000x128xf32, #tpu.memory_space<vmem_shared>>) offsets(%dma_start3A_124 : memref<100xi32, #tpu.memory_space<vmem>>) semaphore(%arg12 : memref<!tpu.dma_semaphore, #tpu.memory_space<semaphore_mem>>) {add = true}
      %ge3A = arith.constant 1 : i32
      %ge3A_128 = arith.cmpi sge, %scan3A_96, %ge3A : i32
      %convert_element_type3A_129 = arith.extui %ge3A_128 : i1 to i32
      %cond3A_130 = arith.constant 0 : i32
      %cond3A_131 = arith.cmpi ne, %convert_element_type3A_129, %cond3A_130 : i32
      scf.if %cond3A_131 {
        %add3A_145 = arith.constant 2 : i32
        %add3A_146 = arith.addi %scan3A_96, %add3A_145 : i32
        %rem3A_147 = arith.constant 3 : i32
        %rem3A_148 = arith.remsi %add3A_146, %rem3A_147 : i32
        %dma_wait3A_149 = arith.constant 0 : i32
        %dma_wait3A_150 = arith.constant 0 : i32
        %dma_wait3A_151 = arith.constant 0 : i32
        %dma_wait3A_152 = tpu.memref_slice %arg9[%rem3A_148, %dma_wait3A_150, %dma_wait3A_151] : memref<3x100x128xf32, #tpu.memory_space<vmem>> -> memref<1x100x128xf32, #tpu.memory_space<vmem>>
        %dma_wait3A_153 = tpu.memref_squeeze %dma_wait3A_152 : memref<1x100x128xf32, #tpu.memory_space<vmem>> -> memref<100x128xf32, #tpu.memory_space<vmem>>
        %dma_wait3A_154 = arith.constant 0 : i32
        %dma_wait3A_155 = tpu.memref_slice %arg8[%rem3A_148, %dma_wait3A_149, %dma_wait3A_154] : memref<3x1x100xi32, #tpu.memory_space<vmem>> -> memref<1x1x100xi32, #tpu.memory_space<vmem>>
        %dma_wait3A_156 = tpu.memref_squeeze %dma_wait3A_155 : memref<1x1x100xi32, #tpu.memory_space<vmem>> -> memref<100xi32, #tpu.memory_space<vmem>>
        %dma_wait3A_157 = arith.constant 0 : i32
        %dma_wait3A_158 = arith.constant 0 : i32
        %dma_wait3A_159 = tpu.memref_slice %arg6[%dma_wait3A_157, %dma_wait3A_158] : memref<10000x128xf32, #tpu.memory_space<vmem_shared>> -> memref<10000x128xf32, #tpu.memory_space<vmem_shared>>
        tpu.wait_indirect_dma semaphore(%arg12 : memref<!tpu.dma_semaphore, #tpu.memory_space<semaphore_mem>>) src(%dma_wait3A_153 : memref<100x128xf32, #tpu.memory_space<vmem>>) dst(%dma_wait3A_159 : memref<10000x128xf32, #tpu.memory_space<vmem_shared>>)
      } else {
      }
      %add3A_132 = arith.constant 1 : i32
      %add3A_133 = arith.addi %scan3A_96, %add3A_132 : i32
      %lt3A = arith.constant 100 : i32
      %lt3A_134 = arith.cmpi slt, %add3A_133, %lt3A : i32
      %convert_element_type3A_135 = arith.extui %lt3A_134 : i1 to i32
      %cond3A_136 = arith.constant 0 : i32
      %cond3A_137 = arith.cmpi ne, %convert_element_type3A_135, %cond3A_136 : i32
      scf.if %cond3A_137 {
        %add3A_145 = arith.addi %mul3A_2, %scan3A_96 : i32
        %add3A_146 = arith.constant 1 : i32
        %add3A_147 = arith.addi %add3A_145, %add3A_146 : i32
        %dma_wait3A_148 = arith.constant 0 : i32
        %dma_wait3A_149 = arith.constant 0 : i32
        %dma_wait3A_150 = tpu.memref_slice %arg7[%rem3A_101, %dma_wait3A_148, %dma_wait3A_149] : memref<3x1x100xi32, #tpu.memory_space<vmem>> -> memref<1x1x100xi32, #tpu.memory_space<vmem>>
        %dma_wait3A_151 = tpu.memref_squeeze %dma_wait3A_150 : memref<1x1x100xi32, #tpu.memory_space<vmem>> -> memref<1x100xi32, #tpu.memory_space<vmem>>
        %dma_wait3A_152 = arith.constant 0 : i32
        %dma_wait3A_153 = arith.constant 0 : i32
        %dma_wait3A_154 = tpu.memref_slice %arg3[%add3A_147, %dma_wait3A_152, %dma_wait3A_153] : memref<3200x1x100xi32, #tpu.memory_space<hbm>> -> memref<1x1x100xi32, #tpu.memory_space<hbm>>
        %dma_wait3A_155 = tpu.memref_squeeze %dma_wait3A_154 : memref<1x1x100xi32, #tpu.memory_space<hbm>> -> memref<1x100xi32, #tpu.memory_space<hbm>>
        %dma_wait3A_156 = arith.constant 0 : i32
        %dma_wait3A_157 = arith.constant 0 : i32
        %dma_wait3A_158 = tpu.memref_slice %arg7[%rem3A_101, %dma_wait3A_156, %dma_wait3A_157] : memref<3x1x100xi32, #tpu.memory_space<vmem>> -> memref<1x1x100xi32, #tpu.memory_space<vmem>>
        %dma_wait3A_159 = tpu.memref_squeeze %dma_wait3A_158 : memref<1x1x100xi32, #tpu.memory_space<vmem>> -> memref<1x100xi32, #tpu.memory_space<vmem>>
        %dma_wait3A_160 = arith.constant 0 : i32
        %dma_wait3A_161 = arith.constant 0 : i32
        %dma_wait3A_162 = tpu.memref_slice %arg3[%add3A_147, %dma_wait3A_160, %dma_wait3A_161] : memref<3200x1x100xi32, #tpu.memory_space<hbm>> -> memref<1x1x100xi32, #tpu.memory_space<hbm>>
        %dma_wait3A_163 = tpu.memref_squeeze %dma_wait3A_162 : memref<1x1x100xi32, #tpu.memory_space<hbm>> -> memref<1x100xi32, #tpu.memory_space<hbm>>
        tpu.wait_dma2 semaphore(%arg11 : memref<!tpu.dma_semaphore, #tpu.memory_space<semaphore_mem>>) src(%dma_wait3A_163 : memref<1x100xi32, #tpu.memory_space<hbm>>) dst(%dma_wait3A_159 : memref<1x100xi32, #tpu.memory_space<vmem>>)
        %add3A_164 = arith.addi %mul3A_4, %scan3A_96 : i32
        %add3A_165 = arith.constant 1 : i32
        %add3A_166 = arith.addi %add3A_164, %add3A_165 : i32
        %dma_wait3A_167 = arith.constant 0 : i32
        %dma_wait3A_168 = arith.constant 0 : i32
        %dma_wait3A_169 = tpu.memref_slice %arg8[%rem3A_101, %dma_wait3A_167, %dma_wait3A_168] : memref<3x1x100xi32, #tpu.memory_space<vmem>> -> memref<1x1x100xi32, #tpu.memory_space<vmem>>
        %dma_wait3A_170 = tpu.memref_squeeze %dma_wait3A_169 : memref<1x1x100xi32, #tpu.memory_space<vmem>> -> memref<1x100xi32, #tpu.memory_space<vmem>>
        %dma_wait3A_171 = arith.constant 0 : i32
        %dma_wait3A_172 = arith.constant 0 : i32
        %dma_wait3A_173 = tpu.memref_slice %arg4[%add3A_166, %dma_wait3A_171, %dma_wait3A_172] : memref<1600x1x100xi32, #tpu.memory_space<hbm>> -> memref<1x1x100xi32, #tpu.memory_space<hbm>>
        %dma_wait3A_174 = tpu.memref_squeeze %dma_wait3A_173 : memref<1x1x100xi32, #tpu.memory_space<hbm>> -> memref<1x100xi32, #tpu.memory_space<hbm>>
        %dma_wait3A_175 = arith.constant 0 : i32
        %dma_wait3A_176 = arith.constant 0 : i32
        %dma_wait3A_177 = tpu.memref_slice %arg8[%rem3A_101, %dma_wait3A_175, %dma_wait3A_176] : memref<3x1x100xi32, #tpu.memory_space<vmem>> -> memref<1x1x100xi32, #tpu.memory_space<vmem>>
        %dma_wait3A_178 = tpu.memref_squeeze %dma_wait3A_177 : memref<1x1x100xi32, #tpu.memory_space<vmem>> -> memref<1x100xi32, #tpu.memory_space<vmem>>
        %dma_wait3A_179 = arith.constant 0 : i32
        %dma_wait3A_180 = arith.constant 0 : i32
        %dma_wait3A_181 = tpu.memref_slice %arg4[%add3A_166, %dma_wait3A_179, %dma_wait3A_180] : memref<1600x1x100xi32, #tpu.memory_space<hbm>> -> memref<1x1x100xi32, #tpu.memory_space<hbm>>
        %dma_wait3A_182 = tpu.memref_squeeze %dma_wait3A_181 : memref<1x1x100xi32, #tpu.memory_space<hbm>> -> memref<1x100xi32, #tpu.memory_space<hbm>>
        tpu.wait_dma2 semaphore(%arg11 : memref<!tpu.dma_semaphore, #tpu.memory_space<semaphore_mem>>) src(%dma_wait3A_182 : memref<1x100xi32, #tpu.memory_space<hbm>>) dst(%dma_wait3A_178 : memref<1x100xi32, #tpu.memory_space<vmem>>)
        %dma_start3A_183 = arith.constant 0 : i32
        %dma_start3A_184 = arith.constant 0 : i32
        %dma_start3A_185 = arith.constant 0 : i32
        %dma_start3A_186 = tpu.memref_slice %arg9[%rem3A_101, %dma_start3A_184, %dma_start3A_185] : memref<3x100x128xf32, #tpu.memory_space<vmem>> -> memref<1x100x128xf32, #tpu.memory_space<vmem>>
        %dma_start3A_187 = tpu.memref_squeeze %dma_start3A_186 : memref<1x100x128xf32, #tpu.memory_space<vmem>> -> memref<100x128xf32, #tpu.memory_space<vmem>>
        %dma_start3A_188 = arith.constant 0 : i32
        %dma_start3A_189 = tpu.memref_slice %arg7[%rem3A_101, %dma_start3A_183, %dma_start3A_188] : memref<3x1x100xi32, #tpu.memory_space<vmem>> -> memref<1x1x100xi32, #tpu.memory_space<vmem>>
        %dma_start3A_190 = tpu.memref_squeeze %dma_start3A_189 : memref<1x1x100xi32, #tpu.memory_space<vmem>> -> memref<100xi32, #tpu.memory_space<vmem>>
        %dma_start3A_191 = arith.constant 0 : i32
        %dma_start3A_192 = arith.constant 0 : i32
        %dma_start3A_193 = tpu.memref_slice %arg2[%dma_start3A_191, %dma_start3A_192] : memref<20000x128xf32, #tpu.memory_space<hbm>> -> memref<20000x128xf32, #tpu.memory_space<hbm>>
        tpu.enqueue_indirect_dma source(%dma_start3A_193 : memref<20000x128xf32, #tpu.memory_space<hbm>>) target(%dma_start3A_187 : memref<100x128xf32, #tpu.memory_space<vmem>>) offsets(%dma_start3A_190 : memref<100xi32, #tpu.memory_space<vmem>>) semaphore(%arg10 : memref<!tpu.dma_semaphore, #tpu.memory_space<semaphore_mem>>)
      } else {
      }
      %add3A_138 = arith.constant 2 : i32
      %add3A_139 = arith.addi %scan3A_96, %add3A_138 : i32
      %lt3A_140 = arith.constant 100 : i32
      %lt3A_141 = arith.cmpi slt, %add3A_139, %lt3A_140 : i32
      %convert_element_type3A_142 = arith.extui %lt3A_141 : i1 to i32
      %cond3A_143 = arith.constant 0 : i32
      %cond3A_144 = arith.cmpi ne, %convert_element_type3A_142, %cond3A_143 : i32
      scf.if %cond3A_144 {
        %add3A_145 = arith.addi %mul3A_2, %scan3A_96 : i32
        %add3A_146 = arith.constant 2 : i32
        %add3A_147 = arith.addi %add3A_145, %add3A_146 : i32
        %dma_start3A_148 = arith.constant 0 : i32
        %dma_start3A_149 = arith.constant 0 : i32
        %dma_start3A_150 = tpu.memref_slice %arg7[%rem3A_105, %dma_start3A_148, %dma_start3A_149] : memref<3x1x100xi32, #tpu.memory_space<vmem>> -> memref<1x1x100xi32, #tpu.memory_space<vmem>>
        %dma_start3A_151 = tpu.memref_squeeze %dma_start3A_150 : memref<1x1x100xi32, #tpu.memory_space<vmem>> -> memref<1x100xi32, #tpu.memory_space<vmem>>
        %dma_start3A_152 = arith.constant 0 : i32
        %dma_start3A_153 = arith.constant 0 : i32
        %dma_start3A_154 = tpu.memref_slice %arg3[%add3A_147, %dma_start3A_152, %dma_start3A_153] : memref<3200x1x100xi32, #tpu.memory_space<hbm>> -> memref<1x1x100xi32, #tpu.memory_space<hbm>>
        %dma_start3A_155 = tpu.memref_squeeze %dma_start3A_154 : memref<1x1x100xi32, #tpu.memory_space<hbm>> -> memref<1x100xi32, #tpu.memory_space<hbm>>
        %dma_start3A_156 = arith.constant 0 : i32
        %dma_start3A_157 = arith.constant 0 : i32
        %dma_start3A_158 = tpu.memref_slice %arg7[%rem3A_105, %dma_start3A_156, %dma_start3A_157] : memref<3x1x100xi32, #tpu.memory_space<vmem>> -> memref<1x1x100xi32, #tpu.memory_space<vmem>>
        %dma_start3A_159 = tpu.memref_squeeze %dma_start3A_158 : memref<1x1x100xi32, #tpu.memory_space<vmem>> -> memref<1x100xi32, #tpu.memory_space<vmem>>
        %dma_start3A_160 = arith.constant 0 : i32
        %dma_start3A_161 = arith.constant 0 : i32
        %dma_start3A_162 = tpu.memref_slice %arg3[%add3A_147, %dma_start3A_160, %dma_start3A_161] : memref<3200x1x100xi32, #tpu.memory_space<hbm>> -> memref<1x1x100xi32, #tpu.memory_space<hbm>>
        %dma_start3A_163 = tpu.memref_squeeze %dma_start3A_162 : memref<1x1x100xi32, #tpu.memory_space<hbm>> -> memref<1x100xi32, #tpu.memory_space<hbm>>
        tpu.enqueue_dma source(%dma_start3A_163 : memref<1x100xi32, #tpu.memory_space<hbm>>) target(%dma_start3A_159 : memref<1x100xi32, #tpu.memory_space<vmem>>) target_semaphore(%arg11 : memref<!tpu.dma_semaphore, #tpu.memory_space<semaphore_mem>>)
        %add3A_164 = arith.addi %mul3A_4, %scan3A_96 : i32
        %add3A_165 = arith.constant 2 : i32
        %add3A_166 = arith.addi %add3A_164, %add3A_165 : i32
        %dma_start3A_167 = arith.constant 0 : i32
        %dma_start3A_168 = arith.constant 0 : i32
        %dma_start3A_169 = tpu.memref_slice %arg8[%rem3A_105, %dma_start3A_167, %dma_start3A_168] : memref<3x1x100xi32, #tpu.memory_space<vmem>> -> memref<1x1x100xi32, #tpu.memory_space<vmem>>
        %dma_start3A_170 = tpu.memref_squeeze %dma_start3A_169 : memref<1x1x100xi32, #tpu.memory_space<vmem>> -> memref<1x100xi32, #tpu.memory_space<vmem>>
        %dma_start3A_171 = arith.constant 0 : i32
        %dma_start3A_172 = arith.constant 0 : i32
        %dma_start3A_173 = tpu.memref_slice %arg4[%add3A_166, %dma_start3A_171, %dma_start3A_172] : memref<1600x1x100xi32, #tpu.memory_space<hbm>> -> memref<1x1x100xi32, #tpu.memory_space<hbm>>
        %dma_start3A_174 = tpu.memref_squeeze %dma_start3A_173 : memref<1x1x100xi32, #tpu.memory_space<hbm>> -> memref<1x100xi32, #tpu.memory_space<hbm>>
        %dma_start3A_175 = arith.constant 0 : i32
        %dma_start3A_176 = arith.constant 0 : i32
        %dma_start3A_177 = tpu.memref_slice %arg8[%rem3A_105, %dma_start3A_175, %dma_start3A_176] : memref<3x1x100xi32, #tpu.memory_space<vmem>> -> memref<1x1x100xi32, #tpu.memory_space<vmem>>
        %dma_start3A_178 = tpu.memref_squeeze %dma_start3A_177 : memref<1x1x100xi32, #tpu.memory_space<vmem>> -> memref<1x100xi32, #tpu.memory_space<vmem>>
        %dma_start3A_179 = arith.constant 0 : i32
        %dma_start3A_180 = arith.constant 0 : i32
        %dma_start3A_181 = tpu.memref_slice %arg4[%add3A_166, %dma_start3A_179, %dma_start3A_180] : memref<1600x1x100xi32, #tpu.memory_space<hbm>> -> memref<1x1x100xi32, #tpu.memory_space<hbm>>
        %dma_start3A_182 = tpu.memref_squeeze %dma_start3A_181 : memref<1x1x100xi32, #tpu.memory_space<hbm>> -> memref<1x100xi32, #tpu.memory_space<hbm>>
        tpu.enqueue_dma source(%dma_start3A_182 : memref<1x100xi32, #tpu.memory_space<hbm>>) target(%dma_start3A_178 : memref<1x100xi32, #tpu.memory_space<vmem>>) target_semaphore(%arg11 : memref<!tpu.dma_semaphore, #tpu.memory_space<semaphore_mem>>)
      } else {
      }
    }
    %scan3A_70 = arith.constant 100 : i32
    %dma_wait3A = arith.constant 0 : i32
    %dma_wait3A_71 = arith.constant 0 : i32
    %dma_wait3A_72 = arith.constant 0 : i32
    %dma_wait3A_73 = arith.constant 0 : i32
    %dma_wait3A_74 = arith.constant 0 : i32
    %dma_wait3A_75 = tpu.memref_slice %arg9[%dma_wait3A, %dma_wait3A_73, %dma_wait3A_74] : memref<3x100x128xf32, #tpu.memory_space<vmem>> -> memref<1x100x128xf32, #tpu.memory_space<vmem>>
    %dma_wait3A_76 = tpu.memref_squeeze %dma_wait3A_75 : memref<1x100x128xf32, #tpu.memory_space<vmem>> -> memref<100x128xf32, #tpu.memory_space<vmem>>
    %dma_wait3A_77 = arith.constant 0 : i32
    %dma_wait3A_78 = tpu.memref_slice %arg8[%dma_wait3A_71, %dma_wait3A_72, %dma_wait3A_77] : memref<3x1x100xi32, #tpu.memory_space<vmem>> -> memref<1x1x100xi32, #tpu.memory_space<vmem>>
    %dma_wait3A_79 = tpu.memref_squeeze %dma_wait3A_78 : memref<1x1x100xi32, #tpu.memory_space<vmem>> -> memref<100xi32, #tpu.memory_space<vmem>>
    %dma_wait3A_80 = arith.constant 0 : i32
    %dma_wait3A_81 = arith.constant 0 : i32
    %dma_wait3A_82 = tpu.memref_slice %arg6[%dma_wait3A_80, %dma_wait3A_81] : memref<10000x128xf32, #tpu.memory_space<vmem_shared>> -> memref<10000x128xf32, #tpu.memory_space<vmem_shared>>
    tpu.wait_indirect_dma semaphore(%arg12 : memref<!tpu.dma_semaphore, #tpu.memory_space<semaphore_mem>>) src(%dma_wait3A_76 : memref<100x128xf32, #tpu.memory_space<vmem>>) dst(%dma_wait3A_82 : memref<10000x128xf32, #tpu.memory_space<vmem_shared>>)
    %barrier3A_83 = arith.constant 0 : index
    tpu.barrier barrier_id(%barrier3A_83)
    %mul3A_84 = arith.constant 624 : i32
    %mul3A_85 = arith.muli %arg1, %mul3A_84 : i32
    %add3A_86 = arith.constant 0 : i32
    %add3A_87 = arith.addi %add3A_86, %mul3A_85 : i32
    %multiple_of3A_88 = tpu.assume_multiple %add3A_87, 8 : i32
    %add3A_89 = arith.addi %mul3A_6, %mul3A_85 : i32
    %multiple_of3A_90 = tpu.assume_multiple %add3A_89, 8 : i32
    "tpu.region"() ({
      %run_scoped3A_96 = tpu.sem_alloc : memref<!tpu.dma_semaphore, #tpu.memory_space<semaphore_mem>>
      %dma_start3A_97 = arith.constant 0 : i32
      %dma_start3A_98 = tpu.memref_slice %arg5[%multiple_of3A_90, %dma_start3A_97] : memref<20000x128xf32, #tpu.memory_space<hbm>> -> memref<624x128xf32, #tpu.memory_space<hbm>>
      %dma_start3A_99 = arith.constant 0 : i32
      %dma_start3A_100 = tpu.memref_slice %arg6[%multiple_of3A_88, %dma_start3A_99] : memref<10000x128xf32, #tpu.memory_space<vmem_shared>> -> memref<624x128xf32, #tpu.memory_space<vmem_shared>>
      tpu.enqueue_dma source(%dma_start3A_100 : memref<624x128xf32, #tpu.memory_space<vmem_shared>>) target(%dma_start3A_98 : memref<624x128xf32, #tpu.memory_space<hbm>>) target_semaphore(%run_scoped3A_96 : memref<!tpu.dma_semaphore, #tpu.memory_space<semaphore_mem>>)
      %dma_wait3A_101 = arith.constant 0 : i32
      %dma_wait3A_102 = tpu.memref_slice %arg5[%multiple_of3A_90, %dma_wait3A_101] : memref<20000x128xf32, #tpu.memory_space<hbm>> -> memref<624x128xf32, #tpu.memory_space<hbm>>
      %dma_wait3A_103 = arith.constant 0 : i32
      %dma_wait3A_104 = tpu.memref_slice %arg6[%multiple_of3A_88, %dma_wait3A_103] : memref<10000x128xf32, #tpu.memory_space<vmem_shared>> -> memref<624x128xf32, #tpu.memory_space<vmem_shared>>
      tpu.wait_dma2 semaphore(%run_scoped3A_96 : memref<!tpu.dma_semaphore, #tpu.memory_space<semaphore_mem>>) src(%dma_wait3A_104 : memref<624x128xf32, #tpu.memory_space<vmem_shared>>) dst(%dma_wait3A_102 : memref<624x128xf32, #tpu.memory_space<hbm>>)
      tpu.yield
    }) : () -> ()
    %eq3A_91 = arith.constant 15 : i32
    %eq3A_92 = arith.cmpi eq, %arg1, %eq3A_91 : i32
    %convert_element_type3A_93 = arith.extui %eq3A_92 : i1 to i32
    %cond3A_94 = arith.constant 0 : i32
    %cond3A_95 = arith.cmpi ne, %convert_element_type3A_93, %cond3A_94 : i32
    scf.if %cond3A_95 {
      %multiple_of3A_96 = arith.constant 9984 : i32
      %multiple_of3A_97 = tpu.assume_multiple %multiple_of3A_96, 8 : i32
      %add3A_98 = arith.constant 9984 : i32
      %add3A_99 = arith.addi %mul3A_6, %add3A_98 : i32
      %multiple_of3A_100 = tpu.assume_multiple %add3A_99, 8 : i32
      "tpu.region"() ({
        %run_scoped3A_101 = tpu.sem_alloc : memref<!tpu.dma_semaphore, #tpu.memory_space<semaphore_mem>>
        %dma_start3A_102 = arith.constant 0 : i32
        %dma_start3A_103 = tpu.memref_slice %arg5[%multiple_of3A_100, %dma_start3A_102] : memref<20000x128xf32, #tpu.memory_space<hbm>> -> memref<16x128xf32, #tpu.memory_space<hbm>>
        %dma_start3A_104 = arith.constant 0 : i32
        %dma_start3A_105 = tpu.memref_slice %arg6[%multiple_of3A_97, %dma_start3A_104] : memref<10000x128xf32, #tpu.memory_space<vmem_shared>> -> memref<16x128xf32, #tpu.memory_space<vmem_shared>>
        tpu.enqueue_dma source(%dma_start3A_105 : memref<16x128xf32, #tpu.memory_space<vmem_shared>>) target(%dma_start3A_103 : memref<16x128xf32, #tpu.memory_space<hbm>>) target_semaphore(%run_scoped3A_101 : memref<!tpu.dma_semaphore, #tpu.memory_space<semaphore_mem>>)
        %dma_wait3A_106 = arith.constant 0 : i32
        %dma_wait3A_107 = tpu.memref_slice %arg5[%multiple_of3A_100, %dma_wait3A_106] : memref<20000x128xf32, #tpu.memory_space<hbm>> -> memref<16x128xf32, #tpu.memory_space<hbm>>
        %dma_wait3A_108 = arith.constant 0 : i32
        %dma_wait3A_109 = tpu.memref_slice %arg6[%multiple_of3A_97, %dma_wait3A_108] : memref<10000x128xf32, #tpu.memory_space<vmem_shared>> -> memref<16x128xf32, #tpu.memory_space<vmem_shared>>
        tpu.wait_dma2 semaphore(%run_scoped3A_101 : memref<!tpu.dma_semaphore, #tpu.memory_space<semaphore_mem>>) src(%dma_wait3A_109 : memref<16x128xf32, #tpu.memory_space<vmem_shared>>) dst(%dma_wait3A_107 : memref<16x128xf32, #tpu.memory_space<hbm>>)
        tpu.yield
      }) : () -> ()
    } else {
    }
    return
  }
}

#map = affine_map<(d0, d1) -> (0, 0)>
#map1 = affine_map<(d0, d1) -> (0, 0, 0)>
module attributes {stable_mosaic.version = 14 : i64} {
  func.func @_prop_body(%arg0: i32, %arg1: i32, %arg2: memref<20000x128xf32, #tpu.memory_space<hbm>>, %arg3: memref<3200x1x100xi32, #tpu.memory_space<hbm>>, %arg4: memref<1600x1x100xi32, #tpu.memory_space<hbm>>, %arg5: memref<20000x128xf32, #tpu.memory_space<hbm>>, %arg6: memref<10000x128xf32, #tpu.memory_space<vmem_shared>>, %arg7: memref<3x1x100xi32, #tpu.memory_space<vmem>>, %arg8: memref<3x1x100xi32, #tpu.memory_space<vmem>>, %arg9: memref<3x100x128xf32, #tpu.memory_space<vmem>>, %arg10: memref<!tpu.dma_semaphore, #tpu.memory_space<semaphore_mem>>, %arg11: memref<!tpu.dma_semaphore, #tpu.memory_space<semaphore_mem>>, %arg12: memref<!tpu.dma_semaphore, #tpu.memory_space<semaphore_mem>>) attributes {dimension_semantics = [#tpu.dimension_semantics<core_parallel>, #tpu.dimension_semantics<subcore_parallel>], iteration_bounds = array<i64: 2, 16>, scalar_prefetch = 0 : i64, scratch_operands = 7 : i64, tpu.core_type = #tpu.core_type<sc_vector_subcore>, window_params = [{transform_indices = #map}, {transform_indices = #map1}, {transform_indices = #map1}, {transform_indices = #map}]} {
    %mul3A = arith.constant 16 : i32
    %mul3A_0 = arith.muli %arg0, %mul3A : i32
    %add3A = arith.addi %mul3A_0, %arg1 : i32
    %mul3A_1 = arith.constant 100 : i32
    %mul3A_2 = arith.muli %add3A, %mul3A_1 : i32
    %mul3A_3 = arith.constant 100 : i32
    %mul3A_4 = arith.muli %arg1, %mul3A_3 : i32
    %mul3A_5 = arith.constant 10000 : i32
    %mul3A_6 = arith.muli %arg0, %mul3A_5 : i32
    %mul3A_7 = arith.constant 624 : i32
    %mul3A_8 = arith.muli %arg1, %mul3A_7 : i32
    %add3A_9 = arith.addi %mul3A_6, %mul3A_8 : i32
    %multiple_of3A = tpu.assume_multiple %add3A_9, 8 : i32
    %add3A_10 = arith.constant 0 : i32
    %add3A_11 = arith.addi %add3A_10, %mul3A_8 : i32
    %multiple_of3A_12 = tpu.assume_multiple %add3A_11, 8 : i32
    "tpu.region"() ({
      %run_scoped3A_96 = tpu.sem_alloc : memref<!tpu.dma_semaphore, #tpu.memory_space<semaphore_mem>>
      %dma_start3A_97 = arith.constant 0 : i32
      %dma_start3A_98 = tpu.memref_slice %arg6[%multiple_of3A_12, %dma_start3A_97] : memref<10000x128xf32, #tpu.memory_space<vmem_shared>> -> memref<624x128xf32, #tpu.memory_space<vmem_shared>>
      %dma_start3A_99 = arith.constant 0 : i32
      %dma_start3A_100 = tpu.memref_slice %arg2[%multiple_of3A, %dma_start3A_99] : memref<20000x128xf32, #tpu.memory_space<hbm>> -> memref<624x128xf32, #tpu.memory_space<hbm>>
      tpu.enqueue_dma source(%dma_start3A_100 : memref<624x128xf32, #tpu.memory_space<hbm>>) target(%dma_start3A_98 : memref<624x128xf32, #tpu.memory_space<vmem_shared>>) target_semaphore(%run_scoped3A_96 : memref<!tpu.dma_semaphore, #tpu.memory_space<semaphore_mem>>)
      %dma_wait3A_101 = arith.constant 0 : i32
      %dma_wait3A_102 = tpu.memref_slice %arg6[%multiple_of3A_12, %dma_wait3A_101] : memref<10000x128xf32, #tpu.memory_space<vmem_shared>> -> memref<624x128xf32, #tpu.memory_space<vmem_shared>>
      %dma_wait3A_103 = arith.constant 0 : i32
      %dma_wait3A_104 = tpu.memref_slice %arg2[%multiple_of3A, %dma_wait3A_103] : memref<20000x128xf32, #tpu.memory_space<hbm>> -> memref<624x128xf32, #tpu.memory_space<hbm>>
      tpu.wait_dma2 semaphore(%run_scoped3A_96 : memref<!tpu.dma_semaphore, #tpu.memory_space<semaphore_mem>>) src(%dma_wait3A_104 : memref<624x128xf32, #tpu.memory_space<hbm>>) dst(%dma_wait3A_102 : memref<624x128xf32, #tpu.memory_space<vmem_shared>>)
      tpu.yield
    }) : () -> ()
    %eq3A = arith.constant 15 : i32
    %eq3A_13 = arith.cmpi eq, %arg1, %eq3A : i32
    %convert_element_type3A = arith.extui %eq3A_13 : i1 to i32
    %cond3A = arith.constant 0 : i32
    %cond3A_14 = arith.cmpi ne, %convert_element_type3A, %cond3A : i32
    scf.if %cond3A_14 {
      %add3A_96 = arith.constant 9984 : i32
      %add3A_97 = arith.addi %mul3A_6, %add3A_96 : i32
      %multiple_of3A_98 = tpu.assume_multiple %add3A_97, 8 : i32
      %multiple_of3A_99 = arith.constant 9984 : i32
      %multiple_of3A_100 = tpu.assume_multiple %multiple_of3A_99, 8 : i32
      "tpu.region"() ({
        %run_scoped3A_101 = tpu.sem_alloc : memref<!tpu.dma_semaphore, #tpu.memory_space<semaphore_mem>>
        %dma_start3A_102 = arith.constant 0 : i32
        %dma_start3A_103 = tpu.memref_slice %arg6[%multiple_of3A_100, %dma_start3A_102] : memref<10000x128xf32, #tpu.memory_space<vmem_shared>> -> memref<16x128xf32, #tpu.memory_space<vmem_shared>>
        %dma_start3A_104 = arith.constant 0 : i32
        %dma_start3A_105 = tpu.memref_slice %arg2[%multiple_of3A_98, %dma_start3A_104] : memref<20000x128xf32, #tpu.memory_space<hbm>> -> memref<16x128xf32, #tpu.memory_space<hbm>>
        tpu.enqueue_dma source(%dma_start3A_105 : memref<16x128xf32, #tpu.memory_space<hbm>>) target(%dma_start3A_103 : memref<16x128xf32, #tpu.memory_space<vmem_shared>>) target_semaphore(%run_scoped3A_101 : memref<!tpu.dma_semaphore, #tpu.memory_space<semaphore_mem>>)
        %dma_wait3A_106 = arith.constant 0 : i32
        %dma_wait3A_107 = tpu.memref_slice %arg6[%multiple_of3A_100, %dma_wait3A_106] : memref<10000x128xf32, #tpu.memory_space<vmem_shared>> -> memref<16x128xf32, #tpu.memory_space<vmem_shared>>
        %dma_wait3A_108 = arith.constant 0 : i32
        %dma_wait3A_109 = tpu.memref_slice %arg2[%multiple_of3A_98, %dma_wait3A_108] : memref<20000x128xf32, #tpu.memory_space<hbm>> -> memref<16x128xf32, #tpu.memory_space<hbm>>
        tpu.wait_dma2 semaphore(%run_scoped3A_101 : memref<!tpu.dma_semaphore, #tpu.memory_space<semaphore_mem>>) src(%dma_wait3A_109 : memref<16x128xf32, #tpu.memory_space<hbm>>) dst(%dma_wait3A_107 : memref<16x128xf32, #tpu.memory_space<vmem_shared>>)
        tpu.yield
      }) : () -> ()
    } else {
    }
    %run_scoped3A = arith.constant 0 : i32
    "tpu.region"() ({
      %run_scoped3A_96 = tpu.sem_alloc : memref<!tpu.dma_semaphore, #tpu.memory_space<semaphore_mem>>
      %dma_start3A_97 = arith.constant 0 : i32
      %dma_start3A_98 = arith.constant 0 : i32
      %dma_start3A_99 = tpu.memref_slice %arg7[%run_scoped3A, %dma_start3A_97, %dma_start3A_98] : memref<3x1x100xi32, #tpu.memory_space<vmem>> -> memref<1x1x100xi32, #tpu.memory_space<vmem>>
      %dma_start3A_100 = tpu.memref_squeeze %dma_start3A_99 : memref<1x1x100xi32, #tpu.memory_space<vmem>> -> memref<1x100xi32, #tpu.memory_space<vmem>>
      %dma_start3A_101 = arith.constant 0 : i32
      %dma_start3A_102 = arith.constant 0 : i32
      %dma_start3A_103 = tpu.memref_slice %arg3[%mul3A_2, %dma_start3A_101, %dma_start3A_102] : memref<3200x1x100xi32, #tpu.memory_space<hbm>> -> memref<1x1x100xi32, #tpu.memory_space<hbm>>
      %dma_start3A_104 = tpu.memref_squeeze %dma_start3A_103 : memref<1x1x100xi32, #tpu.memory_space<hbm>> -> memref<1x100xi32, #tpu.memory_space<hbm>>
      %dma_start3A_105 = arith.constant 0 : i32
      %dma_start3A_106 = arith.constant 0 : i32
      %dma_start3A_107 = tpu.memref_slice %arg7[%run_scoped3A, %dma_start3A_105, %dma_start3A_106] : memref<3x1x100xi32, #tpu.memory_space<vmem>> -> memref<1x1x100xi32, #tpu.memory_space<vmem>>
      %dma_start3A_108 = tpu.memref_squeeze %dma_start3A_107 : memref<1x1x100xi32, #tpu.memory_space<vmem>> -> memref<1x100xi32, #tpu.memory_space<vmem>>
      %dma_start3A_109 = arith.constant 0 : i32
      %dma_start3A_110 = arith.constant 0 : i32
      %dma_start3A_111 = tpu.memref_slice %arg3[%mul3A_2, %dma_start3A_109, %dma_start3A_110] : memref<3200x1x100xi32, #tpu.memory_space<hbm>> -> memref<1x1x100xi32, #tpu.memory_space<hbm>>
      %dma_start3A_112 = tpu.memref_squeeze %dma_start3A_111 : memref<1x1x100xi32, #tpu.memory_space<hbm>> -> memref<1x100xi32, #tpu.memory_space<hbm>>
      tpu.enqueue_dma source(%dma_start3A_112 : memref<1x100xi32, #tpu.memory_space<hbm>>) target(%dma_start3A_108 : memref<1x100xi32, #tpu.memory_space<vmem>>) target_semaphore(%run_scoped3A_96 : memref<!tpu.dma_semaphore, #tpu.memory_space<semaphore_mem>>)
      %dma_wait3A_113 = arith.constant 0 : i32
      %dma_wait3A_114 = arith.constant 0 : i32
      %dma_wait3A_115 = tpu.memref_slice %arg7[%run_scoped3A, %dma_wait3A_113, %dma_wait3A_114] : memref<3x1x100xi32, #tpu.memory_space<vmem>> -> memref<1x1x100xi32, #tpu.memory_space<vmem>>
      %dma_wait3A_116 = tpu.memref_squeeze %dma_wait3A_115 : memref<1x1x100xi32, #tpu.memory_space<vmem>> -> memref<1x100xi32, #tpu.memory_space<vmem>>
      %dma_wait3A_117 = arith.constant 0 : i32
      %dma_wait3A_118 = arith.constant 0 : i32
      %dma_wait3A_119 = tpu.memref_slice %arg3[%mul3A_2, %dma_wait3A_117, %dma_wait3A_118] : memref<3200x1x100xi32, #tpu.memory_space<hbm>> -> memref<1x1x100xi32, #tpu.memory_space<hbm>>
      %dma_wait3A_120 = tpu.memref_squeeze %dma_wait3A_119 : memref<1x1x100xi32, #tpu.memory_space<hbm>> -> memref<1x100xi32, #tpu.memory_space<hbm>>
      %dma_wait3A_121 = arith.constant 0 : i32
      %dma_wait3A_122 = arith.constant 0 : i32
      %dma_wait3A_123 = tpu.memref_slice %arg7[%run_scoped3A, %dma_wait3A_121, %dma_wait3A_122] : memref<3x1x100xi32, #tpu.memory_space<vmem>> -> memref<1x1x100xi32, #tpu.memory_space<vmem>>
      %dma_wait3A_124 = tpu.memref_squeeze %dma_wait3A_123 : memref<1x1x100xi32, #tpu.memory_space<vmem>> -> memref<1x100xi32, #tpu.memory_space<vmem>>
      %dma_wait3A_125 = arith.constant 0 : i32
      %dma_wait3A_126 = arith.constant 0 : i32
      %dma_wait3A_127 = tpu.memref_slice %arg3[%mul3A_2, %dma_wait3A_125, %dma_wait3A_126] : memref<3200x1x100xi32, #tpu.memory_space<hbm>> -> memref<1x1x100xi32, #tpu.memory_space<hbm>>
      %dma_wait3A_128 = tpu.memref_squeeze %dma_wait3A_127 : memref<1x1x100xi32, #tpu.memory_space<hbm>> -> memref<1x100xi32, #tpu.memory_space<hbm>>
      tpu.wait_dma2 semaphore(%run_scoped3A_96 : memref<!tpu.dma_semaphore, #tpu.memory_space<semaphore_mem>>) src(%dma_wait3A_128 : memref<1x100xi32, #tpu.memory_space<hbm>>) dst(%dma_wait3A_124 : memref<1x100xi32, #tpu.memory_space<vmem>>)
      tpu.yield
    }) : () -> ()
    %run_scoped3A_15 = arith.constant 0 : i32
    "tpu.region"() ({
      %run_scoped3A_96 = tpu.sem_alloc : memref<!tpu.dma_semaphore, #tpu.memory_space<semaphore_mem>>
      %dma_start3A_97 = arith.constant 0 : i32
      %dma_start3A_98 = arith.constant 0 : i32
      %dma_start3A_99 = tpu.memref_slice %arg8[%run_scoped3A_15, %dma_start3A_97, %dma_start3A_98] : memref<3x1x100xi32, #tpu.memory_space<vmem>> -> memref<1x1x100xi32, #tpu.memory_space<vmem>>
      %dma_start3A_100 = tpu.memref_squeeze %dma_start3A_99 : memref<1x1x100xi32, #tpu.memory_space<vmem>> -> memref<1x100xi32, #tpu.memory_space<vmem>>
      %dma_start3A_101 = arith.constant 0 : i32
      %dma_start3A_102 = arith.constant 0 : i32
      %dma_start3A_103 = tpu.memref_slice %arg4[%mul3A_4, %dma_start3A_101, %dma_start3A_102] : memref<1600x1x100xi32, #tpu.memory_space<hbm>> -> memref<1x1x100xi32, #tpu.memory_space<hbm>>
      %dma_start3A_104 = tpu.memref_squeeze %dma_start3A_103 : memref<1x1x100xi32, #tpu.memory_space<hbm>> -> memref<1x100xi32, #tpu.memory_space<hbm>>
      %dma_start3A_105 = arith.constant 0 : i32
      %dma_start3A_106 = arith.constant 0 : i32
      %dma_start3A_107 = tpu.memref_slice %arg8[%run_scoped3A_15, %dma_start3A_105, %dma_start3A_106] : memref<3x1x100xi32, #tpu.memory_space<vmem>> -> memref<1x1x100xi32, #tpu.memory_space<vmem>>
      %dma_start3A_108 = tpu.memref_squeeze %dma_start3A_107 : memref<1x1x100xi32, #tpu.memory_space<vmem>> -> memref<1x100xi32, #tpu.memory_space<vmem>>
      %dma_start3A_109 = arith.constant 0 : i32
      %dma_start3A_110 = arith.constant 0 : i32
      %dma_start3A_111 = tpu.memref_slice %arg4[%mul3A_4, %dma_start3A_109, %dma_start3A_110] : memref<1600x1x100xi32, #tpu.memory_space<hbm>> -> memref<1x1x100xi32, #tpu.memory_space<hbm>>
      %dma_start3A_112 = tpu.memref_squeeze %dma_start3A_111 : memref<1x1x100xi32, #tpu.memory_space<hbm>> -> memref<1x100xi32, #tpu.memory_space<hbm>>
      tpu.enqueue_dma source(%dma_start3A_112 : memref<1x100xi32, #tpu.memory_space<hbm>>) target(%dma_start3A_108 : memref<1x100xi32, #tpu.memory_space<vmem>>) target_semaphore(%run_scoped3A_96 : memref<!tpu.dma_semaphore, #tpu.memory_space<semaphore_mem>>)
      %dma_wait3A_113 = arith.constant 0 : i32
      %dma_wait3A_114 = arith.constant 0 : i32
      %dma_wait3A_115 = tpu.memref_slice %arg8[%run_scoped3A_15, %dma_wait3A_113, %dma_wait3A_114] : memref<3x1x100xi32, #tpu.memory_space<vmem>> -> memref<1x1x100xi32, #tpu.memory_space<vmem>>
      %dma_wait3A_116 = tpu.memref_squeeze %dma_wait3A_115 : memref<1x1x100xi32, #tpu.memory_space<vmem>> -> memref<1x100xi32, #tpu.memory_space<vmem>>
      %dma_wait3A_117 = arith.constant 0 : i32
      %dma_wait3A_118 = arith.constant 0 : i32
      %dma_wait3A_119 = tpu.memref_slice %arg4[%mul3A_4, %dma_wait3A_117, %dma_wait3A_118] : memref<1600x1x100xi32, #tpu.memory_space<hbm>> -> memref<1x1x100xi32, #tpu.memory_space<hbm>>
      %dma_wait3A_120 = tpu.memref_squeeze %dma_wait3A_119 : memref<1x1x100xi32, #tpu.memory_space<hbm>> -> memref<1x100xi32, #tpu.memory_space<hbm>>
      %dma_wait3A_121 = arith.constant 0 : i32
      %dma_wait3A_122 = arith.constant 0 : i32
      %dma_wait3A_123 = tpu.memref_slice %arg8[%run_scoped3A_15, %dma_wait3A_121, %dma_wait3A_122] : memref<3x1x100xi32, #tpu.memory_space<vmem>> -> memref<1x1x100xi32, #tpu.memory_space<vmem>>
      %dma_wait3A_124 = tpu.memref_squeeze %dma_wait3A_123 : memref<1x1x100xi32, #tpu.memory_space<vmem>> -> memref<1x100xi32, #tpu.memory_space<vmem>>
      %dma_wait3A_125 = arith.constant 0 : i32
      %dma_wait3A_126 = arith.constant 0 : i32
      %dma_wait3A_127 = tpu.memref_slice %arg4[%mul3A_4, %dma_wait3A_125, %dma_wait3A_126] : memref<1600x1x100xi32, #tpu.memory_space<hbm>> -> memref<1x1x100xi32, #tpu.memory_space<hbm>>
      %dma_wait3A_128 = tpu.memref_squeeze %dma_wait3A_127 : memref<1x1x100xi32, #tpu.memory_space<hbm>> -> memref<1x100xi32, #tpu.memory_space<hbm>>
      tpu.wait_dma2 semaphore(%run_scoped3A_96 : memref<!tpu.dma_semaphore, #tpu.memory_space<semaphore_mem>>) src(%dma_wait3A_128 : memref<1x100xi32, #tpu.memory_space<hbm>>) dst(%dma_wait3A_124 : memref<1x100xi32, #tpu.memory_space<vmem>>)
      tpu.yield
    }) : () -> ()
    %barrier3A = arith.constant 0 : index
    tpu.barrier barrier_id(%barrier3A)
    %dma_start3A = arith.constant 0 : i32
    %dma_start3A_16 = arith.constant 0 : i32
    %dma_start3A_17 = arith.constant 0 : i32
    %dma_start3A_18 = arith.constant 0 : i32
    %dma_start3A_19 = arith.constant 0 : i32
    %dma_start3A_20 = tpu.memref_slice %arg9[%dma_start3A_17, %dma_start3A_18, %dma_start3A_19] : memref<3x100x128xf32, #tpu.memory_space<vmem>> -> memref<1x100x128xf32, #tpu.memory_space<vmem>>
    %dma_start3A_21 = tpu.memref_squeeze %dma_start3A_20 : memref<1x100x128xf32, #tpu.memory_space<vmem>> -> memref<100x128xf32, #tpu.memory_space<vmem>>
    %dma_start3A_22 = arith.constant 0 : i32
    %dma_start3A_23 = tpu.memref_slice %arg7[%dma_start3A, %dma_start3A_16, %dma_start3A_22] : memref<3x1x100xi32, #tpu.memory_space<vmem>> -> memref<1x1x100xi32, #tpu.memory_space<vmem>>
    %dma_start3A_24 = tpu.memref_squeeze %dma_start3A_23 : memref<1x1x100xi32, #tpu.memory_space<vmem>> -> memref<100xi32, #tpu.memory_space<vmem>>
    %dma_start3A_25 = arith.constant 0 : i32
    %dma_start3A_26 = arith.constant 0 : i32
    %dma_start3A_27 = tpu.memref_slice %arg2[%dma_start3A_25, %dma_start3A_26] : memref<20000x128xf32, #tpu.memory_space<hbm>> -> memref<20000x128xf32, #tpu.memory_space<hbm>>
    tpu.enqueue_indirect_dma source(%dma_start3A_27 : memref<20000x128xf32, #tpu.memory_space<hbm>>) target(%dma_start3A_21 : memref<100x128xf32, #tpu.memory_space<vmem>>) offsets(%dma_start3A_24 : memref<100xi32, #tpu.memory_space<vmem>>) semaphore(%arg10 : memref<!tpu.dma_semaphore, #tpu.memory_space<semaphore_mem>>)
    %add3A_28 = arith.constant 1 : i32
    %add3A_29 = arith.addi %mul3A_2, %add3A_28 : i32
    %dma_start3A_30 = arith.constant 1 : i32
    %dma_start3A_31 = arith.constant 0 : i32
    %dma_start3A_32 = arith.constant 0 : i32
    %dma_start3A_33 = tpu.memref_slice %arg7[%dma_start3A_30, %dma_start3A_31, %dma_start3A_32] : memref<3x1x100xi32, #tpu.memory_space<vmem>> -> memref<1x1x100xi32, #tpu.memory_space<vmem>>
    %dma_start3A_34 = tpu.memref_squeeze %dma_start3A_33 : memref<1x1x100xi32, #tpu.memory_space<vmem>> -> memref<1x100xi32, #tpu.memory_space<vmem>>
    %dma_start3A_35 = arith.constant 0 : i32
    %dma_start3A_36 = arith.constant 0 : i32
    %dma_start3A_37 = tpu.memref_slice %arg3[%add3A_29, %dma_start3A_35, %dma_start3A_36] : memref<3200x1x100xi32, #tpu.memory_space<hbm>> -> memref<1x1x100xi32, #tpu.memory_space<hbm>>
    %dma_start3A_38 = tpu.memref_squeeze %dma_start3A_37 : memref<1x1x100xi32, #tpu.memory_space<hbm>> -> memref<1x100xi32, #tpu.memory_space<hbm>>
    %dma_start3A_39 = arith.constant 0 : i32
    %dma_start3A_40 = arith.constant 0 : i32
    %dma_start3A_41 = tpu.memref_slice %arg7[%dma_start3A_30, %dma_start3A_39, %dma_start3A_40] : memref<3x1x100xi32, #tpu.memory_space<vmem>> -> memref<1x1x100xi32, #tpu.memory_space<vmem>>
    %dma_start3A_42 = tpu.memref_squeeze %dma_start3A_41 : memref<1x1x100xi32, #tpu.memory_space<vmem>> -> memref<1x100xi32, #tpu.memory_space<vmem>>
    %dma_start3A_43 = arith.constant 0 : i32
    %dma_start3A_44 = arith.constant 0 : i32
    %dma_start3A_45 = tpu.memref_slice %arg3[%add3A_29, %dma_start3A_43, %dma_start3A_44] : memref<3200x1x100xi32, #tpu.memory_space<hbm>> -> memref<1x1x100xi32, #tpu.memory_space<hbm>>
    %dma_start3A_46 = tpu.memref_squeeze %dma_start3A_45 : memref<1x1x100xi32, #tpu.memory_space<hbm>> -> memref<1x100xi32, #tpu.memory_space<hbm>>
    tpu.enqueue_dma source(%dma_start3A_46 : memref<1x100xi32, #tpu.memory_space<hbm>>) target(%dma_start3A_42 : memref<1x100xi32, #tpu.memory_space<vmem>>) target_semaphore(%arg11 : memref<!tpu.dma_semaphore, #tpu.memory_space<semaphore_mem>>)
    %add3A_47 = arith.constant 1 : i32
    %add3A_48 = arith.addi %mul3A_4, %add3A_47 : i32
    %dma_start3A_49 = arith.constant 1 : i32
    %dma_start3A_50 = arith.constant 0 : i32
    %dma_start3A_51 = arith.constant 0 : i32
    %dma_start3A_52 = tpu.memref_slice %arg8[%dma_start3A_49, %dma_start3A_50, %dma_start3A_51] : memref<3x1x100xi32, #tpu.memory_space<vmem>> -> memref<1x1x100xi32, #tpu.memory_space<vmem>>
    %dma_start3A_53 = tpu.memref_squeeze %dma_start3A_52 : memref<1x1x100xi32, #tpu.memory_space<vmem>> -> memref<1x100xi32, #tpu.memory_space<vmem>>
    %dma_start3A_54 = arith.constant 0 : i32
    %dma_start3A_55 = arith.constant 0 : i32
    %dma_start3A_56 = tpu.memref_slice %arg4[%add3A_48, %dma_start3A_54, %dma_start3A_55] : memref<1600x1x100xi32, #tpu.memory_space<hbm>> -> memref<1x1x100xi32, #tpu.memory_space<hbm>>
    %dma_start3A_57 = tpu.memref_squeeze %dma_start3A_56 : memref<1x1x100xi32, #tpu.memory_space<hbm>> -> memref<1x100xi32, #tpu.memory_space<hbm>>
    %dma_start3A_58 = arith.constant 0 : i32
    %dma_start3A_59 = arith.constant 0 : i32
    %dma_start3A_60 = tpu.memref_slice %arg8[%dma_start3A_49, %dma_start3A_58, %dma_start3A_59] : memref<3x1x100xi32, #tpu.memory_space<vmem>> -> memref<1x1x100xi32, #tpu.memory_space<vmem>>
    %dma_start3A_61 = tpu.memref_squeeze %dma_start3A_60 : memref<1x1x100xi32, #tpu.memory_space<vmem>> -> memref<1x100xi32, #tpu.memory_space<vmem>>
    %dma_start3A_62 = arith.constant 0 : i32
    %dma_start3A_63 = arith.constant 0 : i32
    %dma_start3A_64 = tpu.memref_slice %arg4[%add3A_48, %dma_start3A_62, %dma_start3A_63] : memref<1600x1x100xi32, #tpu.memory_space<hbm>> -> memref<1x1x100xi32, #tpu.memory_space<hbm>>
    %dma_start3A_65 = tpu.memref_squeeze %dma_start3A_64 : memref<1x1x100xi32, #tpu.memory_space<hbm>> -> memref<1x100xi32, #tpu.memory_space<hbm>>
    tpu.enqueue_dma source(%dma_start3A_65 : memref<1x100xi32, #tpu.memory_space<hbm>>) target(%dma_start3A_61 : memref<1x100xi32, #tpu.memory_space<vmem>>) target_semaphore(%arg11 : memref<!tpu.dma_semaphore, #tpu.memory_space<semaphore_mem>>)
    %scan3A = arith.constant 0 : i32
    %scan3A_66 = arith.constant 0 : i32
    %scan3A_67 = arith.constant 100 : i32
    %scan3A_68 = arith.addi %scan3A_66, %scan3A_67 : i32
    %scan3A_69 = arith.constant 1 : i32
    scf.for %scan3A_96 = %scan3A_66 to %scan3A_68 step %scan3A_69  : i32 {
      %rem3A = arith.constant 3 : i32
      %rem3A_97 = arith.remsi %scan3A_96, %rem3A : i32
      %add3A_98 = arith.constant 1 : i32
      %add3A_99 = arith.addi %scan3A_96, %add3A_98 : i32
      %rem3A_100 = arith.constant 3 : i32
      %rem3A_101 = arith.remsi %add3A_99, %rem3A_100 : i32
      %add3A_102 = arith.constant 2 : i32
      %add3A_103 = arith.addi %scan3A_96, %add3A_102 : i32
      %rem3A_104 = arith.constant 3 : i32
      %rem3A_105 = arith.remsi %add3A_103, %rem3A_104 : i32
      %dma_wait3A_106 = arith.constant 0 : i32
      %dma_wait3A_107 = arith.constant 0 : i32
      %dma_wait3A_108 = arith.constant 0 : i32
      %dma_wait3A_109 = tpu.memref_slice %arg9[%rem3A_97, %dma_wait3A_107, %dma_wait3A_108] : memref<3x100x128xf32, #tpu.memory_space<vmem>> -> memref<1x100x128xf32, #tpu.memory_space<vmem>>
      %dma_wait3A_110 = tpu.memref_squeeze %dma_wait3A_109 : memref<1x100x128xf32, #tpu.memory_space<vmem>> -> memref<100x128xf32, #tpu.memory_space<vmem>>
      %dma_wait3A_111 = arith.constant 0 : i32
      %dma_wait3A_112 = tpu.memref_slice %arg7[%rem3A_97, %dma_wait3A_106, %dma_wait3A_111] : memref<3x1x100xi32, #tpu.memory_space<vmem>> -> memref<1x1x100xi32, #tpu.memory_space<vmem>>
      %dma_wait3A_113 = tpu.memref_squeeze %dma_wait3A_112 : memref<1x1x100xi32, #tpu.memory_space<vmem>> -> memref<100xi32, #tpu.memory_space<vmem>>
      %dma_wait3A_114 = arith.constant 0 : i32
      %dma_wait3A_115 = arith.constant 0 : i32
      %dma_wait3A_116 = tpu.memref_slice %arg2[%dma_wait3A_114, %dma_wait3A_115] : memref<20000x128xf32, #tpu.memory_space<hbm>> -> memref<20000x128xf32, #tpu.memory_space<hbm>>
      tpu.wait_indirect_dma semaphore(%arg10 : memref<!tpu.dma_semaphore, #tpu.memory_space<semaphore_mem>>) src(%dma_wait3A_116 : memref<20000x128xf32, #tpu.memory_space<hbm>>) dst(%dma_wait3A_110 : memref<100x128xf32, #tpu.memory_space<vmem>>)
      %dma_start3A_117 = arith.constant 0 : i32
      %dma_start3A_118 = arith.constant 0 : i32
      %dma_start3A_119 = arith.constant 0 : i32
      %dma_start3A_120 = tpu.memref_slice %arg9[%rem3A_97, %dma_start3A_118, %dma_start3A_119] : memref<3x100x128xf32, #tpu.memory_space<vmem>> -> memref<1x100x128xf32, #tpu.memory_space<vmem>>
      %dma_start3A_121 = tpu.memref_squeeze %dma_start3A_120 : memref<1x100x128xf32, #tpu.memory_space<vmem>> -> memref<100x128xf32, #tpu.memory_space<vmem>>
      %dma_start3A_122 = arith.constant 0 : i32
      %dma_start3A_123 = tpu.memref_slice %arg8[%rem3A_97, %dma_start3A_117, %dma_start3A_122] : memref<3x1x100xi32, #tpu.memory_space<vmem>> -> memref<1x1x100xi32, #tpu.memory_space<vmem>>
      %dma_start3A_124 = tpu.memref_squeeze %dma_start3A_123 : memref<1x1x100xi32, #tpu.memory_space<vmem>> -> memref<100xi32, #tpu.memory_space<vmem>>
      %dma_start3A_125 = arith.constant 0 : i32
      %dma_start3A_126 = arith.constant 0 : i32
      %dma_start3A_127 = tpu.memref_slice %arg6[%dma_start3A_125, %dma_start3A_126] : memref<10000x128xf32, #tpu.memory_space<vmem_shared>> -> memref<10000x128xf32, #tpu.memory_space<vmem_shared>>
      tpu.enqueue_indirect_dma source(%dma_start3A_121 : memref<100x128xf32, #tpu.memory_space<vmem>>) target(%dma_start3A_127 : memref<10000x128xf32, #tpu.memory_space<vmem_shared>>) offsets(%dma_start3A_124 : memref<100xi32, #tpu.memory_space<vmem>>) semaphore(%arg12 : memref<!tpu.dma_semaphore, #tpu.memory_space<semaphore_mem>>) {add = true}
      %ge3A = arith.constant 1 : i32
      %ge3A_128 = arith.cmpi sge, %scan3A_96, %ge3A : i32
      %convert_element_type3A_129 = arith.extui %ge3A_128 : i1 to i32
      %cond3A_130 = arith.constant 0 : i32
      %cond3A_131 = arith.cmpi ne, %convert_element_type3A_129, %cond3A_130 : i32
      scf.if %cond3A_131 {
        %add3A_145 = arith.constant 2 : i32
        %add3A_146 = arith.addi %scan3A_96, %add3A_145 : i32
        %rem3A_147 = arith.constant 3 : i32
        %rem3A_148 = arith.remsi %add3A_146, %rem3A_147 : i32
        %dma_wait3A_149 = arith.constant 0 : i32
        %dma_wait3A_150 = arith.constant 0 : i32
        %dma_wait3A_151 = arith.constant 0 : i32
        %dma_wait3A_152 = tpu.memref_slice %arg9[%rem3A_148, %dma_wait3A_150, %dma_wait3A_151] : memref<3x100x128xf32, #tpu.memory_space<vmem>> -> memref<1x100x128xf32, #tpu.memory_space<vmem>>
        %dma_wait3A_153 = tpu.memref_squeeze %dma_wait3A_152 : memref<1x100x128xf32, #tpu.memory_space<vmem>> -> memref<100x128xf32, #tpu.memory_space<vmem>>
        %dma_wait3A_154 = arith.constant 0 : i32
        %dma_wait3A_155 = tpu.memref_slice %arg8[%rem3A_148, %dma_wait3A_149, %dma_wait3A_154] : memref<3x1x100xi32, #tpu.memory_space<vmem>> -> memref<1x1x100xi32, #tpu.memory_space<vmem>>
        %dma_wait3A_156 = tpu.memref_squeeze %dma_wait3A_155 : memref<1x1x100xi32, #tpu.memory_space<vmem>> -> memref<100xi32, #tpu.memory_space<vmem>>
        %dma_wait3A_157 = arith.constant 0 : i32
        %dma_wait3A_158 = arith.constant 0 : i32
        %dma_wait3A_159 = tpu.memref_slice %arg6[%dma_wait3A_157, %dma_wait3A_158] : memref<10000x128xf32, #tpu.memory_space<vmem_shared>> -> memref<10000x128xf32, #tpu.memory_space<vmem_shared>>
        tpu.wait_indirect_dma semaphore(%arg12 : memref<!tpu.dma_semaphore, #tpu.memory_space<semaphore_mem>>) src(%dma_wait3A_153 : memref<100x128xf32, #tpu.memory_space<vmem>>) dst(%dma_wait3A_159 : memref<10000x128xf32, #tpu.memory_space<vmem_shared>>)
      } else {
      }
      %add3A_132 = arith.constant 1 : i32
      %add3A_133 = arith.addi %scan3A_96, %add3A_132 : i32
      %lt3A = arith.constant 100 : i32
      %lt3A_134 = arith.cmpi slt, %add3A_133, %lt3A : i32
      %convert_element_type3A_135 = arith.extui %lt3A_134 : i1 to i32
      %cond3A_136 = arith.constant 0 : i32
      %cond3A_137 = arith.cmpi ne, %convert_element_type3A_135, %cond3A_136 : i32
      scf.if %cond3A_137 {
        %add3A_145 = arith.addi %mul3A_2, %scan3A_96 : i32
        %add3A_146 = arith.constant 1 : i32
        %add3A_147 = arith.addi %add3A_145, %add3A_146 : i32
        %dma_wait3A_148 = arith.constant 0 : i32
        %dma_wait3A_149 = arith.constant 0 : i32
        %dma_wait3A_150 = tpu.memref_slice %arg7[%rem3A_101, %dma_wait3A_148, %dma_wait3A_149] : memref<3x1x100xi32, #tpu.memory_space<vmem>> -> memref<1x1x100xi32, #tpu.memory_space<vmem>>
        %dma_wait3A_151 = tpu.memref_squeeze %dma_wait3A_150 : memref<1x1x100xi32, #tpu.memory_space<vmem>> -> memref<1x100xi32, #tpu.memory_space<vmem>>
        %dma_wait3A_152 = arith.constant 0 : i32
        %dma_wait3A_153 = arith.constant 0 : i32
        %dma_wait3A_154 = tpu.memref_slice %arg3[%add3A_147, %dma_wait3A_152, %dma_wait3A_153] : memref<3200x1x100xi32, #tpu.memory_space<hbm>> -> memref<1x1x100xi32, #tpu.memory_space<hbm>>
        %dma_wait3A_155 = tpu.memref_squeeze %dma_wait3A_154 : memref<1x1x100xi32, #tpu.memory_space<hbm>> -> memref<1x100xi32, #tpu.memory_space<hbm>>
        %dma_wait3A_156 = arith.constant 0 : i32
        %dma_wait3A_157 = arith.constant 0 : i32
        %dma_wait3A_158 = tpu.memref_slice %arg7[%rem3A_101, %dma_wait3A_156, %dma_wait3A_157] : memref<3x1x100xi32, #tpu.memory_space<vmem>> -> memref<1x1x100xi32, #tpu.memory_space<vmem>>
        %dma_wait3A_159 = tpu.memref_squeeze %dma_wait3A_158 : memref<1x1x100xi32, #tpu.memory_space<vmem>> -> memref<1x100xi32, #tpu.memory_space<vmem>>
        %dma_wait3A_160 = arith.constant 0 : i32
        %dma_wait3A_161 = arith.constant 0 : i32
        %dma_wait3A_162 = tpu.memref_slice %arg3[%add3A_147, %dma_wait3A_160, %dma_wait3A_161] : memref<3200x1x100xi32, #tpu.memory_space<hbm>> -> memref<1x1x100xi32, #tpu.memory_space<hbm>>
        %dma_wait3A_163 = tpu.memref_squeeze %dma_wait3A_162 : memref<1x1x100xi32, #tpu.memory_space<hbm>> -> memref<1x100xi32, #tpu.memory_space<hbm>>
        tpu.wait_dma2 semaphore(%arg11 : memref<!tpu.dma_semaphore, #tpu.memory_space<semaphore_mem>>) src(%dma_wait3A_163 : memref<1x100xi32, #tpu.memory_space<hbm>>) dst(%dma_wait3A_159 : memref<1x100xi32, #tpu.memory_space<vmem>>)
        %add3A_164 = arith.addi %mul3A_4, %scan3A_96 : i32
        %add3A_165 = arith.constant 1 : i32
        %add3A_166 = arith.addi %add3A_164, %add3A_165 : i32
        %dma_wait3A_167 = arith.constant 0 : i32
        %dma_wait3A_168 = arith.constant 0 : i32
        %dma_wait3A_169 = tpu.memref_slice %arg8[%rem3A_101, %dma_wait3A_167, %dma_wait3A_168] : memref<3x1x100xi32, #tpu.memory_space<vmem>> -> memref<1x1x100xi32, #tpu.memory_space<vmem>>
        %dma_wait3A_170 = tpu.memref_squeeze %dma_wait3A_169 : memref<1x1x100xi32, #tpu.memory_space<vmem>> -> memref<1x100xi32, #tpu.memory_space<vmem>>
        %dma_wait3A_171 = arith.constant 0 : i32
        %dma_wait3A_172 = arith.constant 0 : i32
        %dma_wait3A_173 = tpu.memref_slice %arg4[%add3A_166, %dma_wait3A_171, %dma_wait3A_172] : memref<1600x1x100xi32, #tpu.memory_space<hbm>> -> memref<1x1x100xi32, #tpu.memory_space<hbm>>
        %dma_wait3A_174 = tpu.memref_squeeze %dma_wait3A_173 : memref<1x1x100xi32, #tpu.memory_space<hbm>> -> memref<1x100xi32, #tpu.memory_space<hbm>>
        %dma_wait3A_175 = arith.constant 0 : i32
        %dma_wait3A_176 = arith.constant 0 : i32
        %dma_wait3A_177 = tpu.memref_slice %arg8[%rem3A_101, %dma_wait3A_175, %dma_wait3A_176] : memref<3x1x100xi32, #tpu.memory_space<vmem>> -> memref<1x1x100xi32, #tpu.memory_space<vmem>>
        %dma_wait3A_178 = tpu.memref_squeeze %dma_wait3A_177 : memref<1x1x100xi32, #tpu.memory_space<vmem>> -> memref<1x100xi32, #tpu.memory_space<vmem>>
        %dma_wait3A_179 = arith.constant 0 : i32
        %dma_wait3A_180 = arith.constant 0 : i32
        %dma_wait3A_181 = tpu.memref_slice %arg4[%add3A_166, %dma_wait3A_179, %dma_wait3A_180] : memref<1600x1x100xi32, #tpu.memory_space<hbm>> -> memref<1x1x100xi32, #tpu.memory_space<hbm>>
        %dma_wait3A_182 = tpu.memref_squeeze %dma_wait3A_181 : memref<1x1x100xi32, #tpu.memory_space<hbm>> -> memref<1x100xi32, #tpu.memory_space<hbm>>
        tpu.wait_dma2 semaphore(%arg11 : memref<!tpu.dma_semaphore, #tpu.memory_space<semaphore_mem>>) src(%dma_wait3A_182 : memref<1x100xi32, #tpu.memory_space<hbm>>) dst(%dma_wait3A_178 : memref<1x100xi32, #tpu.memory_space<vmem>>)
        %dma_start3A_183 = arith.constant 0 : i32
        %dma_start3A_184 = arith.constant 0 : i32
        %dma_start3A_185 = arith.constant 0 : i32
        %dma_start3A_186 = tpu.memref_slice %arg9[%rem3A_101, %dma_start3A_184, %dma_start3A_185] : memref<3x100x128xf32, #tpu.memory_space<vmem>> -> memref<1x100x128xf32, #tpu.memory_space<vmem>>
        %dma_start3A_187 = tpu.memref_squeeze %dma_start3A_186 : memref<1x100x128xf32, #tpu.memory_space<vmem>> -> memref<100x128xf32, #tpu.memory_space<vmem>>
        %dma_start3A_188 = arith.constant 0 : i32
        %dma_start3A_189 = tpu.memref_slice %arg7[%rem3A_101, %dma_start3A_183, %dma_start3A_188] : memref<3x1x100xi32, #tpu.memory_space<vmem>> -> memref<1x1x100xi32, #tpu.memory_space<vmem>>
        %dma_start3A_190 = tpu.memref_squeeze %dma_start3A_189 : memref<1x1x100xi32, #tpu.memory_space<vmem>> -> memref<100xi32, #tpu.memory_space<vmem>>
        %dma_start3A_191 = arith.constant 0 : i32
        %dma_start3A_192 = arith.constant 0 : i32
        %dma_start3A_193 = tpu.memref_slice %arg2[%dma_start3A_191, %dma_start3A_192] : memref<20000x128xf32, #tpu.memory_space<hbm>> -> memref<20000x128xf32, #tpu.memory_space<hbm>>
        tpu.enqueue_indirect_dma source(%dma_start3A_193 : memref<20000x128xf32, #tpu.memory_space<hbm>>) target(%dma_start3A_187 : memref<100x128xf32, #tpu.memory_space<vmem>>) offsets(%dma_start3A_190 : memref<100xi32, #tpu.memory_space<vmem>>) semaphore(%arg10 : memref<!tpu.dma_semaphore, #tpu.memory_space<semaphore_mem>>)
      } else {
      }
      %add3A_138 = arith.constant 2 : i32
      %add3A_139 = arith.addi %scan3A_96, %add3A_138 : i32
      %lt3A_140 = arith.constant 100 : i32
      %lt3A_141 = arith.cmpi slt, %add3A_139, %lt3A_140 : i32
      %convert_element_type3A_142 = arith.extui %lt3A_141 : i1 to i32
      %cond3A_143 = arith.constant 0 : i32
      %cond3A_144 = arith.cmpi ne, %convert_element_type3A_142, %cond3A_143 : i32
      scf.if %cond3A_144 {
        %add3A_145 = arith.addi %mul3A_2, %scan3A_96 : i32
        %add3A_146 = arith.constant 2 : i32
        %add3A_147 = arith.addi %add3A_145, %add3A_146 : i32
        %dma_start3A_148 = arith.constant 0 : i32
        %dma_start3A_149 = arith.constant 0 : i32
        %dma_start3A_150 = tpu.memref_slice %arg7[%rem3A_105, %dma_start3A_148, %dma_start3A_149] : memref<3x1x100xi32, #tpu.memory_space<vmem>> -> memref<1x1x100xi32, #tpu.memory_space<vmem>>
        %dma_start3A_151 = tpu.memref_squeeze %dma_start3A_150 : memref<1x1x100xi32, #tpu.memory_space<vmem>> -> memref<1x100xi32, #tpu.memory_space<vmem>>
        %dma_start3A_152 = arith.constant 0 : i32
        %dma_start3A_153 = arith.constant 0 : i32
        %dma_start3A_154 = tpu.memref_slice %arg3[%add3A_147, %dma_start3A_152, %dma_start3A_153] : memref<3200x1x100xi32, #tpu.memory_space<hbm>> -> memref<1x1x100xi32, #tpu.memory_space<hbm>>
        %dma_start3A_155 = tpu.memref_squeeze %dma_start3A_154 : memref<1x1x100xi32, #tpu.memory_space<hbm>> -> memref<1x100xi32, #tpu.memory_space<hbm>>
        %dma_start3A_156 = arith.constant 0 : i32
        %dma_start3A_157 = arith.constant 0 : i32
        %dma_start3A_158 = tpu.memref_slice %arg7[%rem3A_105, %dma_start3A_156, %dma_start3A_157] : memref<3x1x100xi32, #tpu.memory_space<vmem>> -> memref<1x1x100xi32, #tpu.memory_space<vmem>>
        %dma_start3A_159 = tpu.memref_squeeze %dma_start3A_158 : memref<1x1x100xi32, #tpu.memory_space<vmem>> -> memref<1x100xi32, #tpu.memory_space<vmem>>
        %dma_start3A_160 = arith.constant 0 : i32
        %dma_start3A_161 = arith.constant 0 : i32
        %dma_start3A_162 = tpu.memref_slice %arg3[%add3A_147, %dma_start3A_160, %dma_start3A_161] : memref<3200x1x100xi32, #tpu.memory_space<hbm>> -> memref<1x1x100xi32, #tpu.memory_space<hbm>>
        %dma_start3A_163 = tpu.memref_squeeze %dma_start3A_162 : memref<1x1x100xi32, #tpu.memory_space<hbm>> -> memref<1x100xi32, #tpu.memory_space<hbm>>
        tpu.enqueue_dma source(%dma_start3A_163 : memref<1x100xi32, #tpu.memory_space<hbm>>) target(%dma_start3A_159 : memref<1x100xi32, #tpu.memory_space<vmem>>) target_semaphore(%arg11 : memref<!tpu.dma_semaphore, #tpu.memory_space<semaphore_mem>>)
        %add3A_164 = arith.addi %mul3A_4, %scan3A_96 : i32
        %add3A_165 = arith.constant 2 : i32
        %add3A_166 = arith.addi %add3A_164, %add3A_165 : i32
        %dma_start3A_167 = arith.constant 0 : i32
        %dma_start3A_168 = arith.constant 0 : i32
        %dma_start3A_169 = tpu.memref_slice %arg8[%rem3A_105, %dma_start3A_167, %dma_start3A_168] : memref<3x1x100xi32, #tpu.memory_space<vmem>> -> memref<1x1x100xi32, #tpu.memory_space<vmem>>
        %dma_start3A_170 = tpu.memref_squeeze %dma_start3A_169 : memref<1x1x100xi32, #tpu.memory_space<vmem>> -> memref<1x100xi32, #tpu.memory_space<vmem>>
        %dma_start3A_171 = arith.constant 0 : i32
        %dma_start3A_172 = arith.constant 0 : i32
        %dma_start3A_173 = tpu.memref_slice %arg4[%add3A_166, %dma_start3A_171, %dma_start3A_172] : memref<1600x1x100xi32, #tpu.memory_space<hbm>> -> memref<1x1x100xi32, #tpu.memory_space<hbm>>
        %dma_start3A_174 = tpu.memref_squeeze %dma_start3A_173 : memref<1x1x100xi32, #tpu.memory_space<hbm>> -> memref<1x100xi32, #tpu.memory_space<hbm>>
        %dma_start3A_175 = arith.constant 0 : i32
        %dma_start3A_176 = arith.constant 0 : i32
        %dma_start3A_177 = tpu.memref_slice %arg8[%rem3A_105, %dma_start3A_175, %dma_start3A_176] : memref<3x1x100xi32, #tpu.memory_space<vmem>> -> memref<1x1x100xi32, #tpu.memory_space<vmem>>
        %dma_start3A_178 = tpu.memref_squeeze %dma_start3A_177 : memref<1x1x100xi32, #tpu.memory_space<vmem>> -> memref<1x100xi32, #tpu.memory_space<vmem>>
        %dma_start3A_179 = arith.constant 0 : i32
        %dma_start3A_180 = arith.constant 0 : i32
        %dma_start3A_181 = tpu.memref_slice %arg4[%add3A_166, %dma_start3A_179, %dma_start3A_180] : memref<1600x1x100xi32, #tpu.memory_space<hbm>> -> memref<1x1x100xi32, #tpu.memory_space<hbm>>
        %dma_start3A_182 = tpu.memref_squeeze %dma_start3A_181 : memref<1x1x100xi32, #tpu.memory_space<hbm>> -> memref<1x100xi32, #tpu.memory_space<hbm>>
        tpu.enqueue_dma source(%dma_start3A_182 : memref<1x100xi32, #tpu.memory_space<hbm>>) target(%dma_start3A_178 : memref<1x100xi32, #tpu.memory_space<vmem>>) target_semaphore(%arg11 : memref<!tpu.dma_semaphore, #tpu.memory_space<semaphore_mem>>)
      } else {
      }
    }
    %scan3A_70 = arith.constant 100 : i32
    %dma_wait3A = arith.constant 0 : i32
    %dma_wait3A_71 = arith.constant 0 : i32
    %dma_wait3A_72 = arith.constant 0 : i32
    %dma_wait3A_73 = arith.constant 0 : i32
    %dma_wait3A_74 = arith.constant 0 : i32
    %dma_wait3A_75 = tpu.memref_slice %arg9[%dma_wait3A, %dma_wait3A_73, %dma_wait3A_74] : memref<3x100x128xf32, #tpu.memory_space<vmem>> -> memref<1x100x128xf32, #tpu.memory_space<vmem>>
    %dma_wait3A_76 = tpu.memref_squeeze %dma_wait3A_75 : memref<1x100x128xf32, #tpu.memory_space<vmem>> -> memref<100x128xf32, #tpu.memory_space<vmem>>
    %dma_wait3A_77 = arith.constant 0 : i32
    %dma_wait3A_78 = tpu.memref_slice %arg8[%dma_wait3A_71, %dma_wait3A_72, %dma_wait3A_77] : memref<3x1x100xi32, #tpu.memory_space<vmem>> -> memref<1x1x100xi32, #tpu.memory_space<vmem>>
    %dma_wait3A_79 = tpu.memref_squeeze %dma_wait3A_78 : memref<1x1x100xi32, #tpu.memory_space<vmem>> -> memref<100xi32, #tpu.memory_space<vmem>>
    %dma_wait3A_80 = arith.constant 0 : i32
    %dma_wait3A_81 = arith.constant 0 : i32
    %dma_wait3A_82 = tpu.memref_slice %arg6[%dma_wait3A_80, %dma_wait3A_81] : memref<10000x128xf32, #tpu.memory_space<vmem_shared>> -> memref<10000x128xf32, #tpu.memory_space<vmem_shared>>
    tpu.wait_indirect_dma semaphore(%arg12 : memref<!tpu.dma_semaphore, #tpu.memory_space<semaphore_mem>>) src(%dma_wait3A_76 : memref<100x128xf32, #tpu.memory_space<vmem>>) dst(%dma_wait3A_82 : memref<10000x128xf32, #tpu.memory_space<vmem_shared>>)
    %barrier3A_83 = arith.constant 0 : index
    tpu.barrier barrier_id(%barrier3A_83)
    %mul3A_84 = arith.constant 624 : i32
    %mul3A_85 = arith.muli %arg1, %mul3A_84 : i32
    %add3A_86 = arith.constant 0 : i32
    %add3A_87 = arith.addi %add3A_86, %mul3A_85 : i32
    %multiple_of3A_88 = tpu.assume_multiple %add3A_87, 8 : i32
    %add3A_89 = arith.addi %mul3A_6, %mul3A_85 : i32
    %multiple_of3A_90 = tpu.assume_multiple %add3A_89, 8 : i32
    "tpu.region"() ({
      %run_scoped3A_96 = tpu.sem_alloc : memref<!tpu.dma_semaphore, #tpu.memory_space<semaphore_mem>>
      %dma_start3A_97 = arith.constant 0 : i32
      %dma_start3A_98 = tpu.memref_slice %arg5[%multiple_of3A_90, %dma_start3A_97] : memref<20000x128xf32, #tpu.memory_space<hbm>> -> memref<624x128xf32, #tpu.memory_space<hbm>>
      %dma_start3A_99 = arith.constant 0 : i32
      %dma_start3A_100 = tpu.memref_slice %arg6[%multiple_of3A_88, %dma_start3A_99] : memref<10000x128xf32, #tpu.memory_space<vmem_shared>> -> memref<624x128xf32, #tpu.memory_space<vmem_shared>>
      tpu.enqueue_dma source(%dma_start3A_100 : memref<624x128xf32, #tpu.memory_space<vmem_shared>>) target(%dma_start3A_98 : memref<624x128xf32, #tpu.memory_space<hbm>>) target_semaphore(%run_scoped3A_96 : memref<!tpu.dma_semaphore, #tpu.memory_space<semaphore_mem>>)
      %dma_wait3A_101 = arith.constant 0 : i32
      %dma_wait3A_102 = tpu.memref_slice %arg5[%multiple_of3A_90, %dma_wait3A_101] : memref<20000x128xf32, #tpu.memory_space<hbm>> -> memref<624x128xf32, #tpu.memory_space<hbm>>
      %dma_wait3A_103 = arith.constant 0 : i32
      %dma_wait3A_104 = tpu.memref_slice %arg6[%multiple_of3A_88, %dma_wait3A_103] : memref<10000x128xf32, #tpu.memory_space<vmem_shared>> -> memref<624x128xf32, #tpu.memory_space<vmem_shared>>
      tpu.wait_dma2 semaphore(%run_scoped3A_96 : memref<!tpu.dma_semaphore, #tpu.memory_space<semaphore_mem>>) src(%dma_wait3A_104 : memref<624x128xf32, #tpu.memory_space<vmem_shared>>) dst(%dma_wait3A_102 : memref<624x128xf32, #tpu.memory_space<hbm>>)
      tpu.yield
    }) : () -> ()
    %eq3A_91 = arith.constant 15 : i32
    %eq3A_92 = arith.cmpi eq, %arg1, %eq3A_91 : i32
    %convert_element_type3A_93 = arith.extui %eq3A_92 : i1 to i32
    %cond3A_94 = arith.constant 0 : i32
    %cond3A_95 = arith.cmpi ne, %convert_element_type3A_93, %cond3A_94 : i32
    scf.if %cond3A_95 {
      %multiple_of3A_96 = arith.constant 9984 : i32
      %multiple_of3A_97 = tpu.assume_multiple %multiple_of3A_96, 8 : i32
      %add3A_98 = arith.constant 9984 : i32
      %add3A_99 = arith.addi %mul3A_6, %add3A_98 : i32
      %multiple_of3A_100 = tpu.assume_multiple %add3A_99, 8 : i32
      "tpu.region"() ({
        %run_scoped3A_101 = tpu.sem_alloc : memref<!tpu.dma_semaphore, #tpu.memory_space<semaphore_mem>>
        %dma_start3A_102 = arith.constant 0 : i32
        %dma_start3A_103 = tpu.memref_slice %arg5[%multiple_of3A_100, %dma_start3A_102] : memref<20000x128xf32, #tpu.memory_space<hbm>> -> memref<16x128xf32, #tpu.memory_space<hbm>>
        %dma_start3A_104 = arith.constant 0 : i32
        %dma_start3A_105 = tpu.memref_slice %arg6[%multiple_of3A_97, %dma_start3A_104] : memref<10000x128xf32, #tpu.memory_space<vmem_shared>> -> memref<16x128xf32, #tpu.memory_space<vmem_shared>>
        tpu.enqueue_dma source(%dma_start3A_105 : memref<16x128xf32, #tpu.memory_space<vmem_shared>>) target(%dma_start3A_103 : memref<16x128xf32, #tpu.memory_space<hbm>>) target_semaphore(%run_scoped3A_101 : memref<!tpu.dma_semaphore, #tpu.memory_space<semaphore_mem>>)
        %dma_wait3A_106 = arith.constant 0 : i32
        %dma_wait3A_107 = tpu.memref_slice %arg5[%multiple_of3A_100, %dma_wait3A_106] : memref<20000x128xf32, #tpu.memory_space<hbm>> -> memref<16x128xf32, #tpu.memory_space<hbm>>
        %dma_wait3A_108 = arith.constant 0 : i32
        %dma_wait3A_109 = tpu.memref_slice %arg6[%multiple_of3A_97, %dma_wait3A_108] : memref<10000x128xf32, #tpu.memory_space<vmem_shared>> -> memref<16x128xf32, #tpu.memory_space<vmem_shared>>
        tpu.wait_dma2 semaphore(%run_scoped3A_101 : memref<!tpu.dma_semaphore, #tpu.memory_space<semaphore_mem>>) src(%dma_wait3A_109 : memref<16x128xf32, #tpu.memory_space<vmem_shared>>) dst(%dma_wait3A_107 : memref<16x128xf32, #tpu.memory_space<hbm>>)
        tpu.yield
      }) : () -> ()
    } else {
    }
    return
  }
}

module attributes {stable_mosaic.version = 14 : i64} {
  func.func @_p2_body(%arg0: i32, %arg1: memref<1000x128xf32, #tpu.memory_space<vmem>>, %arg2: memref<1000x128xf32, #tpu.memory_space<vmem>>, %arg3: memref<1000x16xf32, #tpu.memory_space<vmem>>) attributes {dimension_semantics = [#tpu.dimension_semantics<arbitrary>], iteration_bounds = array<i64: 10>, scalar_prefetch = 0 : i64, scratch_operands = 0 : i64, tpu.core_type = #tpu.core_type<tc>, window_params = [{transform_indices = @transform_0, window_bounds = array<i64: 1000, 128>}, {transform_indices = @transform_1, window_bounds = array<i64: 1000, 128>}, {transform_indices = @transform_2, window_bounds = array<i64: 1000, 16>}]} {
    %get3A = arith.constant 0 : index
    %get3A_0 = arith.constant 0 : index
    %get3A_1 = vector.load %arg1[%get3A, %get3A_0] : memref<1000x128xf32, #tpu.memory_space<vmem>>, vector<1000x16xf32>
    %get3A_2 = arith.constant 0 : index
    %get3A_3 = arith.constant 0 : index
    %get3A_4 = vector.load %arg2[%get3A_2, %get3A_3] : memref<1000x128xf32, #tpu.memory_space<vmem>>, vector<1000x16xf32>
    %add3A = arith.addf %get3A_1, %get3A_4 : vector<1000x16xf32>
    %add3A_5 = arith.constant 1.000000e+00 : f32
    %add3A_6 = vector.broadcast %add3A_5 : f32 to vector<1000x16xf32>
    %add3A_7 = arith.addf %add3A, %add3A_6 : vector<1000x16xf32>
    %rsqrt3A = math.rsqrt %add3A_7 : vector<1000x16xf32>
    %swap3A = arith.constant 0 : index
    %swap3A_8 = arith.constant 0 : index
    %swap3A_9 = vector.load %arg3[%swap3A, %swap3A_8] : memref<1000x16xf32, #tpu.memory_space<vmem>>, vector<1000x16xf32>
    tpu.vector_store %arg3[%swap3A, %swap3A_8], %rsqrt3A {strides = array<i32>} : memref<1000x16xf32, #tpu.memory_space<vmem>>, vector<1000x16xf32>,
    return
  }
  func.func @transform_0(%arg0: i32) -> (i32, i32) {
    %c0_i32 = arith.constant 0 : i32
    %c0_i32_0 = arith.constant 0 : i32
    return %arg0, %c0_i32 : i32, i32
  }
  func.func @transform_1(%arg0: i32) -> (i32, i32) {
    %add3A = arith.constant 10 : i32
    %add3A_0 = arith.addi %arg0, %add3A : i32
    %c0_i32 = arith.constant 0 : i32
    %c0_i32_1 = arith.constant 0 : i32
    return %add3A_0, %c0_i32 : i32, i32
  }
  func.func @transform_2(%arg0: i32) -> (i32, i32) {
    %c0_i32 = arith.constant 0 : i32
    %c0_i32_0 = arith.constant 0 : i32
    return %arg0, %c0_i32 : i32, i32
  }
}

module attributes {stable_mosaic.version = 14 : i64} {
  func.func @_a1_body(%arg0: i32, %arg1: memref<1000x256xf32, #tpu.memory_space<vmem>>, %arg2: memref<256x256xf32, #tpu.memory_space<vmem>>, %arg3: memref<1000x16xf32, #tpu.memory_space<vmem>>, %arg4: memref<2x1000x128xf32, #tpu.memory_space<vmem>>) attributes {dimension_semantics = [#tpu.dimension_semantics<arbitrary>], iteration_bounds = array<i64: 10>, scalar_prefetch = 0 : i64, scratch_operands = 0 : i64, tpu.core_type = #tpu.core_type<tc>, window_params = [{transform_indices = @transform_0, window_bounds = array<i64: 1000, 256>}, {pipeline_mode = #tpu.pipeline_mode<synchronous>, transform_indices = @transform_1, window_bounds = array<i64: 256, 256>}, {transform_indices = @transform_2, window_bounds = array<i64: 1000, 16>}, {transform_indices = @transform_3, window_bounds = array<i64: 2, 1000, 128>}]} {
    %get3A = arith.constant 0 : index
    %get3A_0 = arith.constant 0 : index
    %get3A_1 = vector.load %arg3[%get3A, %get3A_0] : memref<1000x16xf32, #tpu.memory_space<vmem>>, vector<1000x1xf32>
    %get3A_2 = arith.constant 0 : index
    %get3A_3 = arith.constant 0 : index
    %get3A_4 = vector.load %arg1[%get3A_2, %get3A_3] : memref<1000x256xf32, #tpu.memory_space<vmem>>, vector<1000x256xf32>
    %get3A_5 = arith.constant 0 : index
    %get3A_6 = arith.constant 0 : index
    %get3A_7 = vector.load %arg2[%get3A_5, %get3A_6] : memref<256x256xf32, #tpu.memory_space<vmem>>, vector<256x256xf32>
    %dot_general3A = arith.constant dense<0.000000e+00> : vector<1000x256xf32>
    %dot_general3A_8 = tpu.matmul %get3A_4, %get3A_7, %dot_general3A {dimension_numbers = #tpu.dot_dimension_numbers<[1], [0], [0], [1], [0, 0, 1, 1], [], []>, transpose_lhs_hint = false} : vector<1000x256xf32>, vector<256x256xf32>, vector<1000x256xf32> -> vector<1000x256xf32>
    %mul3A = vector.broadcast %get3A_1 : vector<1000x1xf32> to vector<1000x256xf32>
    %mul3A_9 = arith.mulf %dot_general3A_8, %mul3A : vector<1000x256xf32>
    %slice3A = vector.extract_strided_slice %mul3A_9 {offsets = [0, 0], sizes = [1000, 128], strides = [1, 1]} : vector<1000x256xf32> to vector<1000x128xf32>
    %swap3A = arith.constant 0 : index
    %swap3A_10 = arith.constant 0 : index
    %swap3A_11 = arith.constant 0 : index
    %swap3A_12 = vector.load %arg4[%swap3A, %swap3A_10, %swap3A_11] : memref<2x1000x128xf32, #tpu.memory_space<vmem>>, vector<1x1000x128xf32>
    %swap3A_13 = vector.shape_cast %swap3A_12 : vector<1x1000x128xf32> to vector<1000x128xf32>
    %swap3A_14 = vector.shape_cast %slice3A : vector<1000x128xf32> to vector<1x1000x128xf32>
    tpu.vector_store %arg4[%swap3A, %swap3A_10, %swap3A_11], %swap3A_14 {strides = array<i32>} : memref<2x1000x128xf32, #tpu.memory_space<vmem>>, vector<1x1000x128xf32>,
    %slice3A_15 = vector.extract_strided_slice %mul3A_9 {offsets = [0, 128], sizes = [1000, 128], strides = [1, 1]} : vector<1000x256xf32> to vector<1000x128xf32>
    %swap3A_16 = arith.constant 1 : index
    %swap3A_17 = arith.constant 0 : index
    %swap3A_18 = arith.constant 0 : index
    %swap3A_19 = vector.load %arg4[%swap3A_16, %swap3A_17, %swap3A_18] : memref<2x1000x128xf32, #tpu.memory_space<vmem>>, vector<1x1000x128xf32>
    %swap3A_20 = vector.shape_cast %swap3A_19 : vector<1x1000x128xf32> to vector<1000x128xf32>
    %swap3A_21 = vector.shape_cast %slice3A_15 : vector<1000x128xf32> to vector<1x1000x128xf32>
    tpu.vector_store %arg4[%swap3A_16, %swap3A_17, %swap3A_18], %swap3A_21 {strides = array<i32>} : memref<2x1000x128xf32, #tpu.memory_space<vmem>>, vector<1x1000x128xf32>,
    return
  }
  func.func @transform_0(%arg0: i32) -> (i32, i32) {
    %c0_i32 = arith.constant 0 : i32
    %c0_i32_0 = arith.constant 0 : i32
    return %arg0, %c0_i32 : i32, i32
  }
  func.func @transform_1(%arg0: i32) -> (i32, i32) {
    %c0_i32 = arith.constant 0 : i32
    %c0_i32_0 = arith.constant 0 : i32
    %c0_i32_1 = arith.constant 0 : i32
    return %c0_i32, %c0_i32_0 : i32, i32
  }
  func.func @transform_2(%arg0: i32) -> (i32, i32) {
    %c0_i32 = arith.constant 0 : i32
    %c0_i32_0 = arith.constant 0 : i32
    return %arg0, %c0_i32 : i32, i32
  }
  func.func @transform_3(%arg0: i32) -> (i32, i32, i32) {
    %c0_i32 = arith.constant 0 : i32
    %c0_i32_0 = arith.constant 0 : i32
    %c0_i32_1 = arith.constant 0 : i32
    return %c0_i32, %arg0, %c0_i32_0 : i32, i32, i32
  }
}

module attributes {stable_mosaic.version = 14 : i64} {
  func.func @_a23_body(%arg0: i32, %arg1: memref<1000x128xf32, #tpu.memory_space<vmem>>, %arg2: memref<1000x128xf32, #tpu.memory_space<vmem>>, %arg3: memref<1000x16xf32, #tpu.memory_space<vmem>>, %arg4: memref<1x256xf32, #tpu.memory_space<vmem>>, %arg5: memref<256x256xf32, #tpu.memory_space<vmem>>, %arg6: memref<2x1000x128xf32, #tpu.memory_space<vmem>>) attributes {dimension_semantics = [#tpu.dimension_semantics<arbitrary>], iteration_bounds = array<i64: 10>, scalar_prefetch = 0 : i64, scratch_operands = 0 : i64, tpu.core_type = #tpu.core_type<tc>, window_params = [{transform_indices = @transform_0, window_bounds = array<i64: 1000, 128>}, {transform_indices = @transform_1, window_bounds = array<i64: 1000, 128>}, {transform_indices = @transform_2, window_bounds = array<i64: 1000, 16>}, {pipeline_mode = #tpu.pipeline_mode<synchronous>, transform_indices = @transform_3, window_bounds = array<i64: 1, 256>}, {pipeline_mode = #tpu.pipeline_mode<synchronous>, transform_indices = @transform_4, window_bounds = array<i64: 256, 256>}, {transform_indices = @transform_5, window_bounds = array<i64: 2, 1000, 128>}]} {
    %get3A = arith.constant 0 : index
    %get3A_0 = arith.constant 0 : index
    %get3A_1 = vector.load %arg3[%get3A, %get3A_0] : memref<1000x16xf32, #tpu.memory_space<vmem>>, vector<1000x1xf32>
    %get3A_2 = arith.constant 0 : index
    %get3A_3 = arith.constant 0 : index
    %get3A_4 = vector.load %arg1[%get3A_2, %get3A_3] : memref<1000x128xf32, #tpu.memory_space<vmem>>, vector<1000x128xf32>
    %get3A_5 = arith.constant 0 : index
    %get3A_6 = arith.constant 0 : index
    %get3A_7 = vector.load %arg2[%get3A_5, %get3A_6] : memref<1000x128xf32, #tpu.memory_space<vmem>>, vector<1000x128xf32>
    %concatenate3A = tpu.concatenate %get3A_4, %get3A_7 in 1 : vector<1000x128xf32>, vector<1000x128xf32> -> vector<1000x256xf32>
    %mul3A = vector.broadcast %get3A_1 : vector<1000x1xf32> to vector<1000x256xf32>
    %mul3A_8 = arith.mulf %concatenate3A, %mul3A : vector<1000x256xf32>
    %get3A_9 = arith.constant 0 : index
    %get3A_10 = arith.constant 0 : index
    %get3A_11 = vector.load %arg4[%get3A_9, %get3A_10] : memref<1x256xf32, #tpu.memory_space<vmem>>, vector<1x256xf32>
    %add3A = vector.broadcast %get3A_11 : vector<1x256xf32> to vector<1000x256xf32>
    %add3A_12 = arith.addf %mul3A_8, %add3A : vector<1000x256xf32>
    %max3A = arith.constant 0.000000e+00 : f32
    %max3A_13 = vector.broadcast %max3A : f32 to vector<1000x256xf32>
    %max3A_14 = arith.maximumf %add3A_12, %max3A_13 : vector<1000x256xf32>
    %get3A_15 = arith.constant 0 : index
    %get3A_16 = arith.constant 0 : index
    %get3A_17 = vector.load %arg5[%get3A_15, %get3A_16] : memref<256x256xf32, #tpu.memory_space<vmem>>, vector<256x256xf32>
    %dot_general3A = arith.constant dense<0.000000e+00> : vector<1000x256xf32>
    %dot_general3A_18 = tpu.matmul %max3A_14, %get3A_17, %dot_general3A {dimension_numbers = #tpu.dot_dimension_numbers<[1], [0], [0], [1], [0, 0, 1, 1], [], []>, transpose_lhs_hint = false} : vector<1000x256xf32>, vector<256x256xf32>, vector<1000x256xf32> -> vector<1000x256xf32>
    %mul3A_19 = vector.broadcast %get3A_1 : vector<1000x1xf32> to vector<1000x256xf32>
    %mul3A_20 = arith.mulf %dot_general3A_18, %mul3A_19 : vector<1000x256xf32>
    %slice3A = vector.extract_strided_slice %mul3A_20 {offsets = [0, 0], sizes = [1000, 128], strides = [1, 1]} : vector<1000x256xf32> to vector<1000x128xf32>
    %swap3A = arith.constant 0 : index
    %swap3A_21 = arith.constant 0 : index
    %swap3A_22 = arith.constant 0 : index
    %swap3A_23 = vector.load %arg6[%swap3A, %swap3A_21, %swap3A_22] : memref<2x1000x128xf32, #tpu.memory_space<vmem>>, vector<1x1000x128xf32>
    %swap3A_24 = vector.shape_cast %swap3A_23 : vector<1x1000x128xf32> to vector<1000x128xf32>
    %swap3A_25 = vector.shape_cast %slice3A : vector<1000x128xf32> to vector<1x1000x128xf32>
    tpu.vector_store %arg6[%swap3A, %swap3A_21, %swap3A_22], %swap3A_25 {strides = array<i32>} : memref<2x1000x128xf32, #tpu.memory_space<vmem>>, vector<1x1000x128xf32>,
    %slice3A_26 = vector.extract_strided_slice %mul3A_20 {offsets = [0, 128], sizes = [1000, 128], strides = [1, 1]} : vector<1000x256xf32> to vector<1000x128xf32>
    %swap3A_27 = arith.constant 1 : index
    %swap3A_28 = arith.constant 0 : index
    %swap3A_29 = arith.constant 0 : index
    %swap3A_30 = vector.load %arg6[%swap3A_27, %swap3A_28, %swap3A_29] : memref<2x1000x128xf32, #tpu.memory_space<vmem>>, vector<1x1000x128xf32>
    %swap3A_31 = vector.shape_cast %swap3A_30 : vector<1x1000x128xf32> to vector<1000x128xf32>
    %swap3A_32 = vector.shape_cast %slice3A_26 : vector<1000x128xf32> to vector<1x1000x128xf32>
    tpu.vector_store %arg6[%swap3A_27, %swap3A_28, %swap3A_29], %swap3A_32 {strides = array<i32>} : memref<2x1000x128xf32, #tpu.memory_space<vmem>>, vector<1x1000x128xf32>,
    return
  }
  func.func @transform_0(%arg0: i32) -> (i32, i32) {
    %c0_i32 = arith.constant 0 : i32
    %c0_i32_0 = arith.constant 0 : i32
    return %arg0, %c0_i32 : i32, i32
  }
  func.func @transform_1(%arg0: i32) -> (i32, i32) {
    %add3A = arith.constant 10 : i32
    %add3A_0 = arith.addi %arg0, %add3A : i32
    %c0_i32 = arith.constant 0 : i32
    %c0_i32_1 = arith.constant 0 : i32
    return %add3A_0, %c0_i32 : i32, i32
  }
  func.func @transform_2(%arg0: i32) -> (i32, i32) {
    %c0_i32 = arith.constant 0 : i32
    %c0_i32_0 = arith.constant 0 : i32
    return %arg0, %c0_i32 : i32, i32
  }
  func.func @transform_3(%arg0: i32) -> (i32, i32) {
    %c0_i32 = arith.constant 0 : i32
    %c0_i32_0 = arith.constant 0 : i32
    %c0_i32_1 = arith.constant 0 : i32
    return %c0_i32, %c0_i32_0 : i32, i32
  }
  func.func @transform_4(%arg0: i32) -> (i32, i32) {
    %c0_i32 = arith.constant 0 : i32
    %c0_i32_0 = arith.constant 0 : i32
    %c0_i32_1 = arith.constant 0 : i32
    return %c0_i32, %c0_i32_0 : i32, i32
  }
  func.func @transform_5(%arg0: i32) -> (i32, i32, i32) {
    %c0_i32 = arith.constant 0 : i32
    %c0_i32_0 = arith.constant 0 : i32
    %c0_i32_1 = arith.constant 0 : i32
    return %c0_i32, %arg0, %c0_i32_0 : i32, i32, i32
  }
}

module attributes {stable_mosaic.version = 14 : i64} {
  func.func @_c3_body(%arg0: i32, %arg1: memref<1000x128xf32, #tpu.memory_space<vmem>>, %arg2: memref<1000x128xf32, #tpu.memory_space<vmem>>, %arg3: memref<1000x16xf32, #tpu.memory_space<vmem>>, %arg4: memref<1x256xf32, #tpu.memory_space<vmem>>, %arg5: memref<1000x256xf32, #tpu.memory_space<vmem>>) attributes {dimension_semantics = [#tpu.dimension_semantics<arbitrary>], iteration_bounds = array<i64: 10>, scalar_prefetch = 0 : i64, scratch_operands = 0 : i64, tpu.core_type = #tpu.core_type<tc>, window_params = [{transform_indices = @transform_0, window_bounds = array<i64: 1000, 128>}, {transform_indices = @transform_1, window_bounds = array<i64: 1000, 128>}, {transform_indices = @transform_2, window_bounds = array<i64: 1000, 16>}, {pipeline_mode = #tpu.pipeline_mode<synchronous>, transform_indices = @transform_3, window_bounds = array<i64: 1, 256>}, {transform_indices = @transform_4, window_bounds = array<i64: 1000, 256>}]} {
    %get3A = arith.constant 0 : index
    %get3A_0 = arith.constant 0 : index
    %get3A_1 = vector.load %arg3[%get3A, %get3A_0] : memref<1000x16xf32, #tpu.memory_space<vmem>>, vector<1000x1xf32>
    %get3A_2 = arith.constant 0 : index
    %get3A_3 = arith.constant 0 : index
    %get3A_4 = vector.load %arg1[%get3A_2, %get3A_3] : memref<1000x128xf32, #tpu.memory_space<vmem>>, vector<1000x128xf32>
    %get3A_5 = arith.constant 0 : index
    %get3A_6 = arith.constant 0 : index
    %get3A_7 = vector.load %arg2[%get3A_5, %get3A_6] : memref<1000x128xf32, #tpu.memory_space<vmem>>, vector<1000x128xf32>
    %concatenate3A = tpu.concatenate %get3A_4, %get3A_7 in 1 : vector<1000x128xf32>, vector<1000x128xf32> -> vector<1000x256xf32>
    %mul3A = vector.broadcast %get3A_1 : vector<1000x1xf32> to vector<1000x256xf32>
    %mul3A_8 = arith.mulf %concatenate3A, %mul3A : vector<1000x256xf32>
    %get3A_9 = arith.constant 0 : index
    %get3A_10 = arith.constant 0 : index
    %get3A_11 = vector.load %arg4[%get3A_9, %get3A_10] : memref<1x256xf32, #tpu.memory_space<vmem>>, vector<1x256xf32>
    %add3A = vector.broadcast %get3A_11 : vector<1x256xf32> to vector<1000x256xf32>
    %add3A_12 = arith.addf %mul3A_8, %add3A : vector<1000x256xf32>
    %swap3A = arith.constant 0 : index
    %swap3A_13 = arith.constant 0 : index
    %swap3A_14 = vector.load %arg5[%swap3A, %swap3A_13] : memref<1000x256xf32, #tpu.memory_space<vmem>>, vector<1000x256xf32>
    tpu.vector_store %arg5[%swap3A, %swap3A_13], %add3A_12 {strides = array<i32>} : memref<1000x256xf32, #tpu.memory_space<vmem>>, vector<1000x256xf32>,
    return
  }
  func.func @transform_0(%arg0: i32) -> (i32, i32) {
    %c0_i32 = arith.constant 0 : i32
    %c0_i32_0 = arith.constant 0 : i32
    return %arg0, %c0_i32 : i32, i32
  }
  func.func @transform_1(%arg0: i32) -> (i32, i32) {
    %add3A = arith.constant 10 : i32
    %add3A_0 = arith.addi %arg0, %add3A : i32
    %c0_i32 = arith.constant 0 : i32
    %c0_i32_1 = arith.constant 0 : i32
    return %add3A_0, %c0_i32 : i32, i32
  }
  func.func @transform_2(%arg0: i32) -> (i32, i32) {
    %c0_i32 = arith.constant 0 : i32
    %c0_i32_0 = arith.constant 0 : i32
    return %arg0, %c0_i32 : i32, i32
  }
  func.func @transform_3(%arg0: i32) -> (i32, i32) {
    %c0_i32 = arith.constant 0 : i32
    %c0_i32_0 = arith.constant 0 : i32
    %c0_i32_1 = arith.constant 0 : i32
    return %c0_i32, %c0_i32_0 : i32, i32
  }
  func.func @transform_4(%arg0: i32) -> (i32, i32) {
    %c0_i32 = arith.constant 0 : i32
    %c0_i32_0 = arith.constant 0 : i32
    return %arg0, %c0_i32 : i32, i32
  }
}

</mosaic_0001>

<sc_bundles>
// kernel: kernel.11.cloned.1.call-start
scs
__scs_entry_jumppad:
0x0: {  	(pc) =	sbr.rel $0x88, $3  }
0x1: {  	(tag) =	ssettag $0x0;
	lr =	simm.s32 $0x1  }
0x2: {  	[smem:$0x3F99] =	sst lr;
	_ =	strace $0xD0000000  }
0x3: {  	_ = 	snop  }
0x4: {  	_ = 	snop  }
0x5: {  	_ = 	snop  }
0x6: {  	_ = 	snop  }
0x7: {  	_ = 	snop  }
__scs_overlays_trampoline_lowered:
0x8: {  	[smem:$0x3FA8] =	sst s0  }
0x9: {  	[smem:$0x3FA9] =	sst s1  }
0xa: {  	[smem:$0x3FAA] =	sst s2  }
0xb: {  	[smem:$0x3FAB] =	sst s3  }
0xc: {  	[smem:$0x3FAC] =	sst s4  }
0xd: {  	[smem:$0x3FAD] =	sst s5  }
0xe: {  	[smem:$0x3FAE] =	sst s6  }
0xf: {  	[smem:$0x3FAF] =	sst s7  }
0x10: {  	[smem:$0x3FB0] =	sst s8  }
0x11: {  	[smem:$0x3FB1] =	sst s9;
	s0 =	simm.s32 @!p0 $0x0  }
0x12: {  	s1 =	sld [smem:$0x3F97];
	s0 =	simm.s32 @p0 $0x1  }
0x13: {  	[smem:$0x3FB2] =	sst s0;
	s0 =	simm.s32 @!p1 $0x0  }
0x14: {  	s2 =	sld [smem:$0x3F96];
	s0 =	simm.s32 @p1 $0x1  }
0x15: {  	[smem:$0x3FB3] =	sst s0;
	s0 =	simm.s32 @!p2 $0x0  }
0x16: {  	s3 =	sld [smem:$0x3FDB];
	s0 =	simm.s32 @p2 $0x1  }
0x17: {  	s4 =	simm.s32 $0x1BF5;
	[smem:$0x3FB5] =	sst s0  }
0x18: {  	s0 =	sld [smem:$0x3F98];
	_ =	swait.ge [sflag:s4], $0x0  }
0x19: {  	s7 =	sld [smem:$0x3F99]  }
0x1a: {  	s8 =	sadd.s32 $0xFFFFE003, lr  }
0x1b: {  	s9 =	sadd.s32 $0xFFFFFEF7, lr;
	s5 =	simm.s32 $0xFFFFFFFF;
	p2 =	slt.u32 s8, $0xFFFFF086  }
0x1c: {  	p1 =	slt.u32 s9, $0xF7A;
	s5 =	simm.s32 @!p2 $0x0  }
0x1d: {  	s5 =	simm.s32 @p1 $0x1;
	p0 =	seq.s32 s7, s2  }
0x1e: {  	s7 =	smul.u32 @!p0 $0xF7A, s2;
	p2 =	seq.s32 @!p0 s5, $0x0  }
0x1f: {  	s9 =	smul.u32 $0xF7A, s1;
	s8 =	simm.s32 @!p0 $0x1BF5;
	p2 =	por !p2, p0  }
0x20: {  	[sflag:s8] =	ssyncset.s32 @!p0 $0xFFFFF086;
	s6 =	sadd.s32 @!p0 s3, s7;
	s7 =	simm.s32 @!p0 $0x108  }
0x21: {  	s3 =	sadd.s32 s3, s9;
	s6 =	sadd.s32 @!p0 $0x88, s6;
	s7 =	simm.s32 @p2 $0x1082  }
0x22: {  	[simem:s7], [sflag:s8] =	dma.local @!p0 [hbm:s6], $0xF7A  }
0x23: {  	s9 =	sor.u32 $0xD0000000, s2;
	s6 =	simm.s32 $0x108;
	_ =	swait.ge @!p0 [sflag:s8], $0x0  }
0x24: {  	s3 =	sadd.s32 $0x88, s3;
	s6 =	simm.s32 @!p1 $0x1082;
	[sflag:s4] =	ssyncset.s32 $0xFFFFF086  }
0x25: {  	[simem:s6], [sflag:s4] =	dma.local [hbm:s3], $0xF7A  }
0x26: {  	[smem:$0x3F99] =	sst s1;
	(tag) =	ssettag s2;
	_ =	strace s9  }
0x27: {  	s1 =	sld [smem:$0x3FA9]  }
0x28: {  	s2 =	sld [smem:$0x3FAA]  }
0x29: {  	s4 =	sld [smem:$0x3FAC]  }
0x2a: {  	p0 =	seq.s32 s5, $0x0;
	s5 =	sld [smem:$0x3FAD]  }
0x2b: {  	s6 =	sld [smem:$0x3FAE]  }
0x2c: {  	s7 =	sld [smem:$0x3FAF]  }
0x2d: {  	s3 =	simm.s32 $0x108;
	s8 =	sld [smem:$0x3FB0]  }
0x2e: {  	s3 =	simm.s32 @!p0 $0x1082;
	s9 =	sld [smem:$0x3FB1]  }
0x2f: {  	lr =	sadd.s32 s0, s3;
	s0 =	sld [smem:$0x3FA8]  }
0x30: {  	s3 =	sld [smem:$0x3FAB]  }
0x31: {  	[smem:$0x3FB4] =	sst s10  }
0x32: {  	s10 =	sld [smem:$0x3FB2];
	_ =	sdelay $0x3  }
0x33: {  	p0 =	seq.s32 s10, $0x1;
	s10 =	sld [smem:$0x3FB4];
	_ =	sdelay $0x3  }
0x34: {  	[smem:$0x3FB4] =	sst s10  }
0x35: {  	s10 =	sld [smem:$0x3FB3];
	_ =	sdelay $0x3  }
0x36: {  	p1 =	seq.s32 s10, $0x1;
	s10 =	sld [smem:$0x3FB4];
	_ =	sdelay $0x3  }
0x37: {  	[smem:$0x3FB4] =	sst s10  }
0x38: {  	s10 =	sld [smem:$0x3FB5]  }
0x39: {  	_ = 	snop;
	(pc) =	sbr.ind lr, $3  }
0x3a: {  	_ = 	snop  }
0x3b: {  	_ = 	snop  }
0x3c: {  	p2 =	seq.s32 s10, $0x1;
	s10 =	sld [smem:$0x3FB4]  }
0x3d: {  	_ =	shalt  }
0x3e: {  	_ =	shalt  }
0x3f: {  	_ =	shalt  }
0x40: {  	_ =	shalt  }
0x41: {  	_ =	shalt  }
0x42: {  	_ =	shalt  }
0x43: {  	_ =	shalt  }
0x44: {  	_ =	shalt  }
0x45: {  	_ =	shalt  }
0x46: {  	_ =	shalt  }
0x47: {  	_ =	shalt  }
0x48: {  	_ =	shalt  }
0x49: {  	_ =	shalt  }
0x4a: {  	_ =	shalt  }
0x4b: {  	_ =	shalt  }
0x4c: {  	_ =	shalt  }
0x4d: {  	_ =	shalt  }
0x4e: {  	_ =	shalt  }
0x4f: {  	_ =	shalt  }
0x50: {  	_ =	shalt  }
0x51: {  	_ =	shalt  }
0x52: {  	_ =	shalt  }
0x53: {  	_ =	shalt  }
0x54: {  	_ =	shalt  }
0x55: {  	_ =	shalt  }
0x56: {  	_ =	shalt  }
0x57: {  	_ =	shalt  }
0x58: {  	_ =	shalt  }
0x59: {  	_ =	shalt  }
0x5a: {  	_ =	shalt  }
0x5b: {  	_ =	shalt  }
0x5c: {  	_ =	shalt  }
0x5d: {  	_ =	shalt  }
0x5e: {  	_ =	shalt  }
0x5f: {  	_ =	shalt  }
0x60: {  	_ =	shalt  }
0x61: {  	_ =	shalt  }
0x62: {  	_ =	shalt  }
0x63: {  	_ =	shalt  }
0x64: {  	_ =	shalt  }
0x65: {  	_ =	shalt  }
0x66: {  	_ =	shalt  }
0x67: {  	_ =	shalt  }
0x68: {  	_ =	shalt  }
0x69: {  	_ =	shalt  }
0x6a: {  	_ =	shalt  }
0x6b: {  	_ =	shalt  }
0x6c: {  	_ =	shalt  }
0x6d: {  	_ =	shalt  }
0x6e: {  	_ =	shalt  }
0x6f: {  	_ =	shalt  }
0x70: {  	_ =	shalt  }
0x71: {  	_ =	shalt  }
0x72: {  	_ =	shalt  }
0x73: {  	_ =	shalt  }
0x74: {  	_ =	shalt  }
0x75: {  	_ =	shalt  }
0x76: {  	_ =	shalt  }
0x77: {  	_ =	shalt  }
0x78: {  	_ =	shalt  }
0x79: {  	_ =	shalt  }
0x7a: {  	_ =	shalt  }
0x7b: {  	_ =	shalt  }
0x7c: {  	_ =	shalt  }
0x7d: {  	_ =	shalt  }
0x7e: {  	_ =	shalt  }
0x7f: {  	_ =	shalt  }
0x80: {  	_ =	shalt  }
0x81: {  	_ =	shalt  }
0x82: {  	_ =	shalt  }
0x83: {  	_ =	shalt  }
0x84: {  	_ =	shalt  }
0x85: {  	_ =	shalt  }
0x86: {  	_ =	shalt  }
0x87: {  	_ =	shalt  }
.Lfunc_end0:
.L_simem_size_0:
called_computation_lowered:
.L_overlay_start_0:
0x88: {  	s2 =	sld [smem:$0x3FD9]  }
0x89: {  	s3 =	sld [smem:$0x3FFE];
	_ =	sdelay $0x1  }
0x8a: {  	s1 =	srdreg.scid  }
0x8b: {  	s0 =	sand.u32 $0x1, s1  }
0x8c: {  	s17 =	sshll.u32 s0, $0xA;
	s2 =	sadd.s32 s3, s2  }
0x8d: {  	s2 =	sadd.s32 s2, s17  }
0x8e: {  	[smem:$0x3FC0] =	sst s2  }
0x8f: {  	_ = 	snop  }
0x90: {  	s2 =	sld [smem:$0x3FD0];
	(tm) =	ssettm $0x1  }
0x91: {  	s18 =	sld [smem:$0x3FFB];
	_ =	sdelay $0x3  }
0x92: {  	_ =	strace s18  }
0x93: {  	s3 =	sld [smem:$0x3FFC];
	_ =	sdelay $0x3  }
0x94: {  	_ =	strace s3  }
0x95: {  	s3 =	sld [smem:$0x3FFD];
	_ =	sdelay $0x3  }
0x96: {  	_ =	strace s3  }
0x97: {  	_ =	strace $0x8FFFFFFF  }
0x98: {  	s19 =	sld [smem:$0x3FDB];
	_ =	sdelay $0x1  }
0x99: {  	s4 =	simm.s32 $_scs_section_size  }
0x9a: {  	s5 =	simm.s32 $_size__tile_overlayer_lowered;
	s6 =	simm.s32 $_tile_overlayer_lowered  }
0x9b: {  	s22 =	simm.s32 $0x1BFF;
	s21 =	sshll.u32 s6, $0x1;
	s3 =	sadd.s32 s4, s19  }
0x9c: {  	s7 =	simm.s32 $0x0;
	s20 =	sshll.u32 s5, $0x1;
	s5 =	sadd.s32 s21, s3  }
0x9d: {  	[timem:s7], [sflag:s22] =	dma.local [hbm:s5], s20  }
0x9e: {  	_ =	swait.ge [sflag:s22], s20  }
0x9f: {  	s4 =	ssub.s32 $0x0, s20;
	[sflag:s22] =	ssyncset.done $0x0  }
0xa0: {  	[sflag:s22] =	ssyncadd.s32 s4;
	_ =	sdelay $0x1  }
0xa1: {  	s23 =	simm.s32 $0x1B8B  }
0xa2: {  	_ =	swait.ge [sflag:s23], $0x1  }
0xa3: {  	[sflag:s23] =	ssyncset.done $0x0  }
0xa4: {  	s25 =	simm.s32 $0x1B8E;
	s24 =	sld [smem:$0x3FFE];
	[sflag:s23] =	ssyncadd.s32 $0xFFFFFFFF  }
0xa5: {  	s26 =	simm.s32 $execute0_lowered;
	[smem:$0x3FD2] =	sst s25  }
0xa6: {  	s5 =	sshll.u32 s26, $0x1;
	_ =	strace $0x80000046;
	[dreg:$0x1] =	wrdreg $0xFFFFFFFF  }
0xa7: {  	s28 =	simm.s32 $_size_execute0_lowered;
	s3 =	sadd.s32 s3, s5;
	[dreg:$0x0] =	wrdreg $0x0  }
0xa8: {  	s5 =	sshll.u32 s28, $0x1;
	[dreg:$0x2] =	wrdreg s3  }
0xa9: {  	[dreg:$0x3] =	wrdreg s5  }
0xaa: {  	[dreg:$0x4] =	wrdreg $0xC0  }
0xab: {  	_ =	task [dreg:s7], $0x5FFFF  }
0xac: {  	[dreg:$0x1] =	wrdreg $0xFFFFFFFF  }
0xad: {  	[dreg:$0x0] =	wrdreg $0x60  }
0xae: {  	[dreg:$0x2] =	wrdreg s24  }
0xaf: {  	[dreg:$0x3] =	wrdreg s2  }
0xb0: {  	[dreg:$0x4] =	wrdreg $0x0  }
0xb1: {  	[dreg:$0x5] =	wrdreg $0x9  }
0xb2: {  	_ =	task.clear_ibuf [dreg:s7], $0x6FFFF;
	_ =	strace $0x90000046  }
0xb3: {  	s29 =	simm.s32 $0x9;
	_ =	strace $0x80000048  }
0xb4: {  	_ =	swait.ge [sflag:s29], $0x1  }
0xb5: {  	[sflag:s29] =	ssyncadd.s32 $0xFFFFFFFF  }
0xb6: {  	_ =	strace $0x90000048  }
0xb7: {  	_ =	sfence  }
0xb8: {  	s30 =	sld [smem:$0x0];
	_ =	sdelay $0x2  }
0xb9: {  	s31 =	sshll.u32 s1, $0xD;
	s1 =	sshrl.u32 s1, $0x2  }
0xba: {  	s3 =	sand.u32 $0x4000, s31;
	s1 =	sadd.s32 s1, s30  }
0xbb: {  	s0 =	sor.u32 s3, s0;
	s1 =	sshll.u32 s1, $0x11  }
0xbc: {  	s0 =	sor.u32 s1, s0  }
0xbd: {  	s0 =	sadd.s32 $0x8F2B, s0  }
0xbe: {  	[sflag:s0] =	ssyncadd.remote.s32 $0x1  }
0xbf: {  	_ =	sfence.sel $0xFFFF  }
0xc0: {  	[dreg:$0x0] =	wrdreg $0xFFFFFFFF;
	(pc) =	sbr.abs _section_cstart, $3  }
0xc1: {  	[dreg:$0x1] =	wrdreg $0xFFFFFFFF  }
0xc2: {  	_ =	task.clear_ibuf [dreg:s7], $0x2FFFF;
	_ =	strace $0x9FFFFFFF  }
0xc3: {  	(tm) =	ssettm $0x7FFFFFFF  }
tec
execute0_lowered:
.L_overlay_start_1:
0x0: {  	(tag) =	ssettag $0x1  }
0x1: {  	s7 =	rddreg [dreg:$0x0]  }
0x2: {  	s0 =	srdreg.scid;
	s9 =	rddreg [dreg:$0x1]  }
0x3: {  	s2 =	rddreg [dreg:$0x2];
	s5 =	sand.u32 $0x1, s0;
	s0 =	stileid.u32  }
0x4: {  	s3 =	simm.s32 $0x0;
	s17 =	simm.s32 $0x64;
	s8 =	smul.u32 $0x2700, s0  }
0x5: {  	s18 =	simm.s32 $0x0;
	[smem:$0x7FF] =	sst s3;
	s12 =	smul.u32 $0x4E000, s0  }
0x6: {  	s16 =	sadd.s32 $0x138000, s2;
	s1 =	sshll.u32 s5, $0x4;
	s14 =	smul.u32 $0x27100, s5  }
0x7: {  	s11 =	ssub.s32 $0x2, s5;
	s29 =	smul.u32 $0x138800, s5;
	p0 =	sne.s32 s0, $0xF  }
0x8: {  	s31 =	sshll.u32 s0, $0x6;
	s4 =	sor.u32 s0, s1;
	s1 =	rddreg [dreg:$0x3]  }
0x9: {  	_ =	strace $0x80000047;
	s13 =	sshrl.u32 s11, $0x1;
	s16 =	sshrl.u32 @!p0 s16, $0x3  }
0xa: {  	s4 =	smul.u32 $0x380, s4;
	s10 =	sadd.s32 s8, s7;
	s11 =	ssub.s32 s11, s13  }
0xb: {  	s12 =	sshrl.u32 s12, $0x2;
	s8 =	sadd.s32 s8, s14;
	s30 =	sshrl.u32 s29, $0x3  }
0xc: {  	s13 =	simm.s32 $0x15480;
	s14 =	sor.u32 $0x1C01, s31;
	s15 =	sadd.s32 s12, s2  }
0xd: {  	s8 =	sadd.s32 s9, s8;
	s9 =	sadd.s32 s9, s30;
	s12 =	simm.s32 $0x1  }
0xe: {  	s6 =	sadd.s32 s4, s7;
	s4 =	sadd.s32 $0x8E00, s7;
	s7 =	sadd.s32 $0x30600, s7  }
0xf: {  	s9 =	sadd.s32 $0x27000, s9;
	s15 =	sshrl.u32 s15, $0x3;
	s5 =	sadd.s32 $0x1E00, s6  }
0x10: {  	s6 =	sadd.s32 $0x9600, s10;
	s10 =	smax.u32 s11, $0x1;
	s11 =	simm.s32 $0x13880  }
.LBB2_1:
0x11: {  	[tilespmem:s11], [sflag:$0x1] =	stream.linear.gather [hbm4b:s5+s3], $0x1900, $0x38;
	[tilespmem:$0x18880] =	vst v63  }
0x12: {  	_ =	swait.ge [sflag:s12], $0x1900  }
0x13: {  	[sflag:s12] =	ssyncset.done $0x0  }
0x14: {  	[sflag:s12] =	ssyncadd.s32 $0xFFFFE700  }
0x15: {  	[tilespmem:s13], [sflag:$0x1] =	stream.linear.gather [hbm4b:s4+s3], $0x3200, $0x38;
	[tilespmem:$0x18880] =	vst v63  }
0x16: {  	_ =	swait.ge [sflag:s12], $0x3200  }
0x17: {  	[sflag:s12] =	ssyncset.done $0x0  }
0x18: {  	[sflag:s12] =	ssyncadd.s32 $0xFFFFCE00  }
0x19: {  	[spmem:s15], [sflag:s14] =	dma.local [hbm:s6], $0x2700  }
0x1a: {  	_ =	swait.ge [sflag:s12], $0x2700  }
0x1b: {  	[sflag:s12] =	ssyncset.done $0x0  }
0x1c: {  	s19 =	simm.s32 @!p0 $0x1;
	[sflag:s12] =	ssyncadd.s32 $0xFFFFD900  }
0x1d: {  	[spmem:s16], [sflag:s14] =	dma.local @!p0 [hbm:s7], $0x100  }
0x1e: {  	_ =	swait.ge @!p0 [sflag:s19], $0x100  }
0x1f: {  	[sflag:s19] =	ssyncset.done @!p0 $0x0  }
0x20: {  	[sflag:s19] =	ssyncadd.s32 @!p0 $0xFFFFFF00  }
0x21: {  	s31 =	simm.s32 $0x13880;
	[bflag:$0x0] =	sbarrier.arrive $0xFFFF  }
0x22: {  	[spmem:s2] =	stream.indirect.scatter.add.f32 [tilespmem:s13], [sflag:$0x1], $0x80, s31, s17, $0xb8;
	[tilespmem:$0x18880] =	vst v63  }
0x23: {  	s19 =	simm.s32 $0x200;
	_ =	swait.ge [sflag:s12], $0x3200  }
.LBB2_2:
0x24: {  	s20 =	sshra.s32 s19, $0x2;
	[sflag:s12] =	ssyncset.done $0x0;
	p1 =	sne.s32 s19, $0x6200  }
.Ltmp0:
0x25: {  	s20 =	sadd.s32 $0x13880, s20;
	[sflag:s12] =	ssyncadd.s32 $0xFFFFCE00;
	(pc) =	sbr.rel @p1 .LBB2_2-.Ltmp0, $3  }
0x26: {  	[spmem:s2] =	stream.indirect.scatter.add.f32 [tilespmem:s13], [sflag:$0x1], $0x80, s20, s17, $0xb8;
	[tilespmem:$0x18880] =	vst v63  }
0x27: {  	s19 =	sadd.s32 $0x200, s19;
	_ =	sdelay $0x1  }
0x28: {  	_ =	swait.ge [sflag:s12], $0x3200  }
0x29: {  	[sflag:s12] =	ssyncset.done $0x0  }
0x2a: {  	[sflag:s12] =	ssyncadd.s32 $0xFFFFCE00  }
0x2b: {  	[bflag:$0x0] =	sbarrier.arrive $0xFFFF  }
0x2c: {  	[hbm:s8], [sflag:s14] =	dma.local [spmem:s15], $0x2700  }
0x2d: {  	s18 =	sadd.s32 $0x1, s18;
	_ =	swait.ge [sflag:s12], $0x2700  }
0x2e: {  	p1 =	sne.s32 s18, s10;
	[sflag:s12] =	ssyncset.done $0x0  }
.Ltmp1:
0x2f: {  	s19 =	simm.s32 @!p0 $0x1;
	[sflag:s12] =	ssyncadd.s32 $0xFFFFD900;
	(pc) =	sbr.rel @p1 .LBB2_1-.Ltmp1, $4  }
0x30: {  	[hbm:s9], [sflag:s14] =	dma.local @!p0 [spmem:s16], $0x100  }
0x31: {  	_ =	swait.ge @!p0 [sflag:s19], $0x100  }
0x32: {  	[sflag:s19] =	ssyncset.done @!p0 $0x0  }
0x33: {  	[sflag:s19] =	ssyncadd.s32 @!p0 $0xFFFFFF00  }
0x34: {  	_ =	sfence.sel $0x180000  }
0x35: {  	[bflag:$0x0] =	sbarrier.arrive $0xFFFF  }
0x36: {  	p0 =	sne.s32 s0, $0x0;
	_ =	strace $0x90000047  }
0x37: {  	s0 =	sadd.s32 @!p0 $0x100000, s1;
	[bflag:$0x2] =	sbarrier.arrive $0xFFFF  }
0x38: {  	[sflag:s0] =	ssyncadd.tile.s32 @!p0 $0x1;
	_ =	shalt  }
.Lfunc_end2:
_tile_overlayer_lowered:
.L_overlay_start_2:
0x39: {  	(tag) =	ssettag $0x2  }
0x3a: {  	s0 =	rddreg [dreg:$0x0];
	s2 =	stileid.u32  }
0x3b: {  	s1 =	rddreg [dreg:$0x1];
	p0 =	sne.s32 s2, $0x0  }
0x3c: {  	s3 =	rddreg [dreg:$0x2];
	[bflag:$0x3] =	sbarrier.arrive $0xFFFF;
	s2 =	simm.s32 @!p0 $0x1C01  }
0x3d: {  	[timem:s3], [sflag:s2] =	dma.local @!p0 [hbm:s0], s1  }
0x3e: {  	s0 =	simm.s32 @!p0 $0x1  }
0x3f: {  	_ =	swait.ge @!p0 [sflag:s0], s1  }
0x40: {  	s1 =	ssub.s32 @!p0 $0x0, s1;
	[sflag:s0] =	ssyncset.done @!p0 $0x0  }
0x41: {  	[sflag:s0] =	ssyncadd.s32 @!p0 s1  }
0x42: {  	[bflag:$0x3] =	sbarrier.arrive $0xFFFF  }
0x43: {  	_ =	shalt  }

// kernel: kernel.14.cloned.1.call-start
scs
__scs_entry_jumppad:
0x0: {  	(pc) =	sbr.rel $0x88, $3  }
0x1: {  	(tag) =	ssettag $0x0;
	lr =	simm.s32 $0x1  }
0x2: {  	[smem:$0x3F99] =	sst lr;
	_ =	strace $0xD0000000  }
0x3: {  	_ = 	snop  }
0x4: {  	_ = 	snop  }
0x5: {  	_ = 	snop  }
0x6: {  	_ = 	snop  }
0x7: {  	_ = 	snop  }
__scs_overlays_trampoline_lowered:
0x8: {  	[smem:$0x3FA8] =	sst s0  }
0x9: {  	[smem:$0x3FA9] =	sst s1  }
0xa: {  	[smem:$0x3FAA] =	sst s2  }
0xb: {  	[smem:$0x3FAB] =	sst s3  }
0xc: {  	[smem:$0x3FAC] =	sst s4  }
0xd: {  	[smem:$0x3FAD] =	sst s5  }
0xe: {  	[smem:$0x3FAE] =	sst s6  }
0xf: {  	[smem:$0x3FAF] =	sst s7  }
0x10: {  	[smem:$0x3FB0] =	sst s8  }
0x11: {  	[smem:$0x3FB1] =	sst s9;
	s0 =	simm.s32 @!p0 $0x0  }
0x12: {  	s1 =	sld [smem:$0x3F97];
	s0 =	simm.s32 @p0 $0x1  }
0x13: {  	[smem:$0x3FB2] =	sst s0;
	s0 =	simm.s32 @!p1 $0x0  }
0x14: {  	s2 =	sld [smem:$0x3F96];
	s0 =	simm.s32 @p1 $0x1  }
0x15: {  	[smem:$0x3FB3] =	sst s0;
	s0 =	simm.s32 @!p2 $0x0  }
0x16: {  	s3 =	sld [smem:$0x3FDB];
	s0 =	simm.s32 @p2 $0x1  }
0x17: {  	s4 =	simm.s32 $0x1BF5;
	[smem:$0x3FB5] =	sst s0  }
0x18: {  	s0 =	sld [smem:$0x3F98];
	_ =	swait.ge [sflag:s4], $0x0  }
0x19: {  	s7 =	sld [smem:$0x3F99]  }
0x1a: {  	s8 =	sadd.s32 $0xFFFFE003, lr  }
0x1b: {  	s9 =	sadd.s32 $0xFFFFFEF7, lr;
	s5 =	simm.s32 $0xFFFFFFFF;
	p2 =	slt.u32 s8, $0xFFFFF086  }
0x1c: {  	p1 =	slt.u32 s9, $0xF7A;
	s5 =	simm.s32 @!p2 $0x0  }
0x1d: {  	s5 =	simm.s32 @p1 $0x1;
	p0 =	seq.s32 s7, s2  }
0x1e: {  	s7 =	smul.u32 @!p0 $0xF7A, s2;
	p2 =	seq.s32 @!p0 s5, $0x0  }
0x1f: {  	s9 =	smul.u32 $0xF7A, s1;
	s8 =	simm.s32 @!p0 $0x1BF5;
	p2 =	por !p2, p0  }
0x20: {  	[sflag:s8] =	ssyncset.s32 @!p0 $0xFFFFF086;
	s6 =	sadd.s32 @!p0 s3, s7;
	s7 =	simm.s32 @!p0 $0x108  }
0x21: {  	s3 =	sadd.s32 s3, s9;
	s6 =	sadd.s32 @!p0 $0x88, s6;
	s7 =	simm.s32 @p2 $0x1082  }
0x22: {  	[simem:s7], [sflag:s8] =	dma.local @!p0 [hbm:s6], $0xF7A  }
0x23: {  	s9 =	sor.u32 $0xD0000000, s2;
	s6 =	simm.s32 $0x108;
	_ =	swait.ge @!p0 [sflag:s8], $0x0  }
0x24: {  	s3 =	sadd.s32 $0x88, s3;
	s6 =	simm.s32 @!p1 $0x1082;
	[sflag:s4] =	ssyncset.s32 $0xFFFFF086  }
0x25: {  	[simem:s6], [sflag:s4] =	dma.local [hbm:s3], $0xF7A  }
0x26: {  	[smem:$0x3F99] =	sst s1;
	(tag) =	ssettag s2;
	_ =	strace s9  }
0x27: {  	s1 =	sld [smem:$0x3FA9]  }
0x28: {  	s2 =	sld [smem:$0x3FAA]  }
0x29: {  	s4 =	sld [smem:$0x3FAC]  }
0x2a: {  	p0 =	seq.s32 s5, $0x0;
	s5 =	sld [smem:$0x3FAD]  }
0x2b: {  	s6 =	sld [smem:$0x3FAE]  }
0x2c: {  	s7 =	sld [smem:$0x3FAF]  }
0x2d: {  	s3 =	simm.s32 $0x108;
	s8 =	sld [smem:$0x3FB0]  }
0x2e: {  	s3 =	simm.s32 @!p0 $0x1082;
	s9 =	sld [smem:$0x3FB1]  }
0x2f: {  	lr =	sadd.s32 s0, s3;
	s0 =	sld [smem:$0x3FA8]  }
0x30: {  	s3 =	sld [smem:$0x3FAB]  }
0x31: {  	[smem:$0x3FB4] =	sst s10  }
0x32: {  	s10 =	sld [smem:$0x3FB2];
	_ =	sdelay $0x3  }
0x33: {  	p0 =	seq.s32 s10, $0x1;
	s10 =	sld [smem:$0x3FB4];
	_ =	sdelay $0x3  }
0x34: {  	[smem:$0x3FB4] =	sst s10  }
0x35: {  	s10 =	sld [smem:$0x3FB3];
	_ =	sdelay $0x3  }
0x36: {  	p1 =	seq.s32 s10, $0x1;
	s10 =	sld [smem:$0x3FB4];
	_ =	sdelay $0x3  }
0x37: {  	[smem:$0x3FB4] =	sst s10  }
0x38: {  	s10 =	sld [smem:$0x3FB5]  }
0x39: {  	_ = 	snop;
	(pc) =	sbr.ind lr, $3  }
0x3a: {  	_ = 	snop  }
0x3b: {  	_ = 	snop  }
0x3c: {  	p2 =	seq.s32 s10, $0x1;
	s10 =	sld [smem:$0x3FB4]  }
0x3d: {  	_ =	shalt  }
0x3e: {  	_ =	shalt  }
0x3f: {  	_ =	shalt  }
0x40: {  	_ =	shalt  }
0x41: {  	_ =	shalt  }
0x42: {  	_ =	shalt  }
0x43: {  	_ =	shalt  }
0x44: {  	_ =	shalt  }
0x45: {  	_ =	shalt  }
0x46: {  	_ =	shalt  }
0x47: {  	_ =	shalt  }
0x48: {  	_ =	shalt  }
0x49: {  	_ =	shalt  }
0x4a: {  	_ =	shalt  }
0x4b: {  	_ =	shalt  }
0x4c: {  	_ =	shalt  }
0x4d: {  	_ =	shalt  }
0x4e: {  	_ =	shalt  }
0x4f: {  	_ =	shalt  }
0x50: {  	_ =	shalt  }
0x51: {  	_ =	shalt  }
0x52: {  	_ =	shalt  }
0x53: {  	_ =	shalt  }
0x54: {  	_ =	shalt  }
0x55: {  	_ =	shalt  }
0x56: {  	_ =	shalt  }
0x57: {  	_ =	shalt  }
0x58: {  	_ =	shalt  }
0x59: {  	_ =	shalt  }
0x5a: {  	_ =	shalt  }
0x5b: {  	_ =	shalt  }
0x5c: {  	_ =	shalt  }
0x5d: {  	_ =	shalt  }
0x5e: {  	_ =	shalt  }
0x5f: {  	_ =	shalt  }
0x60: {  	_ =	shalt  }
0x61: {  	_ =	shalt  }
0x62: {  	_ =	shalt  }
0x63: {  	_ =	shalt  }
0x64: {  	_ =	shalt  }
0x65: {  	_ =	shalt  }
0x66: {  	_ =	shalt  }
0x67: {  	_ =	shalt  }
0x68: {  	_ =	shalt  }
0x69: {  	_ =	shalt  }
0x6a: {  	_ =	shalt  }
0x6b: {  	_ =	shalt  }
0x6c: {  	_ =	shalt  }
0x6d: {  	_ =	shalt  }
0x6e: {  	_ =	shalt  }
0x6f: {  	_ =	shalt  }
0x70: {  	_ =	shalt  }
0x71: {  	_ =	shalt  }
0x72: {  	_ =	shalt  }
0x73: {  	_ =	shalt  }
0x74: {  	_ =	shalt  }
0x75: {  	_ =	shalt  }
0x76: {  	_ =	shalt  }
0x77: {  	_ =	shalt  }
0x78: {  	_ =	shalt  }
0x79: {  	_ =	shalt  }
0x7a: {  	_ =	shalt  }
0x7b: {  	_ =	shalt  }
0x7c: {  	_ =	shalt  }
0x7d: {  	_ =	shalt  }
0x7e: {  	_ =	shalt  }
0x7f: {  	_ =	shalt  }
0x80: {  	_ =	shalt  }
0x81: {  	_ =	shalt  }
0x82: {  	_ =	shalt  }
0x83: {  	_ =	shalt  }
0x84: {  	_ =	shalt  }
0x85: {  	_ =	shalt  }
0x86: {  	_ =	shalt  }
0x87: {  	_ =	shalt  }
.Lfunc_end0:
.L_simem_size_0:
called_computation.1_lowered:
.L_overlay_start_0:
0x88: {  	s2 =	sld [smem:$0x3FD9]  }
0x89: {  	s3 =	sld [smem:$0x3FFE];
	_ =	sdelay $0x1  }
0x8a: {  	s1 =	srdreg.scid  }
0x8b: {  	s0 =	sand.u32 $0x1, s1  }
0x8c: {  	s17 =	sshll.u32 s0, $0xA;
	s2 =	sadd.s32 s3, s2  }
0x8d: {  	s2 =	sadd.s32 s2, s17  }
0x8e: {  	[smem:$0x3FC0] =	sst s2  }
0x8f: {  	_ = 	snop  }
0x90: {  	s2 =	sld [smem:$0x3FD0];
	(tm) =	ssettm $0x1  }
0x91: {  	s18 =	sld [smem:$0x3FFB];
	_ =	sdelay $0x3  }
0x92: {  	_ =	strace s18  }
0x93: {  	s3 =	sld [smem:$0x3FFC];
	_ =	sdelay $0x3  }
0x94: {  	_ =	strace s3  }
0x95: {  	s3 =	sld [smem:$0x3FFD];
	_ =	sdelay $0x3  }
0x96: {  	_ =	strace s3  }
0x97: {  	_ =	strace $0x8FFFFFFF  }
0x98: {  	s19 =	sld [smem:$0x3FDB];
	_ =	sdelay $0x1  }
0x99: {  	s4 =	simm.s32 $_scs_section_size  }
0x9a: {  	s5 =	simm.s32 $_size__tile_overlayer_lowered;
	s6 =	simm.s32 $_tile_overlayer_lowered  }
0x9b: {  	s22 =	simm.s32 $0x1BFF;
	s21 =	sshll.u32 s6, $0x1;
	s3 =	sadd.s32 s4, s19  }
0x9c: {  	s7 =	simm.s32 $0x0;
	s20 =	sshll.u32 s5, $0x1;
	s5 =	sadd.s32 s21, s3  }
0x9d: {  	[timem:s7], [sflag:s22] =	dma.local [hbm:s5], s20  }
0x9e: {  	_ =	swait.ge [sflag:s22], s20  }
0x9f: {  	s4 =	ssub.s32 $0x0, s20;
	[sflag:s22] =	ssyncset.done $0x0  }
0xa0: {  	[sflag:s22] =	ssyncadd.s32 s4;
	_ =	sdelay $0x1  }
0xa1: {  	s23 =	simm.s32 $0x1B8B  }
0xa2: {  	_ =	swait.ge [sflag:s23], $0x1  }
0xa3: {  	[sflag:s23] =	ssyncset.done $0x0  }
0xa4: {  	s25 =	simm.s32 $0x1B8E;
	s24 =	sld [smem:$0x3FFE];
	[sflag:s23] =	ssyncadd.s32 $0xFFFFFFFF  }
0xa5: {  	s26 =	simm.s32 $execute0_lowered;
	[smem:$0x3FD2] =	sst s25  }
0xa6: {  	s5 =	sshll.u32 s26, $0x1;
	_ =	strace $0x80000049;
	[dreg:$0x1] =	wrdreg $0xFFFFFFFF  }
0xa7: {  	s28 =	simm.s32 $_size_execute0_lowered;
	s3 =	sadd.s32 s3, s5;
	[dreg:$0x0] =	wrdreg $0x0  }
0xa8: {  	s5 =	sshll.u32 s28, $0x1;
	[dreg:$0x2] =	wrdreg s3  }
0xa9: {  	[dreg:$0x3] =	wrdreg s5  }
0xaa: {  	[dreg:$0x4] =	wrdreg $0xC0  }
0xab: {  	_ =	task [dreg:s7], $0x5FFFF  }
0xac: {  	[dreg:$0x1] =	wrdreg $0xFFFFFFFF  }
0xad: {  	[dreg:$0x0] =	wrdreg $0x60  }
0xae: {  	[dreg:$0x2] =	wrdreg s2  }
0xaf: {  	[dreg:$0x3] =	wrdreg s24  }
0xb0: {  	[dreg:$0x4] =	wrdreg $0x0  }
0xb1: {  	[dreg:$0x5] =	wrdreg $0x9  }
0xb2: {  	_ =	task.clear_ibuf [dreg:s7], $0x6FFFF;
	_ =	strace $0x90000049  }
0xb3: {  	s29 =	simm.s32 $0x9;
	_ =	strace $0x8000004B  }
0xb4: {  	_ =	swait.ge [sflag:s29], $0x1  }
0xb5: {  	[sflag:s29] =	ssyncadd.s32 $0xFFFFFFFF  }
0xb6: {  	_ =	strace $0x9000004B  }
0xb7: {  	_ =	sfence  }
0xb8: {  	s30 =	sld [smem:$0x0];
	_ =	sdelay $0x2  }
0xb9: {  	s31 =	sshll.u32 s1, $0xD;
	s1 =	sshrl.u32 s1, $0x2  }
0xba: {  	s3 =	sand.u32 $0x4000, s31;
	s1 =	sadd.s32 s1, s30  }
0xbb: {  	s0 =	sor.u32 s3, s0;
	s1 =	sshll.u32 s1, $0x11  }
0xbc: {  	s0 =	sor.u32 s1, s0  }
0xbd: {  	s0 =	sadd.s32 $0x8F2B, s0  }
0xbe: {  	[sflag:s0] =	ssyncadd.remote.s32 $0x1  }
0xbf: {  	_ =	sfence.sel $0xFFFF  }
0xc0: {  	[dreg:$0x0] =	wrdreg $0xFFFFFFFF;
	(pc) =	sbr.abs _section_cstart, $3  }
0xc1: {  	[dreg:$0x1] =	wrdreg $0xFFFFFFFF  }
0xc2: {  	_ =	task.clear_ibuf [dreg:s7], $0x2FFFF;
	_ =	strace $0x9FFFFFFF  }
0xc3: {  	(tm) =	ssettm $0x7FFFFFFF  }
tec
execute0_lowered:
.L_overlay_start_1:
0x0: {  	(tag) =	ssettag $0x1  }
0x1: {  	s1 =	rddreg [dreg:$0x0]  }
0x2: {  	s0 =	rddreg [dreg:$0x1]  }
0x3: {  	s3 =	rddreg [dreg:$0x2];
	s4 =	simm.s32 $0x0;
	s2 =	stileid.u32  }
0x4: {  	s5 =	srdreg.scid;
	s28 =	simm.s32 $0x3;
	s15 =	smul.u32 $0x640, s2  }
0x5: {  	s29 =	simm.s32 $0x0;
	[smem:$0x7FF] =	sst s4;
	s22 =	smul.u32 $0x4E000, s2  }
0x6: {  	s8 =	sand.u32 $0x1, s5;
	s13 =	sadd.s32 $0x36C00, s0;
	s10 =	smul.u32 $0x270, s2  }
0x7: {  	s19 =	sadd.s32 $0x138000, s3;
	p0 =	sne.s32 s2, $0xF;
	s7 =	smul.u32 $0x2710, s8  }
0x8: {  	s26 =	sshll.u32 s2, $0x6;
	_ =	strace $0x8000004A;
	s24 =	smul.u32 $0x138800, s8  }
0x9: {  	s6 =	ssub.s32 $0x2, s8;
	s23 =	sshll.u32 s8, $0x4;
	s20 =	smul.u32 $0x6400, s8  }
0xa: {  	s19 =	sshrl.u32 @!p0 s19, $0x3;
	s16 =	sadd.s32 s15, s0;
	s9 =	sshrl.u32 s6, $0x1  }
0xb: {  	s0 =	sadd.s32 $0x43400, s0;
	s5 =	sshrl.u32 s22, $0x2;
	s22 =	simm.s32 $0x64  }
0xc: {  	s14 =	ssub.s32 s6, s9;
	s6 =	sor.u32 s2, s23;
	s7 =	sadd.s32 s10, s7  }
0xd: {  	s17 =	sadd.s32 s5, s3;
	s9 =	sadd.s32 $0x30800, s16;
	s11 =	sadd.s32 $0x30810, s16  }
0xe: {  	s20 =	sadd.s32 s20, s13;
	s16 =	sadd.s32 $0x30820, s16;
	s12 =	sshll.u32 s7, $0x4  }
0xf: {  	s30 =	smul.u32 $0x640, s6;
	s6 =	sor.u32 $0x1C04, s26;
	s7 =	sshrl.u32 s24, $0x3  }
0x10: {  	s14 =	smax.u32 s14, $0x1;
	s31 =	sadd.s32 s15, s20;
	s17 =	sshrl.u32 s17, $0x3  }
0x11: {  	s20 =	simm.s32 $0x13880;
	s26 =	simm.s32 $0x1;
	s25 =	sadd.s32 s1, s12  }
0x12: {  	s18 =	sadd.s32 $0x27000, s7;
	s12 =	sadd.s32 s0, s12;
	s15 =	sadd.s32 $0x20, s31  }
0x13: {  	[dreg:$0x4] =	wrdreg s25;
	s7 =	sadd.s32 s13, s30;
	s8 =	sadd.s32 s1, s18  }
0x14: {  	s13 =	sadd.s32 s0, s18;
	s18 =	simm.s32 $0x4;
	s10 =	sadd.s32 $0x10, s7  }
.LBB2_1:
0x15: {  	s0 =	rddreg [dreg:$0x4]  }
0x16: {  	[spmem:s17], [sflag:s6] =	dma.local [hbm:s0], $0x2700  }
0x17: {  	_ =	swait.ge [sflag:s18], $0x2700  }
0x18: {  	[sflag:s18] =	ssyncset.done $0x0  }
0x19: {  	s0 =	simm.s32 @!p0 $0x4;
	[sflag:s18] =	ssyncadd.s32 $0xFFFFD900  }
0x1a: {  	[spmem:s19], [sflag:s6] =	dma.local @!p0 [hbm:s8], $0x100  }
0x1b: {  	_ =	swait.ge @!p0 [sflag:s0], $0x100  }
0x1c: {  	[sflag:s0] =	ssyncset.done @!p0 $0x0  }
0x1d: {  	[sflag:s0] =	ssyncadd.s32 @!p0 $0xFFFFFF00  }
0x1e: {  	[tilespmem:s20], [sflag:$0x4] =	stream.linear.gather [hbm4b:s7+s4], $0x80, $0x38;
	[tilespmem:$0x1D780] =	vst v63  }
0x1f: {  	_ =	swait.ge [sflag:s18], $0x80  }
0x20: {  	[sflag:s18] =	ssyncset.done $0x0  }
0x21: {  	s21 =	simm.s32 $0x13A00;
	[sflag:s18] =	ssyncadd.s32 $0xFFFFFF80  }
0x22: {  	[tilespmem:s21], [sflag:$0x4] =	stream.linear.gather [hbm4b:s9+s4], $0x80, $0x38;
	[tilespmem:$0x1D780] =	vst v63  }
0x23: {  	_ =	swait.ge [sflag:s18], $0x80  }
0x24: {  	[sflag:s18] =	ssyncset.done $0x0  }
0x25: {  	[sflag:s18] =	ssyncadd.s32 $0xFFFFFF80  }
0x26: {  	s23 =	simm.s32 $0x13B80;
	[bflag:$0x0] =	sbarrier.arrive $0xFFFF  }
0x27: {  	[tilespmem:s23], [sflag:$0x1] =	stream.indirect.gather [hbm4b:s1+s22], $0x80, s20, s22, $0xb8;
	[tilespmem:$0x1D780] =	vst v63  }
0x28: {  	s24 =	simm.s32 $0x13900;
	s25 =	simm.s32 $0x13A80  }
0x29: {  	[tilespmem:s24], [sflag:$0x2] =	stream.linear.gather [hbm4b:s10+s4], $0x80, $0x38;
	[tilespmem:$0x1D780] =	vst v63  }
0x2a: {  	s30 =	smov.u32 s16;
	s31 =	smov.u32 s15;
	s0 =	simm.s32 $0x0  }
0x2b: {  	[tilespmem:s25], [sflag:$0x2] =	stream.linear.gather [hbm4b:s11+s4], $0x80, $0x38;
	[tilespmem:$0x1D780] =	vst v63  }
.LBB2_2:
0x2c: {  	s2 =	smul.u32 $0xAB, s0;
	_ =	sdelay $0x1  }
0x2d: {  	s21 =	sshrl.u32 s2, $0x9  }
0x2e: {  	s21 =	sand.u32 $0x7F, s21  }
0x2f: {  	s21 =	smul.u32 $0x3, s21;
	_ =	sdelay $0x1  }
0x30: {  	_ =	swait.ge [sflag:s26], $0x3200;
	s21 =	ssub.s32 s0, s21  }
0x31: {  	p2 =	seq.s32 s0, $0x0;
	s24 =	sadd.s32 $0x2, s0;
	s21 =	sand.u32 $0xFF, s21  }
0x32: {  	[sflag:s26] =	ssyncset.done $0x0;
	p1 =	seq.s32 @!p2 s0, $0x63;
	s23 =	smul.u32 $0xD000, s21  }
0x33: {  	s25 =	sand.u32 $0xFF, s24;
	s2 =	sadd.s32 $0xAB, s2;
	[sflag:s26] =	ssyncadd.s32 $0xFFFFCE00  }
0x34: {  	s25 =	smul.u32 $0xAB, s25;
	s21 =	sshll.u32 s21, $0x7;
	s23 =	sshrl.u32 s23, $0x2  }
0x35: {  	s2 =	sshrl.u32 s2, $0x9;
	s21 =	sor.u32 $0x13A00, s21;
	s23 =	sadd.s32 $0x13B80, s23  }
0x36: {  	[spmem:s3] =	stream.indirect.scatter.add.f32 [tilespmem:s23], [sflag:$0x3], $0x80, s21, s22, $0xb8;
	[tilespmem:$0x1D780] =	vst v63  }
0x37: {  	p1 =	por p2, !p1;
	s2 =	sand.u32 $0x7F, s2;
	s23 =	simm.s32 @!p2 $0x3  }
0x38: {  	s25 =	sshrl.u32 s25, $0x9;
	s2 =	smul.u32 $0x3, s2;
	_ =	swait.ge @!p2 [sflag:s23], $0x3200  }
0x39: {  	s25 =	smul.u32 $0x3, s25;
	s21 =	sadd.s32 $0x1, s0;
	[sflag:s23] =	ssyncset.done @!p2 $0x0  }
0x3a: {  	s2 =	ssub.s32 s21, s2;
	[sflag:s23] =	ssyncadd.s32 @!p2 $0xFFFFCE00;
	s23 =	simm.s32 @p1 $0x2  }
0x3b: {  	s25 =	ssub.s32 s24, s25;
	s2 =	sand.u32 $0xFF, s2;
	_ =	swait.ge @p1 [sflag:s23], $0x80  }
0x3c: {  	s5 =	smul.u32 @p1 $0xD000, s2;
	s2 =	sshll.u32 @p1 s2, $0x7;
	[sflag:s23] =	ssyncset.done @p1 $0x0  }
0x3d: {  	p2 =	sgt.u32 @p1 s0, $0x61;
	s0 =	sand.u32 $0xFF, s25;
	[sflag:s23] =	ssyncadd.s32 @p1 $0xFFFFFF80  }
0x3e: {  	s2 =	sadd.s32 @p1 $0x13880, s2;
	p2 =	por p2, !p1;
	_ =	swait.ge @p1 [sflag:s23], $0x80  }
0x3f: {  	s5 =	sshrl.u32 @p1 s5, $0x2;
	s0 =	sshll.u32 @!p2 s0, $0x7;
	[sflag:s23] =	ssyncset.done @p1 $0x0  }
0x40: {  	s5 =	sadd.s32 @p1 $0x13B80, s5;
	[sflag:s23] =	ssyncadd.s32 @p1 $0xFFFFFF80;
	s23 =	simm.s32 @p1 $0x64  }
0x41: {  	[tilespmem:s5], [sflag:$0x1] =	stream.indirect.gather @p1 [hbm4b:s1+s23], $0x80, s2, s23, $0xb8;
	[tilespmem:$0x1D780] =	vst v63  }
0x42: {  	s2 =	sadd.s32 @!p2 $0x13880, s0;
	s5 =	simm.s32 @!p2 $0x0  }
0x43: {  	[tilespmem:s2], [sflag:$0x2] =	stream.linear.gather @!p2 [hbm4b:s31+s5], $0x80, $0x38;
	[tilespmem:$0x1D780] =	vst v63  }
0x44: {  	s0 =	sadd.s32 @!p2 $0x13A00, s0  }
0x45: {  	[tilespmem:s0], [sflag:$0x2] =	stream.linear.gather @!p2 [hbm4b:s30+s5], $0x80, $0x38;
	[tilespmem:$0x1D780] =	vst v63  }
0x46: {  	p2 =	sne.s32 @p1 s21, $0x64  }
0x47: {  	p2 =	por !p1, !p2  }
.Ltmp0:
0x48: {  	_ = 	snop;
	(pc) =	sbr.rel @!p2 .LBB2_2-.Ltmp0, $2  }
0x49: {  	_ =	sdelay $0x2  }
0x4a: {  	s31 =	sadd.s32 @p1 $0x10, s31;
	s30 =	sadd.s32 @p1 $0x10, s30;
	s0 =	smov.u32 s21  }
0x4b: {  	_ =	swait.ge [sflag:s28], $0x3200  }
0x4c: {  	[sflag:s28] =	ssyncset.done $0x0  }
0x4d: {  	[sflag:s28] =	ssyncadd.s32 $0xFFFFCE00  }
0x4e: {  	[bflag:$0x0] =	sbarrier.arrive $0xFFFF  }
0x4f: {  	[hbm:s12], [sflag:s6] =	dma.local [spmem:s17], $0x2700  }
0x50: {  	s29 =	sadd.s32 $0x1, s29;
	_ =	swait.ge [sflag:s18], $0x2700  }
0x51: {  	p1 =	sne.s32 s29, s14;
	[sflag:s18] =	ssyncset.done $0x0  }
.Ltmp1:
0x52: {  	s0 =	simm.s32 @!p0 $0x4;
	[sflag:s18] =	ssyncadd.s32 $0xFFFFD900;
	(pc) =	sbr.rel @p1 .LBB2_1-.Ltmp1, $4  }
0x53: {  	[hbm:s13], [sflag:s6] =	dma.local @!p0 [spmem:s19], $0x100  }
0x54: {  	_ =	swait.ge @!p0 [sflag:s0], $0x100  }
0x55: {  	[sflag:s0] =	ssyncset.done @!p0 $0x0  }
0x56: {  	[sflag:s0] =	ssyncadd.s32 @!p0 $0xFFFFFF00  }
0x57: {  	_ =	sfence.sel $0x180000  }
0x58: {  	[bflag:$0x0] =	sbarrier.arrive $0xFFFF  }
0x59: {  	_ =	strace $0x9000004A  }
0x5a: {  	s0 =	stileid.u32;
	[bflag:$0x2] =	sbarrier.arrive $0xFFFF  }
0x5b: {  	p0 =	sne.s32 s0, $0x0;
	s0 =	rddreg [dreg:$0x3]  }
0x5c: {  	s0 =	sadd.s32 @!p0 $0x100000, s0  }
0x5d: {  	[sflag:s0] =	ssyncadd.tile.s32 @!p0 $0x1;
	_ =	shalt  }
.Lfunc_end2:
_tile_overlayer_lowered:
.L_overlay_start_2:
0x5e: {  	(tag) =	ssettag $0x2  }
0x5f: {  	s0 =	rddreg [dreg:$0x0];
	s2 =	stileid.u32  }
0x60: {  	s1 =	rddreg [dreg:$0x1];
	p0 =	sne.s32 s2, $0x0  }
0x61: {  	s3 =	rddreg [dreg:$0x2];
	[bflag:$0x3] =	sbarrier.arrive $0xFFFF;
	s2 =	simm.s32 @!p0 $0x1C04  }
0x62: {  	[timem:s3], [sflag:s2] =	dma.local @!p0 [hbm:s0], s1  }
0x63: {  	s0 =	simm.s32 @!p0 $0x4  }
0x64: {  	_ =	swait.ge @!p0 [sflag:s0], s1  }
0x65: {  	s1 =	ssub.s32 @!p0 $0x0, s1;
	[sflag:s0] =	ssyncset.done @!p0 $0x0  }
0x66: {  	[sflag:s0] =	ssyncadd.s32 @!p0 s1  }
0x67: {  	[bflag:$0x3] =	sbarrier.arrive $0xFFFF  }
0x68: {  	_ =	shalt  }

// kernel: kernel.17.cloned.1.call-start
scs
__scs_entry_jumppad:
0x0: {  	(pc) =	sbr.rel $0x88, $3  }
0x1: {  	(tag) =	ssettag $0x0;
	lr =	simm.s32 $0x1  }
0x2: {  	[smem:$0x3F99] =	sst lr;
	_ =	strace $0xD0000000  }
0x3: {  	_ = 	snop  }
0x4: {  	_ = 	snop  }
0x5: {  	_ = 	snop  }
0x6: {  	_ = 	snop  }
0x7: {  	_ = 	snop  }
__scs_overlays_trampoline_lowered:
0x8: {  	[smem:$0x3FA8] =	sst s0  }
0x9: {  	[smem:$0x3FA9] =	sst s1  }
0xa: {  	[smem:$0x3FAA] =	sst s2  }
0xb: {  	[smem:$0x3FAB] =	sst s3  }
0xc: {  	[smem:$0x3FAC] =	sst s4  }
0xd: {  	[smem:$0x3FAD] =	sst s5  }
0xe: {  	[smem:$0x3FAE] =	sst s6  }
0xf: {  	[smem:$0x3FAF] =	sst s7  }
0x10: {  	[smem:$0x3FB0] =	sst s8  }
0x11: {  	[smem:$0x3FB1] =	sst s9;
	s0 =	simm.s32 @!p0 $0x0  }
0x12: {  	s1 =	sld [smem:$0x3F97];
	s0 =	simm.s32 @p0 $0x1  }
0x13: {  	[smem:$0x3FB2] =	sst s0;
	s0 =	simm.s32 @!p1 $0x0  }
0x14: {  	s2 =	sld [smem:$0x3F96];
	s0 =	simm.s32 @p1 $0x1  }
0x15: {  	[smem:$0x3FB3] =	sst s0;
	s0 =	simm.s32 @!p2 $0x0  }
0x16: {  	s3 =	sld [smem:$0x3FDB];
	s0 =	simm.s32 @p2 $0x1  }
0x17: {  	s4 =	simm.s32 $0x1BF5;
	[smem:$0x3FB5] =	sst s0  }
0x18: {  	s0 =	sld [smem:$0x3F98];
	_ =	swait.ge [sflag:s4], $0x0  }
0x19: {  	s7 =	sld [smem:$0x3F99]  }
0x1a: {  	s8 =	sadd.s32 $0xFFFFE003, lr  }
0x1b: {  	s9 =	sadd.s32 $0xFFFFFEF7, lr;
	s5 =	simm.s32 $0xFFFFFFFF;
	p2 =	slt.u32 s8, $0xFFFFF086  }
0x1c: {  	p1 =	slt.u32 s9, $0xF7A;
	s5 =	simm.s32 @!p2 $0x0  }
0x1d: {  	s5 =	simm.s32 @p1 $0x1;
	p0 =	seq.s32 s7, s2  }
0x1e: {  	s7 =	smul.u32 @!p0 $0xF7A, s2;
	p2 =	seq.s32 @!p0 s5, $0x0  }
0x1f: {  	s9 =	smul.u32 $0xF7A, s1;
	s8 =	simm.s32 @!p0 $0x1BF5;
	p2 =	por !p2, p0  }
0x20: {  	[sflag:s8] =	ssyncset.s32 @!p0 $0xFFFFF086;
	s6 =	sadd.s32 @!p0 s3, s7;
	s7 =	simm.s32 @!p0 $0x108  }
0x21: {  	s3 =	sadd.s32 s3, s9;
	s6 =	sadd.s32 @!p0 $0x88, s6;
	s7 =	simm.s32 @p2 $0x1082  }
0x22: {  	[simem:s7], [sflag:s8] =	dma.local @!p0 [hbm:s6], $0xF7A  }
0x23: {  	s9 =	sor.u32 $0xD0000000, s2;
	s6 =	simm.s32 $0x108;
	_ =	swait.ge @!p0 [sflag:s8], $0x0  }
0x24: {  	s3 =	sadd.s32 $0x88, s3;
	s6 =	simm.s32 @!p1 $0x1082;
	[sflag:s4] =	ssyncset.s32 $0xFFFFF086  }
0x25: {  	[simem:s6], [sflag:s4] =	dma.local [hbm:s3], $0xF7A  }
0x26: {  	[smem:$0x3F99] =	sst s1;
	(tag) =	ssettag s2;
	_ =	strace s9  }
0x27: {  	s1 =	sld [smem:$0x3FA9]  }
0x28: {  	s2 =	sld [smem:$0x3FAA]  }
0x29: {  	s4 =	sld [smem:$0x3FAC]  }
0x2a: {  	p0 =	seq.s32 s5, $0x0;
	s5 =	sld [smem:$0x3FAD]  }
0x2b: {  	s6 =	sld [smem:$0x3FAE]  }
0x2c: {  	s7 =	sld [smem:$0x3FAF]  }
0x2d: {  	s3 =	simm.s32 $0x108;
	s8 =	sld [smem:$0x3FB0]  }
0x2e: {  	s3 =	simm.s32 @!p0 $0x1082;
	s9 =	sld [smem:$0x3FB1]  }
0x2f: {  	lr =	sadd.s32 s0, s3;
	s0 =	sld [smem:$0x3FA8]  }
0x30: {  	s3 =	sld [smem:$0x3FAB]  }
0x31: {  	[smem:$0x3FB4] =	sst s10  }
0x32: {  	s10 =	sld [smem:$0x3FB2];
	_ =	sdelay $0x3  }
0x33: {  	p0 =	seq.s32 s10, $0x1;
	s10 =	sld [smem:$0x3FB4];
	_ =	sdelay $0x3  }
0x34: {  	[smem:$0x3FB4] =	sst s10  }
0x35: {  	s10 =	sld [smem:$0x3FB3];
	_ =	sdelay $0x3  }
0x36: {  	p1 =	seq.s32 s10, $0x1;
	s10 =	sld [smem:$0x3FB4];
	_ =	sdelay $0x3  }
0x37: {  	[smem:$0x3FB4] =	sst s10  }
0x38: {  	s10 =	sld [smem:$0x3FB5]  }
0x39: {  	_ = 	snop;
	(pc) =	sbr.ind lr, $3  }
0x3a: {  	_ = 	snop  }
0x3b: {  	_ = 	snop  }
0x3c: {  	p2 =	seq.s32 s10, $0x1;
	s10 =	sld [smem:$0x3FB4]  }
0x3d: {  	_ =	shalt  }
0x3e: {  	_ =	shalt  }
0x3f: {  	_ =	shalt  }
0x40: {  	_ =	shalt  }
0x41: {  	_ =	shalt  }
0x42: {  	_ =	shalt  }
0x43: {  	_ =	shalt  }
0x44: {  	_ =	shalt  }
0x45: {  	_ =	shalt  }
0x46: {  	_ =	shalt  }
0x47: {  	_ =	shalt  }
0x48: {  	_ =	shalt  }
0x49: {  	_ =	shalt  }
0x4a: {  	_ =	shalt  }
0x4b: {  	_ =	shalt  }
0x4c: {  	_ =	shalt  }
0x4d: {  	_ =	shalt  }
0x4e: {  	_ =	shalt  }
0x4f: {  	_ =	shalt  }
0x50: {  	_ =	shalt  }
0x51: {  	_ =	shalt  }
0x52: {  	_ =	shalt  }
0x53: {  	_ =	shalt  }
0x54: {  	_ =	shalt  }
0x55: {  	_ =	shalt  }
0x56: {  	_ =	shalt  }
0x57: {  	_ =	shalt  }
0x58: {  	_ =	shalt  }
0x59: {  	_ =	shalt  }
0x5a: {  	_ =	shalt  }
0x5b: {  	_ =	shalt  }
0x5c: {  	_ =	shalt  }
0x5d: {  	_ =	shalt  }
0x5e: {  	_ =	shalt  }
0x5f: {  	_ =	shalt  }
0x60: {  	_ =	shalt  }
0x61: {  	_ =	shalt  }
0x62: {  	_ =	shalt  }
0x63: {  	_ =	shalt  }
0x64: {  	_ =	shalt  }
0x65: {  	_ =	shalt  }
0x66: {  	_ =	shalt  }
0x67: {  	_ =	shalt  }
0x68: {  	_ =	shalt  }
0x69: {  	_ =	shalt  }
0x6a: {  	_ =	shalt  }
0x6b: {  	_ =	shalt  }
0x6c: {  	_ =	shalt  }
0x6d: {  	_ =	shalt  }
0x6e: {  	_ =	shalt  }
0x6f: {  	_ =	shalt  }
0x70: {  	_ =	shalt  }
0x71: {  	_ =	shalt  }
0x72: {  	_ =	shalt  }
0x73: {  	_ =	shalt  }
0x74: {  	_ =	shalt  }
0x75: {  	_ =	shalt  }
0x76: {  	_ =	shalt  }
0x77: {  	_ =	shalt  }
0x78: {  	_ =	shalt  }
0x79: {  	_ =	shalt  }
0x7a: {  	_ =	shalt  }
0x7b: {  	_ =	shalt  }
0x7c: {  	_ =	shalt  }
0x7d: {  	_ =	shalt  }
0x7e: {  	_ =	shalt  }
0x7f: {  	_ =	shalt  }
0x80: {  	_ =	shalt  }
0x81: {  	_ =	shalt  }
0x82: {  	_ =	shalt  }
0x83: {  	_ =	shalt  }
0x84: {  	_ =	shalt  }
0x85: {  	_ =	shalt  }
0x86: {  	_ =	shalt  }
0x87: {  	_ =	shalt  }
.Lfunc_end0:
.L_simem_size_0:
called_computation.2_lowered:
.L_overlay_start_0:
0x88: {  	s2 =	sld [smem:$0x3FD9]  }
0x89: {  	s3 =	sld [smem:$0x3FFE];
	_ =	sdelay $0x1  }
0x8a: {  	s1 =	srdreg.scid  }
0x8b: {  	s0 =	sand.u32 $0x1, s1  }
0x8c: {  	s17 =	sshll.u32 s0, $0xA;
	s2 =	sadd.s32 s3, s2  }
0x8d: {  	s2 =	sadd.s32 s2, s17  }
0x8e: {  	[smem:$0x3FC0] =	sst s2  }
0x8f: {  	_ = 	snop  }
0x90: {  	s2 =	sld [smem:$0x3FD0];
	(tm) =	ssettm $0x1  }
0x91: {  	s18 =	sld [smem:$0x3FFB];
	_ =	sdelay $0x3  }
0x92: {  	_ =	strace s18  }
0x93: {  	s3 =	sld [smem:$0x3FFC];
	_ =	sdelay $0x3  }
0x94: {  	_ =	strace s3  }
0x95: {  	s3 =	sld [smem:$0x3FFD];
	_ =	sdelay $0x3  }
0x96: {  	_ =	strace s3  }
0x97: {  	_ =	strace $0x8FFFFFFF  }
0x98: {  	s19 =	sld [smem:$0x3FDB];
	_ =	sdelay $0x1  }
0x99: {  	s4 =	simm.s32 $_scs_section_size  }
0x9a: {  	s5 =	simm.s32 $_size__tile_overlayer_lowered;
	s6 =	simm.s32 $_tile_overlayer_lowered  }
0x9b: {  	s22 =	simm.s32 $0x1BFF;
	s21 =	sshll.u32 s6, $0x1;
	s3 =	sadd.s32 s4, s19  }
0x9c: {  	s7 =	simm.s32 $0x0;
	s20 =	sshll.u32 s5, $0x1;
	s5 =	sadd.s32 s21, s3  }
0x9d: {  	[timem:s7], [sflag:s22] =	dma.local [hbm:s5], s20  }
0x9e: {  	_ =	swait.ge [sflag:s22], s20  }
0x9f: {  	s4 =	ssub.s32 $0x0, s20;
	[sflag:s22] =	ssyncset.done $0x0  }
0xa0: {  	[sflag:s22] =	ssyncadd.s32 s4;
	_ =	sdelay $0x1  }
0xa1: {  	s23 =	simm.s32 $0x1B8B  }
0xa2: {  	_ =	swait.ge [sflag:s23], $0x1  }
0xa3: {  	[sflag:s23] =	ssyncset.done $0x0  }
0xa4: {  	s25 =	simm.s32 $0x1B8E;
	s24 =	sld [smem:$0x3FFE];
	[sflag:s23] =	ssyncadd.s32 $0xFFFFFFFF  }
0xa5: {  	s26 =	simm.s32 $execute0_lowered;
	[smem:$0x3FD2] =	sst s25  }
0xa6: {  	s5 =	sshll.u32 s26, $0x1;
	_ =	strace $0x8000004C;
	[dreg:$0x1] =	wrdreg $0xFFFFFFFF  }
0xa7: {  	s28 =	simm.s32 $_size_execute0_lowered;
	s3 =	sadd.s32 s3, s5;
	[dreg:$0x0] =	wrdreg $0x0  }
0xa8: {  	s5 =	sshll.u32 s28, $0x1;
	[dreg:$0x2] =	wrdreg s3  }
0xa9: {  	[dreg:$0x3] =	wrdreg s5  }
0xaa: {  	[dreg:$0x4] =	wrdreg $0xC0  }
0xab: {  	_ =	task [dreg:s7], $0x5FFFF  }
0xac: {  	[dreg:$0x1] =	wrdreg $0xFFFFFFFF  }
0xad: {  	[dreg:$0x0] =	wrdreg $0x60  }
0xae: {  	[dreg:$0x2] =	wrdreg s2  }
0xaf: {  	[dreg:$0x3] =	wrdreg s24  }
0xb0: {  	[dreg:$0x4] =	wrdreg $0x0  }
0xb1: {  	[dreg:$0x5] =	wrdreg $0x9  }
0xb2: {  	_ =	task.clear_ibuf [dreg:s7], $0x6FFFF;
	_ =	strace $0x9000004C  }
0xb3: {  	s29 =	simm.s32 $0x9;
	_ =	strace $0x8000004E  }
0xb4: {  	_ =	swait.ge [sflag:s29], $0x1  }
0xb5: {  	[sflag:s29] =	ssyncadd.s32 $0xFFFFFFFF  }
0xb6: {  	_ =	strace $0x9000004E  }
0xb7: {  	_ =	sfence  }
0xb8: {  	s30 =	sld [smem:$0x0];
	_ =	sdelay $0x2  }
0xb9: {  	s31 =	sshll.u32 s1, $0xD;
	s1 =	sshrl.u32 s1, $0x2  }
0xba: {  	s3 =	sand.u32 $0x4000, s31;
	s1 =	sadd.s32 s1, s30  }
0xbb: {  	s0 =	sor.u32 s3, s0;
	s1 =	sshll.u32 s1, $0x11  }
0xbc: {  	s0 =	sor.u32 s1, s0  }
0xbd: {  	s0 =	sadd.s32 $0x8F2B, s0  }
0xbe: {  	[sflag:s0] =	ssyncadd.remote.s32 $0x1  }
0xbf: {  	_ =	sfence.sel $0xFFFF  }
0xc0: {  	[dreg:$0x0] =	wrdreg $0xFFFFFFFF;
	(pc) =	sbr.abs _section_cstart, $3  }
0xc1: {  	[dreg:$0x1] =	wrdreg $0xFFFFFFFF  }
0xc2: {  	_ =	task.clear_ibuf [dreg:s7], $0x2FFFF;
	_ =	strace $0x9FFFFFFF  }
0xc3: {  	(tm) =	ssettm $0x7FFFFFFF  }
tec
execute0_lowered:
.L_overlay_start_1:
0x0: {  	(tag) =	ssettag $0x1  }
0x1: {  	s1 =	rddreg [dreg:$0x0]  }
0x2: {  	s0 =	rddreg [dreg:$0x1]  }
0x3: {  	s3 =	rddreg [dreg:$0x2];
	s4 =	simm.s32 $0x0;
	s2 =	stileid.u32  }
0x4: {  	s5 =	srdreg.scid;
	s28 =	simm.s32 $0x3;
	s15 =	smul.u32 $0x640, s2  }
0x5: {  	s29 =	simm.s32 $0x0;
	[smem:$0x7FF] =	sst s4;
	s22 =	smul.u32 $0x4E000, s2  }
0x6: {  	s8 =	sand.u32 $0x1, s5;
	s13 =	sadd.s32 $0x36C00, s0;
	s10 =	smul.u32 $0x270, s2  }
0x7: {  	s19 =	sadd.s32 $0x138000, s3;
	p0 =	sne.s32 s2, $0xF;
	s7 =	smul.u32 $0x2710, s8  }
0x8: {  	s26 =	sshll.u32 s2, $0x6;
	_ =	strace $0x8000004D;
	s24 =	smul.u32 $0x138800, s8  }
0x9: {  	s6 =	ssub.s32 $0x2, s8;
	s23 =	sshll.u32 s8, $0x4;
	s20 =	smul.u32 $0x6400, s8  }
0xa: {  	s19 =	sshrl.u32 @!p0 s19, $0x3;
	s16 =	sadd.s32 s15, s0;
	s9 =	sshrl.u32 s6, $0x1  }
0xb: {  	s0 =	sadd.s32 $0x43400, s0;
	s5 =	sshrl.u32 s22, $0x2;
	s22 =	simm.s32 $0x64  }
0xc: {  	s14 =	ssub.s32 s6, s9;
	s6 =	sor.u32 s2, s23;
	s7 =	sadd.s32 s10, s7  }
0xd: {  	s17 =	sadd.s32 s5, s3;
	s9 =	sadd.s32 $0x30800, s16;
	s11 =	sadd.s32 $0x30810, s16  }
0xe: {  	s20 =	sadd.s32 s20, s13;
	s16 =	sadd.s32 $0x30820, s16;
	s12 =	sshll.u32 s7, $0x4  }
0xf: {  	s30 =	smul.u32 $0x640, s6;
	s6 =	sor.u32 $0x1C04, s26;
	s7 =	sshrl.u32 s24, $0x3  }
0x10: {  	s14 =	smax.u32 s14, $0x1;
	s31 =	sadd.s32 s15, s20;
	s17 =	sshrl.u32 s17, $0x3  }
0x11: {  	s20 =	simm.s32 $0x13880;
	s26 =	simm.s32 $0x1;
	s25 =	sadd.s32 s1, s12  }
0x12: {  	s18 =	sadd.s32 $0x27000, s7;
	s12 =	sadd.s32 s0, s12;
	s15 =	sadd.s32 $0x20, s31  }
0x13: {  	[dreg:$0x4] =	wrdreg s25;
	s7 =	sadd.s32 s13, s30;
	s8 =	sadd.s32 s1, s18  }
0x14: {  	s13 =	sadd.s32 s0, s18;
	s18 =	simm.s32 $0x4;
	s10 =	sadd.s32 $0x10, s7  }
.LBB2_1:
0x15: {  	s0 =	rddreg [dreg:$0x4]  }
0x16: {  	[spmem:s17], [sflag:s6] =	dma.local [hbm:s0], $0x2700  }
0x17: {  	_ =	swait.ge [sflag:s18], $0x2700  }
0x18: {  	[sflag:s18] =	ssyncset.done $0x0  }
0x19: {  	s0 =	simm.s32 @!p0 $0x4;
	[sflag:s18] =	ssyncadd.s32 $0xFFFFD900  }
0x1a: {  	[spmem:s19], [sflag:s6] =	dma.local @!p0 [hbm:s8], $0x100  }
0x1b: {  	_ =	swait.ge @!p0 [sflag:s0], $0x100  }
0x1c: {  	[sflag:s0] =	ssyncset.done @!p0 $0x0  }
0x1d: {  	[sflag:s0] =	ssyncadd.s32 @!p0 $0xFFFFFF00  }
0x1e: {  	[tilespmem:s20], [sflag:$0x4] =	stream.linear.gather [hbm4b:s7+s4], $0x80, $0x38;
	[tilespmem:$0x1D780] =	vst v63  }
0x1f: {  	_ =	swait.ge [sflag:s18], $0x80  }
0x20: {  	[sflag:s18] =	ssyncset.done $0x0  }
0x21: {  	s21 =	simm.s32 $0x13A00;
	[sflag:s18] =	ssyncadd.s32 $0xFFFFFF80  }
0x22: {  	[tilespmem:s21], [sflag:$0x4] =	stream.linear.gather [hbm4b:s9+s4], $0x80, $0x38;
	[tilespmem:$0x1D780] =	vst v63  }
0x23: {  	_ =	swait.ge [sflag:s18], $0x80  }
0x24: {  	[sflag:s18] =	ssyncset.done $0x0  }
0x25: {  	[sflag:s18] =	ssyncadd.s32 $0xFFFFFF80  }
0x26: {  	s23 =	simm.s32 $0x13B80;
	[bflag:$0x0] =	sbarrier.arrive $0xFFFF  }
0x27: {  	[tilespmem:s23], [sflag:$0x1] =	stream.indirect.gather [hbm4b:s1+s22], $0x80, s20, s22, $0xb8;
	[tilespmem:$0x1D780] =	vst v63  }
0x28: {  	s24 =	simm.s32 $0x13900;
	s25 =	simm.s32 $0x13A80  }
0x29: {  	[tilespmem:s24], [sflag:$0x2] =	stream.linear.gather [hbm4b:s10+s4], $0x80, $0x38;
	[tilespmem:$0x1D780] =	vst v63  }
0x2a: {  	s30 =	smov.u32 s16;
	s31 =	smov.u32 s15;
	s0 =	simm.s32 $0x0  }
0x2b: {  	[tilespmem:s25], [sflag:$0x2] =	stream.linear.gather [hbm4b:s11+s4], $0x80, $0x38;
	[tilespmem:$0x1D780] =	vst v63  }
.LBB2_2:
0x2c: {  	s2 =	smul.u32 $0xAB, s0;
	_ =	sdelay $0x1  }
0x2d: {  	s21 =	sshrl.u32 s2, $0x9  }
0x2e: {  	s21 =	sand.u32 $0x7F, s21  }
0x2f: {  	s21 =	smul.u32 $0x3, s21;
	_ =	sdelay $0x1  }
0x30: {  	_ =	swait.ge [sflag:s26], $0x3200;
	s21 =	ssub.s32 s0, s21  }
0x31: {  	p2 =	seq.s32 s0, $0x0;
	s24 =	sadd.s32 $0x2, s0;
	s21 =	sand.u32 $0xFF, s21  }
0x32: {  	[sflag:s26] =	ssyncset.done $0x0;
	p1 =	seq.s32 @!p2 s0, $0x63;
	s23 =	smul.u32 $0xD000, s21  }
0x33: {  	s25 =	sand.u32 $0xFF, s24;
	s2 =	sadd.s32 $0xAB, s2;
	[sflag:s26] =	ssyncadd.s32 $0xFFFFCE00  }
0x34: {  	s25 =	smul.u32 $0xAB, s25;
	s21 =	sshll.u32 s21, $0x7;
	s23 =	sshrl.u32 s23, $0x2  }
0x35: {  	s2 =	sshrl.u32 s2, $0x9;
	s21 =	sor.u32 $0x13A00, s21;
	s23 =	sadd.s32 $0x13B80, s23  }
0x36: {  	[spmem:s3] =	stream.indirect.scatter.add.f32 [tilespmem:s23], [sflag:$0x3], $0x80, s21, s22, $0xb8;
	[tilespmem:$0x1D780] =	vst v63  }
0x37: {  	p1 =	por p2, !p1;
	s2 =	sand.u32 $0x7F, s2;
	s23 =	simm.s32 @!p2 $0x3  }
0x38: {  	s25 =	sshrl.u32 s25, $0x9;
	s2 =	smul.u32 $0x3, s2;
	_ =	swait.ge @!p2 [sflag:s23], $0x3200  }
0x39: {  	s25 =	smul.u32 $0x3, s25;
	s21 =	sadd.s32 $0x1, s0;
	[sflag:s23] =	ssyncset.done @!p2 $0x0  }
0x3a: {  	s2 =	ssub.s32 s21, s2;
	[sflag:s23] =	ssyncadd.s32 @!p2 $0xFFFFCE00;
	s23 =	simm.s32 @p1 $0x2  }
0x3b: {  	s25 =	ssub.s32 s24, s25;
	s2 =	sand.u32 $0xFF, s2;
	_ =	swait.ge @p1 [sflag:s23], $0x80  }
0x3c: {  	s5 =	smul.u32 @p1 $0xD000, s2;
	s2 =	sshll.u32 @p1 s2, $0x7;
	[sflag:s23] =	ssyncset.done @p1 $0x0  }
0x3d: {  	p2 =	sgt.u32 @p1 s0, $0x61;
	s0 =	sand.u32 $0xFF, s25;
	[sflag:s23] =	ssyncadd.s32 @p1 $0xFFFFFF80  }
0x3e: {  	s2 =	sadd.s32 @p1 $0x13880, s2;
	p2 =	por p2, !p1;
	_ =	swait.ge @p1 [sflag:s23], $0x80  }
0x3f: {  	s5 =	sshrl.u32 @p1 s5, $0x2;
	s0 =	sshll.u32 @!p2 s0, $0x7;
	[sflag:s23] =	ssyncset.done @p1 $0x0  }
0x40: {  	s5 =	sadd.s32 @p1 $0x13B80, s5;
	[sflag:s23] =	ssyncadd.s32 @p1 $0xFFFFFF80;
	s23 =	simm.s32 @p1 $0x64  }
0x41: {  	[tilespmem:s5], [sflag:$0x1] =	stream.indirect.gather @p1 [hbm4b:s1+s23], $0x80, s2, s23, $0xb8;
	[tilespmem:$0x1D780] =	vst v63  }
0x42: {  	s2 =	sadd.s32 @!p2 $0x13880, s0;
	s5 =	simm.s32 @!p2 $0x0  }
0x43: {  	[tilespmem:s2], [sflag:$0x2] =	stream.linear.gather @!p2 [hbm4b:s31+s5], $0x80, $0x38;
	[tilespmem:$0x1D780] =	vst v63  }
0x44: {  	s0 =	sadd.s32 @!p2 $0x13A00, s0  }
0x45: {  	[tilespmem:s0], [sflag:$0x2] =	stream.linear.gather @!p2 [hbm4b:s30+s5], $0x80, $0x38;
	[tilespmem:$0x1D780] =	vst v63  }
0x46: {  	p2 =	sne.s32 @p1 s21, $0x64  }
0x47: {  	p2 =	por !p1, !p2  }
.Ltmp0:
0x48: {  	_ = 	snop;
	(pc) =	sbr.rel @!p2 .LBB2_2-.Ltmp0, $2  }
0x49: {  	_ =	sdelay $0x2  }
0x4a: {  	s31 =	sadd.s32 @p1 $0x10, s31;
	s30 =	sadd.s32 @p1 $0x10, s30;
	s0 =	smov.u32 s21  }
0x4b: {  	_ =	swait.ge [sflag:s28], $0x3200  }
0x4c: {  	[sflag:s28] =	ssyncset.done $0x0  }
0x4d: {  	[sflag:s28] =	ssyncadd.s32 $0xFFFFCE00  }
0x4e: {  	[bflag:$0x0] =	sbarrier.arrive $0xFFFF  }
0x4f: {  	[hbm:s12], [sflag:s6] =	dma.local [spmem:s17], $0x2700  }
0x50: {  	s29 =	sadd.s32 $0x1, s29;
	_ =	swait.ge [sflag:s18], $0x2700  }
0x51: {  	p1 =	sne.s32 s29, s14;
	[sflag:s18] =	ssyncset.done $0x0  }
.Ltmp1:
0x52: {  	s0 =	simm.s32 @!p0 $0x4;
	[sflag:s18] =	ssyncadd.s32 $0xFFFFD900;
	(pc) =	sbr.rel @p1 .LBB2_1-.Ltmp1, $4  }
0x53: {  	[hbm:s13], [sflag:s6] =	dma.local @!p0 [spmem:s19], $0x100  }
0x54: {  	_ =	swait.ge @!p0 [sflag:s0], $0x100  }
0x55: {  	[sflag:s0] =	ssyncset.done @!p0 $0x0  }
0x56: {  	[sflag:s0] =	ssyncadd.s32 @!p0 $0xFFFFFF00  }
0x57: {  	_ =	sfence.sel $0x180000  }
0x58: {  	[bflag:$0x0] =	sbarrier.arrive $0xFFFF  }
0x59: {  	_ =	strace $0x9000004D  }
0x5a: {  	s0 =	stileid.u32;
	[bflag:$0x2] =	sbarrier.arrive $0xFFFF  }
0x5b: {  	p0 =	sne.s32 s0, $0x0;
	s0 =	rddreg [dreg:$0x3]  }
0x5c: {  	s0 =	sadd.s32 @!p0 $0x100000, s0  }
0x5d: {  	[sflag:s0] =	ssyncadd.tile.s32 @!p0 $0x1;
	_ =	shalt  }
.Lfunc_end2:
_tile_overlayer_lowered:
.L_overlay_start_2:
0x5e: {  	(tag) =	ssettag $0x2  }
0x5f: {  	s0 =	rddreg [dreg:$0x0];
	s2 =	stileid.u32  }
0x60: {  	s1 =	rddreg [dreg:$0x1];
	p0 =	sne.s32 s2, $0x0  }
0x61: {  	s3 =	rddreg [dreg:$0x2];
	[bflag:$0x3] =	sbarrier.arrive $0xFFFF;
	s2 =	simm.s32 @!p0 $0x1C04  }
0x62: {  	[timem:s3], [sflag:s2] =	dma.local @!p0 [hbm:s0], s1  }
0x63: {  	s0 =	simm.s32 @!p0 $0x4  }
0x64: {  	_ =	swait.ge @!p0 [sflag:s0], s1  }
0x65: {  	s1 =	ssub.s32 @!p0 $0x0, s1;
	[sflag:s0] =	ssyncset.done @!p0 $0x0  }
0x66: {  	[sflag:s0] =	ssyncadd.s32 @!p0 s1  }
0x67: {  	[bflag:$0x3] =	sbarrier.arrive $0xFFFF  }
0x68: {  	_ =	shalt  }

// kernel: kernel.20.cloned.1.call-start
scs
__scs_entry_jumppad:
0x0: {  	(pc) =	sbr.rel $0x88, $3  }
0x1: {  	(tag) =	ssettag $0x0;
	lr =	simm.s32 $0x1  }
0x2: {  	[smem:$0x3F99] =	sst lr;
	_ =	strace $0xD0000000  }
0x3: {  	_ = 	snop  }
0x4: {  	_ = 	snop  }
0x5: {  	_ = 	snop  }
0x6: {  	_ = 	snop  }
0x7: {  	_ = 	snop  }
__scs_overlays_trampoline_lowered:
0x8: {  	[smem:$0x3FA8] =	sst s0  }
0x9: {  	[smem:$0x3FA9] =	sst s1  }
0xa: {  	[smem:$0x3FAA] =	sst s2  }
0xb: {  	[smem:$0x3FAB] =	sst s3  }
0xc: {  	[smem:$0x3FAC] =	sst s4  }
0xd: {  	[smem:$0x3FAD] =	sst s5  }
0xe: {  	[smem:$0x3FAE] =	sst s6  }
0xf: {  	[smem:$0x3FAF] =	sst s7  }
0x10: {  	[smem:$0x3FB0] =	sst s8  }
0x11: {  	[smem:$0x3FB1] =	sst s9;
	s0 =	simm.s32 @!p0 $0x0  }
0x12: {  	s1 =	sld [smem:$0x3F97];
	s0 =	simm.s32 @p0 $0x1  }
0x13: {  	[smem:$0x3FB2] =	sst s0;
	s0 =	simm.s32 @!p1 $0x0  }
0x14: {  	s2 =	sld [smem:$0x3F96];
	s0 =	simm.s32 @p1 $0x1  }
0x15: {  	[smem:$0x3FB3] =	sst s0;
	s0 =	simm.s32 @!p2 $0x0  }
0x16: {  	s3 =	sld [smem:$0x3FDB];
	s0 =	simm.s32 @p2 $0x1  }
0x17: {  	s4 =	simm.s32 $0x1BF5;
	[smem:$0x3FB5] =	sst s0  }
0x18: {  	s0 =	sld [smem:$0x3F98];
	_ =	swait.ge [sflag:s4], $0x0  }
0x19: {  	s7 =	sld [smem:$0x3F99]  }
0x1a: {  	s8 =	sadd.s32 $0xFFFFE003, lr  }
0x1b: {  	s9 =	sadd.s32 $0xFFFFFEF7, lr;
	s5 =	simm.s32 $0xFFFFFFFF;
	p2 =	slt.u32 s8, $0xFFFFF086  }
0x1c: {  	p1 =	slt.u32 s9, $0xF7A;
	s5 =	simm.s32 @!p2 $0x0  }
0x1d: {  	s5 =	simm.s32 @p1 $0x1;
	p0 =	seq.s32 s7, s2  }
0x1e: {  	s7 =	smul.u32 @!p0 $0xF7A, s2;
	p2 =	seq.s32 @!p0 s5, $0x0  }
0x1f: {  	s9 =	smul.u32 $0xF7A, s1;
	s8 =	simm.s32 @!p0 $0x1BF5;
	p2 =	por !p2, p0  }
0x20: {  	[sflag:s8] =	ssyncset.s32 @!p0 $0xFFFFF086;
	s6 =	sadd.s32 @!p0 s3, s7;
	s7 =	simm.s32 @!p0 $0x108  }
0x21: {  	s3 =	sadd.s32 s3, s9;
	s6 =	sadd.s32 @!p0 $0x88, s6;
	s7 =	simm.s32 @p2 $0x1082  }
0x22: {  	[simem:s7], [sflag:s8] =	dma.local @!p0 [hbm:s6], $0xF7A  }
0x23: {  	s9 =	sor.u32 $0xD0000000, s2;
	s6 =	simm.s32 $0x108;
	_ =	swait.ge @!p0 [sflag:s8], $0x0  }
0x24: {  	s3 =	sadd.s32 $0x88, s3;
	s6 =	simm.s32 @!p1 $0x1082;
	[sflag:s4] =	ssyncset.s32 $0xFFFFF086  }
0x25: {  	[simem:s6], [sflag:s4] =	dma.local [hbm:s3], $0xF7A  }
0x26: {  	[smem:$0x3F99] =	sst s1;
	(tag) =	ssettag s2;
	_ =	strace s9  }
0x27: {  	s1 =	sld [smem:$0x3FA9]  }
0x28: {  	s2 =	sld [smem:$0x3FAA]  }
0x29: {  	s4 =	sld [smem:$0x3FAC]  }
0x2a: {  	p0 =	seq.s32 s5, $0x0;
	s5 =	sld [smem:$0x3FAD]  }
0x2b: {  	s6 =	sld [smem:$0x3FAE]  }
0x2c: {  	s7 =	sld [smem:$0x3FAF]  }
0x2d: {  	s3 =	simm.s32 $0x108;
	s8 =	sld [smem:$0x3FB0]  }
0x2e: {  	s3 =	simm.s32 @!p0 $0x1082;
	s9 =	sld [smem:$0x3FB1]  }
0x2f: {  	lr =	sadd.s32 s0, s3;
	s0 =	sld [smem:$0x3FA8]  }
0x30: {  	s3 =	sld [smem:$0x3FAB]  }
0x31: {  	[smem:$0x3FB4] =	sst s10  }
0x32: {  	s10 =	sld [smem:$0x3FB2];
	_ =	sdelay $0x3  }
0x33: {  	p0 =	seq.s32 s10, $0x1;
	s10 =	sld [smem:$0x3FB4];
	_ =	sdelay $0x3  }
0x34: {  	[smem:$0x3FB4] =	sst s10  }
0x35: {  	s10 =	sld [smem:$0x3FB3];
	_ =	sdelay $0x3  }
0x36: {  	p1 =	seq.s32 s10, $0x1;
	s10 =	sld [smem:$0x3FB4];
	_ =	sdelay $0x3  }
0x37: {  	[smem:$0x3FB4] =	sst s10  }
0x38: {  	s10 =	sld [smem:$0x3FB5]  }
0x39: {  	_ = 	snop;
	(pc) =	sbr.ind lr, $3  }
0x3a: {  	_ = 	snop  }
0x3b: {  	_ = 	snop  }
0x3c: {  	p2 =	seq.s32 s10, $0x1;
	s10 =	sld [smem:$0x3FB4]  }
0x3d: {  	_ =	shalt  }
0x3e: {  	_ =	shalt  }
0x3f: {  	_ =	shalt  }
0x40: {  	_ =	shalt  }
0x41: {  	_ =	shalt  }
0x42: {  	_ =	shalt  }
0x43: {  	_ =	shalt  }
0x44: {  	_ =	shalt  }
0x45: {  	_ =	shalt  }
0x46: {  	_ =	shalt  }
0x47: {  	_ =	shalt  }
0x48: {  	_ =	shalt  }
0x49: {  	_ =	shalt  }
0x4a: {  	_ =	shalt  }
0x4b: {  	_ =	shalt  }
0x4c: {  	_ =	shalt  }
0x4d: {  	_ =	shalt  }
0x4e: {  	_ =	shalt  }
0x4f: {  	_ =	shalt  }
0x50: {  	_ =	shalt  }
0x51: {  	_ =	shalt  }
0x52: {  	_ =	shalt  }
0x53: {  	_ =	shalt  }
0x54: {  	_ =	shalt  }
0x55: {  	_ =	shalt  }
0x56: {  	_ =	shalt  }
0x57: {  	_ =	shalt  }
0x58: {  	_ =	shalt  }
0x59: {  	_ =	shalt  }
0x5a: {  	_ =	shalt  }
0x5b: {  	_ =	shalt  }
0x5c: {  	_ =	shalt  }
0x5d: {  	_ =	shalt  }
0x5e: {  	_ =	shalt  }
0x5f: {  	_ =	shalt  }
0x60: {  	_ =	shalt  }
0x61: {  	_ =	shalt  }
0x62: {  	_ =	shalt  }
0x63: {  	_ =	shalt  }
0x64: {  	_ =	shalt  }
0x65: {  	_ =	shalt  }
0x66: {  	_ =	shalt  }
0x67: {  	_ =	shalt  }
0x68: {  	_ =	shalt  }
0x69: {  	_ =	shalt  }
0x6a: {  	_ =	shalt  }
0x6b: {  	_ =	shalt  }
0x6c: {  	_ =	shalt  }
0x6d: {  	_ =	shalt  }
0x6e: {  	_ =	shalt  }
0x6f: {  	_ =	shalt  }
0x70: {  	_ =	shalt  }
0x71: {  	_ =	shalt  }
0x72: {  	_ =	shalt  }
0x73: {  	_ =	shalt  }
0x74: {  	_ =	shalt  }
0x75: {  	_ =	shalt  }
0x76: {  	_ =	shalt  }
0x77: {  	_ =	shalt  }
0x78: {  	_ =	shalt  }
0x79: {  	_ =	shalt  }
0x7a: {  	_ =	shalt  }
0x7b: {  	_ =	shalt  }
0x7c: {  	_ =	shalt  }
0x7d: {  	_ =	shalt  }
0x7e: {  	_ =	shalt  }
0x7f: {  	_ =	shalt  }
0x80: {  	_ =	shalt  }
0x81: {  	_ =	shalt  }
0x82: {  	_ =	shalt  }
0x83: {  	_ =	shalt  }
0x84: {  	_ =	shalt  }
0x85: {  	_ =	shalt  }
0x86: {  	_ =	shalt  }
0x87: {  	_ =	shalt  }
.Lfunc_end0:
.L_simem_size_0:
called_computation.3_lowered:
.L_overlay_start_0:
0x88: {  	s2 =	sld [smem:$0x3FD9]  }
0x89: {  	s3 =	sld [smem:$0x3FFE];
	_ =	sdelay $0x1  }
0x8a: {  	s1 =	srdreg.scid  }
0x8b: {  	s0 =	sand.u32 $0x1, s1  }
0x8c: {  	s17 =	sshll.u32 s0, $0xA;
	s2 =	sadd.s32 s3, s2  }
0x8d: {  	s2 =	sadd.s32 s2, s17  }
0x8e: {  	[smem:$0x3FC0] =	sst s2  }
0x8f: {  	_ = 	snop  }
0x90: {  	s2 =	sld [smem:$0x3FD0];
	(tm) =	ssettm $0x1  }
0x91: {  	s18 =	sld [smem:$0x3FFB];
	_ =	sdelay $0x3  }
0x92: {  	_ =	strace s18  }
0x93: {  	s3 =	sld [smem:$0x3FFC];
	_ =	sdelay $0x3  }
0x94: {  	_ =	strace s3  }
0x95: {  	s3 =	sld [smem:$0x3FFD];
	_ =	sdelay $0x3  }
0x96: {  	_ =	strace s3  }
0x97: {  	_ =	strace $0x8FFFFFFF  }
0x98: {  	s19 =	sld [smem:$0x3FDB];
	_ =	sdelay $0x1  }
0x99: {  	s4 =	simm.s32 $_scs_section_size  }
0x9a: {  	s5 =	simm.s32 $_size__tile_overlayer_lowered;
	s6 =	simm.s32 $_tile_overlayer_lowered  }
0x9b: {  	s22 =	simm.s32 $0x1BFF;
	s21 =	sshll.u32 s6, $0x1;
	s3 =	sadd.s32 s4, s19  }
0x9c: {  	s7 =	simm.s32 $0x0;
	s20 =	sshll.u32 s5, $0x1;
	s5 =	sadd.s32 s21, s3  }
0x9d: {  	[timem:s7], [sflag:s22] =	dma.local [hbm:s5], s20  }
0x9e: {  	_ =	swait.ge [sflag:s22], s20  }
0x9f: {  	s4 =	ssub.s32 $0x0, s20;
	[sflag:s22] =	ssyncset.done $0x0  }
0xa0: {  	[sflag:s22] =	ssyncadd.s32 s4;
	_ =	sdelay $0x1  }
0xa1: {  	s23 =	simm.s32 $0x1B8B  }
0xa2: {  	_ =	swait.ge [sflag:s23], $0x1  }
0xa3: {  	[sflag:s23] =	ssyncset.done $0x0  }
0xa4: {  	s25 =	simm.s32 $0x1B8E;
	s24 =	sld [smem:$0x3FFE];
	[sflag:s23] =	ssyncadd.s32 $0xFFFFFFFF  }
0xa5: {  	s26 =	simm.s32 $execute0_lowered;
	[smem:$0x3FD2] =	sst s25  }
0xa6: {  	s5 =	sshll.u32 s26, $0x1;
	_ =	strace $0x8000004F;
	[dreg:$0x1] =	wrdreg $0xFFFFFFFF  }
0xa7: {  	s28 =	simm.s32 $_size_execute0_lowered;
	s3 =	sadd.s32 s3, s5;
	[dreg:$0x0] =	wrdreg $0x0  }
0xa8: {  	s5 =	sshll.u32 s28, $0x1;
	[dreg:$0x2] =	wrdreg s3  }
0xa9: {  	[dreg:$0x3] =	wrdreg s5  }
0xaa: {  	[dreg:$0x4] =	wrdreg $0xC0  }
0xab: {  	_ =	task [dreg:s7], $0x5FFFF  }
0xac: {  	[dreg:$0x1] =	wrdreg $0xFFFFFFFF  }
0xad: {  	[dreg:$0x0] =	wrdreg $0x60  }
0xae: {  	[dreg:$0x2] =	wrdreg s2  }
0xaf: {  	[dreg:$0x3] =	wrdreg s24  }
0xb0: {  	[dreg:$0x4] =	wrdreg $0x0  }
0xb1: {  	[dreg:$0x5] =	wrdreg $0x9  }
0xb2: {  	_ =	task.clear_ibuf [dreg:s7], $0x6FFFF;
	_ =	strace $0x9000004F  }
0xb3: {  	s29 =	simm.s32 $0x9;
	_ =	strace $0x80000051  }
0xb4: {  	_ =	swait.ge [sflag:s29], $0x1  }
0xb5: {  	[sflag:s29] =	ssyncadd.s32 $0xFFFFFFFF  }
0xb6: {  	_ =	strace $0x90000051  }
0xb7: {  	_ =	sfence  }
0xb8: {  	s30 =	sld [smem:$0x0];
	_ =	sdelay $0x2  }
0xb9: {  	s31 =	sshll.u32 s1, $0xD;
	s1 =	sshrl.u32 s1, $0x2  }
0xba: {  	s3 =	sand.u32 $0x4000, s31;
	s1 =	sadd.s32 s1, s30  }
0xbb: {  	s0 =	sor.u32 s3, s0;
	s1 =	sshll.u32 s1, $0x11  }
0xbc: {  	s0 =	sor.u32 s1, s0  }
0xbd: {  	s0 =	sadd.s32 $0x8F2B, s0  }
0xbe: {  	[sflag:s0] =	ssyncadd.remote.s32 $0x1  }
0xbf: {  	_ =	sfence.sel $0xFFFF  }
0xc0: {  	[dreg:$0x0] =	wrdreg $0xFFFFFFFF;
	(pc) =	sbr.abs _section_cstart, $3  }
0xc1: {  	[dreg:$0x1] =	wrdreg $0xFFFFFFFF  }
0xc2: {  	_ =	task.clear_ibuf [dreg:s7], $0x2FFFF;
	_ =	strace $0x9FFFFFFF  }
0xc3: {  	(tm) =	ssettm $0x7FFFFFFF  }
tec
execute0_lowered:
.L_overlay_start_1:
0x0: {  	(tag) =	ssettag $0x1  }
0x1: {  	s1 =	rddreg [dreg:$0x0]  }
0x2: {  	s0 =	rddreg [dreg:$0x1]  }
0x3: {  	s3 =	rddreg [dreg:$0x2];
	s4 =	simm.s32 $0x0;
	s2 =	stileid.u32  }
0x4: {  	s5 =	srdreg.scid;
	s28 =	simm.s32 $0x3;
	s15 =	smul.u32 $0x640, s2  }
0x5: {  	s29 =	simm.s32 $0x0;
	[smem:$0x7FF] =	sst s4;
	s22 =	smul.u32 $0x4E000, s2  }
0x6: {  	s8 =	sand.u32 $0x1, s5;
	s13 =	sadd.s32 $0x36C00, s0;
	s10 =	smul.u32 $0x270, s2  }
0x7: {  	s19 =	sadd.s32 $0x138000, s3;
	p0 =	sne.s32 s2, $0xF;
	s7 =	smul.u32 $0x2710, s8  }
0x8: {  	s26 =	sshll.u32 s2, $0x6;
	_ =	strace $0x80000050;
	s24 =	smul.u32 $0x138800, s8  }
0x9: {  	s6 =	ssub.s32 $0x2, s8;
	s23 =	sshll.u32 s8, $0x4;
	s20 =	smul.u32 $0x6400, s8  }
0xa: {  	s19 =	sshrl.u32 @!p0 s19, $0x3;
	s16 =	sadd.s32 s15, s0;
	s9 =	sshrl.u32 s6, $0x1  }
0xb: {  	s0 =	sadd.s32 $0x43400, s0;
	s5 =	sshrl.u32 s22, $0x2;
	s22 =	simm.s32 $0x64  }
0xc: {  	s14 =	ssub.s32 s6, s9;
	s6 =	sor.u32 s2, s23;
	s7 =	sadd.s32 s10, s7  }
0xd: {  	s17 =	sadd.s32 s5, s3;
	s9 =	sadd.s32 $0x30800, s16;
	s11 =	sadd.s32 $0x30810, s16  }
0xe: {  	s20 =	sadd.s32 s20, s13;
	s16 =	sadd.s32 $0x30820, s16;
	s12 =	sshll.u32 s7, $0x4  }
0xf: {  	s30 =	smul.u32 $0x640, s6;
	s6 =	sor.u32 $0x1C04, s26;
	s7 =	sshrl.u32 s24, $0x3  }
0x10: {  	s14 =	smax.u32 s14, $0x1;
	s31 =	sadd.s32 s15, s20;
	s17 =	sshrl.u32 s17, $0x3  }
0x11: {  	s20 =	simm.s32 $0x13880;
	s26 =	simm.s32 $0x1;
	s25 =	sadd.s32 s1, s12  }
0x12: {  	s18 =	sadd.s32 $0x27000, s7;
	s12 =	sadd.s32 s0, s12;
	s15 =	sadd.s32 $0x20, s31  }
0x13: {  	[dreg:$0x4] =	wrdreg s25;
	s7 =	sadd.s32 s13, s30;
	s8 =	sadd.s32 s1, s18  }
0x14: {  	s13 =	sadd.s32 s0, s18;
	s18 =	simm.s32 $0x4;
	s10 =	sadd.s32 $0x10, s7  }
.LBB2_1:
0x15: {  	s0 =	rddreg [dreg:$0x4]  }
0x16: {  	[spmem:s17], [sflag:s6] =	dma.local [hbm:s0], $0x2700  }
0x17: {  	_ =	swait.ge [sflag:s18], $0x2700  }
0x18: {  	[sflag:s18] =	ssyncset.done $0x0  }
0x19: {  	s0 =	simm.s32 @!p0 $0x4;
	[sflag:s18] =	ssyncadd.s32 $0xFFFFD900  }
0x1a: {  	[spmem:s19], [sflag:s6] =	dma.local @!p0 [hbm:s8], $0x100  }
0x1b: {  	_ =	swait.ge @!p0 [sflag:s0], $0x100  }
0x1c: {  	[sflag:s0] =	ssyncset.done @!p0 $0x0  }
0x1d: {  	[sflag:s0] =	ssyncadd.s32 @!p0 $0xFFFFFF00  }
0x1e: {  	[tilespmem:s20], [sflag:$0x4] =	stream.linear.gather [hbm4b:s7+s4], $0x80, $0x38;
	[tilespmem:$0x1D780] =	vst v63  }
0x1f: {  	_ =	swait.ge [sflag:s18], $0x80  }
0x20: {  	[sflag:s18] =	ssyncset.done $0x0  }
0x21: {  	s21 =	simm.s32 $0x13A00;
	[sflag:s18] =	ssyncadd.s32 $0xFFFFFF80  }
0x22: {  	[tilespmem:s21], [sflag:$0x4] =	stream.linear.gather [hbm4b:s9+s4], $0x80, $0x38;
	[tilespmem:$0x1D780] =	vst v63  }
0x23: {  	_ =	swait.ge [sflag:s18], $0x80  }
0x24: {  	[sflag:s18] =	ssyncset.done $0x0  }
0x25: {  	[sflag:s18] =	ssyncadd.s32 $0xFFFFFF80  }
0x26: {  	s23 =	simm.s32 $0x13B80;
	[bflag:$0x0] =	sbarrier.arrive $0xFFFF  }
0x27: {  	[tilespmem:s23], [sflag:$0x1] =	stream.indirect.gather [hbm4b:s1+s22], $0x80, s20, s22, $0xb8;
	[tilespmem:$0x1D780] =	vst v63  }
0x28: {  	s24 =	simm.s32 $0x13900;
	s25 =	simm.s32 $0x13A80  }
0x29: {  	[tilespmem:s24], [sflag:$0x2] =	stream.linear.gather [hbm4b:s10+s4], $0x80, $0x38;
	[tilespmem:$0x1D780] =	vst v63  }
0x2a: {  	s30 =	smov.u32 s16;
	s31 =	smov.u32 s15;
	s0 =	simm.s32 $0x0  }
0x2b: {  	[tilespmem:s25], [sflag:$0x2] =	stream.linear.gather [hbm4b:s11+s4], $0x80, $0x38;
	[tilespmem:$0x1D780] =	vst v63  }
.LBB2_2:
0x2c: {  	s2 =	smul.u32 $0xAB, s0;
	_ =	sdelay $0x1  }
0x2d: {  	s21 =	sshrl.u32 s2, $0x9  }
0x2e: {  	s21 =	sand.u32 $0x7F, s21  }
0x2f: {  	s21 =	smul.u32 $0x3, s21;
	_ =	sdelay $0x1  }
0x30: {  	_ =	swait.ge [sflag:s26], $0x3200;
	s21 =	ssub.s32 s0, s21  }
0x31: {  	p2 =	seq.s32 s0, $0x0;
	s24 =	sadd.s32 $0x2, s0;
	s21 =	sand.u32 $0xFF, s21  }
0x32: {  	[sflag:s26] =	ssyncset.done $0x0;
	p1 =	seq.s32 @!p2 s0, $0x63;
	s23 =	smul.u32 $0xD000, s21  }
0x33: {  	s25 =	sand.u32 $0xFF, s24;
	s2 =	sadd.s32 $0xAB, s2;
	[sflag:s26] =	ssyncadd.s32 $0xFFFFCE00  }
0x34: {  	s25 =	smul.u32 $0xAB, s25;
	s21 =	sshll.u32 s21, $0x7;
	s23 =	sshrl.u32 s23, $0x2  }
0x35: {  	s2 =	sshrl.u32 s2, $0x9;
	s21 =	sor.u32 $0x13A00, s21;
	s23 =	sadd.s32 $0x13B80, s23  }
0x36: {  	[spmem:s3] =	stream.indirect.scatter.add.f32 [tilespmem:s23], [sflag:$0x3], $0x80, s21, s22, $0xb8;
	[tilespmem:$0x1D780] =	vst v63  }
0x37: {  	p1 =	por p2, !p1;
	s2 =	sand.u32 $0x7F, s2;
	s23 =	simm.s32 @!p2 $0x3  }
0x38: {  	s25 =	sshrl.u32 s25, $0x9;
	s2 =	smul.u32 $0x3, s2;
	_ =	swait.ge @!p2 [sflag:s23], $0x3200  }
0x39: {  	s25 =	smul.u32 $0x3, s25;
	s21 =	sadd.s32 $0x1, s0;
	[sflag:s23] =	ssyncset.done @!p2 $0x0  }
0x3a: {  	s2 =	ssub.s32 s21, s2;
	[sflag:s23] =	ssyncadd.s32 @!p2 $0xFFFFCE00;
	s23 =	simm.s32 @p1 $0x2  }
0x3b: {  	s25 =	ssub.s32 s24, s25;
	s2 =	sand.u32 $0xFF, s2;
	_ =	swait.ge @p1 [sflag:s23], $0x80  }
0x3c: {  	s5 =	smul.u32 @p1 $0xD000, s2;
	s2 =	sshll.u32 @p1 s2, $0x7;
	[sflag:s23] =	ssyncset.done @p1 $0x0  }
0x3d: {  	p2 =	sgt.u32 @p1 s0, $0x61;
	s0 =	sand.u32 $0xFF, s25;
	[sflag:s23] =	ssyncadd.s32 @p1 $0xFFFFFF80  }
0x3e: {  	s2 =	sadd.s32 @p1 $0x13880, s2;
	p2 =	por p2, !p1;
	_ =	swait.ge @p1 [sflag:s23], $0x80  }
0x3f: {  	s5 =	sshrl.u32 @p1 s5, $0x2;
	s0 =	sshll.u32 @!p2 s0, $0x7;
	[sflag:s23] =	ssyncset.done @p1 $0x0  }
0x40: {  	s5 =	sadd.s32 @p1 $0x13B80, s5;
	[sflag:s23] =	ssyncadd.s32 @p1 $0xFFFFFF80;
	s23 =	simm.s32 @p1 $0x64  }
0x41: {  	[tilespmem:s5], [sflag:$0x1] =	stream.indirect.gather @p1 [hbm4b:s1+s23], $0x80, s2, s23, $0xb8;
	[tilespmem:$0x1D780] =	vst v63  }
0x42: {  	s2 =	sadd.s32 @!p2 $0x13880, s0;
	s5 =	simm.s32 @!p2 $0x0  }
0x43: {  	[tilespmem:s2], [sflag:$0x2] =	stream.linear.gather @!p2 [hbm4b:s31+s5], $0x80, $0x38;
	[tilespmem:$0x1D780] =	vst v63  }
0x44: {  	s0 =	sadd.s32 @!p2 $0x13A00, s0  }
0x45: {  	[tilespmem:s0], [sflag:$0x2] =	stream.linear.gather @!p2 [hbm4b:s30+s5], $0x80, $0x38;
	[tilespmem:$0x1D780] =	vst v63  }
0x46: {  	p2 =	sne.s32 @p1 s21, $0x64  }
0x47: {  	p2 =	por !p1, !p2  }
.Ltmp0:
0x48: {  	_ = 	snop;
	(pc) =	sbr.rel @!p2 .LBB2_2-.Ltmp0, $2  }
0x49: {  	_ =	sdelay $0x2  }
0x4a: {  	s31 =	sadd.s32 @p1 $0x10, s31;
	s30 =	sadd.s32 @p1 $0x10, s30;
	s0 =	smov.u32 s21  }
0x4b: {  	_ =	swait.ge [sflag:s28], $0x3200  }
0x4c: {  	[sflag:s28] =	ssyncset.done $0x0  }
0x4d: {  	[sflag:s28] =	ssyncadd.s32 $0xFFFFCE00  }
0x4e: {  	[bflag:$0x0] =	sbarrier.arrive $0xFFFF  }
0x4f: {  	[hbm:s12], [sflag:s6] =	dma.local [spmem:s17], $0x2700  }
0x50: {  	s29 =	sadd.s32 $0x1, s29;
	_ =	swait.ge [sflag:s18], $0x2700  }
0x51: {  	p1 =	sne.s32 s29, s14;
	[sflag:s18] =	ssyncset.done $0x0  }
.Ltmp1:
0x52: {  	s0 =	simm.s32 @!p0 $0x4;
	[sflag:s18] =	ssyncadd.s32 $0xFFFFD900;
	(pc) =	sbr.rel @p1 .LBB2_1-.Ltmp1, $4  }
0x53: {  	[hbm:s13], [sflag:s6] =	dma.local @!p0 [spmem:s19], $0x100  }
0x54: {  	_ =	swait.ge @!p0 [sflag:s0], $0x100  }
0x55: {  	[sflag:s0] =	ssyncset.done @!p0 $0x0  }
0x56: {  	[sflag:s0] =	ssyncadd.s32 @!p0 $0xFFFFFF00  }
0x57: {  	_ =	sfence.sel $0x180000  }
0x58: {  	[bflag:$0x0] =	sbarrier.arrive $0xFFFF  }
0x59: {  	_ =	strace $0x90000050  }
0x5a: {  	s0 =	stileid.u32;
	[bflag:$0x2] =	sbarrier.arrive $0xFFFF  }
0x5b: {  	p0 =	sne.s32 s0, $0x0;
	s0 =	rddreg [dreg:$0x3]  }
0x5c: {  	s0 =	sadd.s32 @!p0 $0x100000, s0  }
0x5d: {  	[sflag:s0] =	ssyncadd.tile.s32 @!p0 $0x1;
	_ =	shalt  }
.Lfunc_end2:
_tile_overlayer_lowered:
.L_overlay_start_2:
0x5e: {  	(tag) =	ssettag $0x2  }
0x5f: {  	s0 =	rddreg [dreg:$0x0];
	s2 =	stileid.u32  }
0x60: {  	s1 =	rddreg [dreg:$0x1];
	p0 =	sne.s32 s2, $0x0  }
0x61: {  	s3 =	rddreg [dreg:$0x2];
	[bflag:$0x3] =	sbarrier.arrive $0xFFFF;
	s2 =	simm.s32 @!p0 $0x1C04  }
0x62: {  	[timem:s3], [sflag:s2] =	dma.local @!p0 [hbm:s0], s1  }
0x63: {  	s0 =	simm.s32 @!p0 $0x4  }
0x64: {  	_ =	swait.ge @!p0 [sflag:s0], s1  }
0x65: {  	s1 =	ssub.s32 @!p0 $0x0, s1;
	[sflag:s0] =	ssyncset.done @!p0 $0x0  }
0x66: {  	[sflag:s0] =	ssyncadd.s32 @!p0 s1  }
0x67: {  	[bflag:$0x3] =	sbarrier.arrive $0xFFFF  }
0x68: {  	_ =	shalt  }

</sc_bundles>
